<compile_context>
chip_gen: v7x
topology: tpu7x:2x2x1
jax: 0.10.2.dev20260603
libtpu: 0.0.44.dev20260713+nightly
codegen_flags: <defaults>
</compile_context>

<pallas_src>
import dataclasses
import functools

import jax
import jax.numpy as jnp
from jax import lax
from jax.experimental import pallas as pl
from jax.experimental.pallas import tpu as pltpu
from jax.experimental.pallas import tpu_sc as plsc

K_FRAC = 0.5

_NC = 2
_NS = 16
_NW = _NC * _NS
_L = 16
_ROWS_PER_CHUNK = 128


def _sc_compiler_params():
    cp = pltpu.CompilerParams()
    if "needs_layout_passes" in pltpu.CompilerParams.__dataclass_fields__:
        cp = dataclasses.replace(cp, needs_layout_passes=False)
    return cp


def _approx_weights(y, idx_flat, n_subs_pad, sub_size):
    per_w = n_subs_pad // _NW
    groups = per_w // _L
    n_nodes = y.shape[0]
    mesh = plsc.VectorSubcoreMesh(core_axis_name="c", subcore_axis_name="s")

    @functools.partial(
        pl.kernel,
        out_type=jax.ShapeDtypeStruct((n_subs_pad,), jnp.float32),
        mesh=mesh,
        scratch_types=[
            pltpu.VMEM((n_nodes,), jnp.float32),
            pltpu.VMEM((sub_size * per_w,), jnp.int32),
            pltpu.VMEM((per_w,), jnp.float32),
            pltpu.SemaphoreType.DMA,
        ],
        compiler_params=_sc_compiler_params(),
    )
    def k(y_hbm, idx_hbm, out_hbm, y_v, idx_v, acc_v, sem):
        wid = lax.axis_index("s") * _NC + lax.axis_index("c")
        pltpu.async_copy(y_hbm, y_v, sem).wait()
        pltpu.sync_copy(idx_hbm.at[pl.ds(wid * sub_size * per_w,
                                         sub_size * per_w)], idx_v)

        @pl.loop(0, groups)
        def _(g):
            col = g * _L
            acc = plsc.load_gather(y_v, [idx_v[pl.ds(col, _L)]])
            for j in range(1, sub_size):
                acc = acc + plsc.load_gather(
                    y_v, [idx_v[pl.ds(j * per_w + col, _L)]])
            acc_v[pl.ds(col, _L)] = acc

        pltpu.sync_copy(acc_v, out_hbm.at[pl.ds(wid * per_w, per_w)])

    return k(y, idx_flat)


_NB = 4
_CHUNK = 64


def _row_gather(x, flat_idx):
    n_rows = flat_idx.shape[0]
    in_dim = x.shape[1]
    per_w = n_rows // _NW
    n_chunks = per_w // _CHUNK
    assert n_chunks % _NB == 0
    mesh = plsc.VectorSubcoreMesh(core_axis_name="c", subcore_axis_name="s")

    @functools.partial(
        pl.kernel,
        out_type=jax.ShapeDtypeStruct((n_rows, in_dim), jnp.float32),
        mesh=mesh,
        scratch_types=[
            pltpu.VMEM((_NB, _CHUNK), jnp.int32),
            pltpu.VMEM((_NB, _CHUNK, in_dim), jnp.float32),
        ] + [pltpu.SemaphoreType.DMA] * (2 * _NB),
    )
    def k(x_hbm, idx_hbm, out_hbm, idx_v, rows_v, *sems):
        gsems, wsems = sems[:_NB], sems[_NB:]
        wid = lax.axis_index("s") * _NC + lax.axis_index("c")
        base = wid * per_w

        for b in range(_NB):
            off = base + b * _CHUNK
            pltpu.sync_copy(idx_hbm.at[pl.ds(off, _CHUNK)], idx_v.at[b])
            pltpu.async_copy(x_hbm.at[idx_v.at[b]], rows_v.at[b], gsems[b])

        @pl.loop(0, n_chunks // _NB)
        def _(it):
            ch = it * _NB
            for b in range(_NB):
                off = base + (ch + b) * _CHUNK
                pltpu.make_async_copy(x_hbm.at[idx_v.at[b]], rows_v.at[b],
                                      gsems[b]).wait()
                pltpu.async_copy(rows_v.at[b], out_hbm.at[pl.ds(off, _CHUNK)],
                                 wsems[b])
                nxt = ch + _NB + b

                @pl.when(nxt < n_chunks)
                def _():
                    noff = base + nxt * _CHUNK
                    pltpu.sync_copy(idx_hbm.at[pl.ds(noff, _CHUNK)],
                                    idx_v.at[b])
                    pltpu.make_async_copy(rows_v.at[b],
                                          out_hbm.at[pl.ds(off, _CHUNK)],
                                          wsems[b]).wait()
                    pltpu.async_copy(x_hbm.at[idx_v.at[b]], rows_v.at[b],
                                     gsems[b])

                @pl.when(nxt >= n_chunks)
                def _():
                    pltpu.make_async_copy(rows_v.at[b],
                                          out_hbm.at[pl.ds(off, _CHUNK)],
                                          wsems[b]).wait()

    return k(x, flat_idx)


def kernel(x, subs, W, b):
    n_subs, sub_size = subs.shape
    n_nodes, in_dim = x.shape
    kcount = max(2, int(K_FRAC * n_subs))
    ncand = ((kcount + 128 + 511) // 512) * 512
    subs32 = subs.astype(jnp.int32)

    y = (x @ W.T).reshape(-1)
    n_subs_pad = ((n_subs + _NW * _L - 1) // (_NW * _L)) * (_NW * _L)
    padded = jnp.concatenate(
        [subs32, jnp.zeros((n_subs_pad - n_subs, sub_size), jnp.int32)])
    per_w = n_subs_pad // _NW
    idx_flat = padded.reshape(_NW, per_w, sub_size).transpose(0, 2, 1).reshape(-1)
    wb = _approx_weights(y, idx_flat, n_subs_pad, sub_size)[:n_subs]
    _, cand_idx = lax.top_k(wb, ncand)

    cand_subs = jnp.take(subs32, cand_idx, axis=0)
    rows = _row_gather(x, cand_subs.reshape(-1))
    cand_repr = rows.reshape(ncand, sub_size, in_dim).sum(axis=1)
    cand_w = (cand_repr @ W.T + b).squeeze(-1)
    cand_scores = jax.nn.sigmoid(cand_w)

    full = jnp.full((n_subs,), -1.0, jnp.float32).at[cand_idx].set(cand_scores)
    _, idx = lax.top_k(full, kcount)
    selected_subs = jnp.take(subs, idx, axis=0)
    pos = jnp.zeros((n_subs,), jnp.int32).at[cand_idx].set(
        jnp.arange(ncand, dtype=jnp.int32))
    selected_sub_representations = jnp.take(cand_repr, jnp.take(pos, idx),
                                            axis=0)
    return (selected_subs, selected_sub_representations)

# --- scband reference (transcript-rebuilt; emitter-appended) ---
"""Pipeline reference for scband-top-k-subs-55155970015737 (READ-ONLY COPY).

The authoritative reference and input builder live on the scoring server;
editing this copy changes nothing except your own understanding.
"""

import jax, jax.numpy as jnp
import numpy as np

K_FRAC = 0.5
IN_DIM = 256
N_NODES = 50000
N_SUBS = 10000
SUB_SIZE = 16


def setup_inputs(seed: int = 0) -> dict:
    key = jax.random.key(seed)
    k1, k2, k3, k4 = jax.random.split(key, 4)
    x = jax.random.normal(k1, (N_NODES, IN_DIM), dtype=jnp.float32)
    subs = jax.random.randint(k2, (N_SUBS, SUB_SIZE), 0, N_NODES, dtype=jnp.int64)
    # nn.Linear(in_dim, 1): weight [1, in_dim], bias [1]
    bound = 1.0 / np.sqrt(IN_DIM)
    W = jax.random.uniform(k3, (1, IN_DIM), dtype=jnp.float32, minval=-bound, maxval=bound)
    b = jax.random.uniform(k4, (1,), dtype=jnp.float32, minval=-bound, maxval=bound)
    return {"x": x, "subs": subs, "W": W, "b": b}


def reference(x, subs, W, b):
    # sub_representations[i] = sum over nodes in sub i of x rows (gather + segment-style reduce)
    sub_repr = jnp.take(x, subs, axis=0).sum(axis=1)  # [N_SUBS, IN_DIM]
    # dropout p=0 -> identity
    weights = (sub_repr @ W.T + b).squeeze(-1)  # [N_SUBS]
    scores = jax.nn.sigmoid(weights)
    kcount = max(2, int(K_FRAC * subs.shape[0]))
    values, idx = jax.lax.top_k(scores, kcount)
    selected_subs = jnp.take(subs, idx, axis=0)
    selected_sub_representations = jnp.take(sub_repr, idx, axis=0)
    return (selected_subs, selected_sub_representations)

if __name__ == "__main__":
    import jax
    _d = setup_inputs()
    print(jax.jit(kernel)(*tuple(_d.values())))

</pallas_src>

<mosaic_0001>
#map = affine_map<(d0, d1) -> (0)>
module attributes {stable_mosaic.version = 14 : i64} {
  func.func @k(%arg0: i32, %arg1: i32, %arg2: memref<50000xf32, #tpu.memory_space<hbm>>, %arg3: memref<163840xi32, #tpu.memory_space<hbm>>, %arg4: memref<10240xf32, #tpu.memory_space<hbm>>, %arg5: memref<50000xf32, #tpu.memory_space<vmem>>, %arg6: memref<5120xi32, #tpu.memory_space<vmem>>, %arg7: memref<320xf32, #tpu.memory_space<vmem>>, %arg8: memref<!tpu.dma_semaphore, #tpu.memory_space<semaphore_mem>>) attributes {dimension_semantics = [#tpu.dimension_semantics<core_parallel>, #tpu.dimension_semantics<subcore_parallel>], iteration_bounds = array<i64: 2, 16>, scalar_prefetch = 0 : i64, scratch_operands = 4 : i64, tpu.core_type = #tpu.core_type<sc_vector_subcore>, window_params = [{transform_indices = #map}, {transform_indices = #map}, {transform_indices = #map}]} {
    %mul3A = arith.constant 2 : i32
    %mul3A_0 = arith.muli %arg1, %mul3A : i32
    %add3A = arith.addi %mul3A_0, %arg0 : i32
    tpu.enqueue_dma source(%arg2 : memref<50000xf32, #tpu.memory_space<hbm>>) target(%arg5 : memref<50000xf32, #tpu.memory_space<vmem>>) target_semaphore(%arg8 : memref<!tpu.dma_semaphore, #tpu.memory_space<semaphore_mem>>)
    tpu.wait_dma2 semaphore(%arg8 : memref<!tpu.dma_semaphore, #tpu.memory_space<semaphore_mem>>) src(%arg2 : memref<50000xf32, #tpu.memory_space<hbm>>) dst(%arg5 : memref<50000xf32, #tpu.memory_space<vmem>>)
    %mul3A_1 = arith.constant 16 : i32
    %mul3A_2 = arith.muli %add3A, %mul3A_1 : i32
    %mul3A_3 = arith.constant 320 : i32
    %mul3A_4 = arith.muli %mul3A_2, %mul3A_3 : i32
    "tpu.region"() ({
      %run_scoped3A = tpu.sem_alloc : memref<!tpu.dma_semaphore, #tpu.memory_space<semaphore_mem>>
      %dma_start3A = tpu.memref_slice %arg3[%mul3A_4] : memref<163840xi32, #tpu.memory_space<hbm>> -> memref<5120xi32, #tpu.memory_space<hbm>>
      %dma_start3A_11 = tpu.memref_slice %arg3[%mul3A_4] : memref<163840xi32, #tpu.memory_space<hbm>> -> memref<5120xi32, #tpu.memory_space<hbm>>
      tpu.enqueue_dma source(%dma_start3A_11 : memref<5120xi32, #tpu.memory_space<hbm>>) target(%arg6 : memref<5120xi32, #tpu.memory_space<vmem>>) target_semaphore(%run_scoped3A : memref<!tpu.dma_semaphore, #tpu.memory_space<semaphore_mem>>)
      %dma_wait3A = tpu.memref_slice %arg3[%mul3A_4] : memref<163840xi32, #tpu.memory_space<hbm>> -> memref<5120xi32, #tpu.memory_space<hbm>>
      %dma_wait3A_12 = tpu.memref_slice %arg3[%mul3A_4] : memref<163840xi32, #tpu.memory_space<hbm>> -> memref<5120xi32, #tpu.memory_space<hbm>>
      tpu.wait_dma2 semaphore(%run_scoped3A : memref<!tpu.dma_semaphore, #tpu.memory_space<semaphore_mem>>) src(%dma_wait3A_12 : memref<5120xi32, #tpu.memory_space<hbm>>) dst(%arg6 : memref<5120xi32, #tpu.memory_space<vmem>>)
      tpu.yield
    }) : () -> ()
    %scan3A = arith.constant 0 : i32
    %scan3A_5 = arith.constant 20 : i32
    %scan3A_6 = arith.addi %scan3A, %scan3A_5 : i32
    %scan3A_7 = arith.constant 1 : i32
    scf.for %scan3A_11 = %scan3A to %scan3A_6 step %scan3A_7  : i32 {
      %mul3A_12 = arith.constant 1 : i32
      %mul3A_13 = arith.muli %scan3A_11, %mul3A_12 : i32
      %add3A_14 = arith.constant 0 : i32
      %add3A_15 = arith.addi %add3A_14, %mul3A_13 : i32
      %mul3A_16 = arith.constant 16 : i32
      %mul3A_17 = arith.muli %add3A_15, %mul3A_16 : i32
      %get3A = arith.index_cast %mul3A_17 : i32 to index
      %get3A_18 = tpu.vector_load %arg6[%get3A] {strides = array<i32>} : memref<5120xi32, #tpu.memory_space<vmem>>, vector<16xi32>,
      %gather3A = tpu.vector_load_idx %arg5[%get3A_18] : memref<50000xf32, #tpu.memory_space<vmem>>[vector<16xi32>], vector<16xf32>,
      %add3A_19 = arith.constant 320 : i32
      %add3A_20 = arith.addi %add3A_19, %mul3A_17 : i32
      %get3A_21 = arith.index_cast %add3A_20 : i32 to index
      %get3A_22 = tpu.vector_load %arg6[%get3A_21] {strides = array<i32>} : memref<5120xi32, #tpu.memory_space<vmem>>, vector<16xi32>,
      %gather3A_23 = tpu.vector_load_idx %arg5[%get3A_22] : memref<50000xf32, #tpu.memory_space<vmem>>[vector<16xi32>], vector<16xf32>,
      %add3A_24 = arith.addf %gather3A, %gather3A_23 : vector<16xf32>
      %add3A_25 = arith.constant 640 : i32
      %add3A_26 = arith.addi %add3A_25, %mul3A_17 : i32
      %get3A_27 = arith.index_cast %add3A_26 : i32 to index
      %get3A_28 = tpu.vector_load %arg6[%get3A_27] {strides = array<i32>} : memref<5120xi32, #tpu.memory_space<vmem>>, vector<16xi32>,
      %gather3A_29 = tpu.vector_load_idx %arg5[%get3A_28] : memref<50000xf32, #tpu.memory_space<vmem>>[vector<16xi32>], vector<16xf32>,
      %add3A_30 = arith.addf %add3A_24, %gather3A_29 : vector<16xf32>
      %add3A_31 = arith.constant 960 : i32
      %add3A_32 = arith.addi %add3A_31, %mul3A_17 : i32
      %get3A_33 = arith.index_cast %add3A_32 : i32 to index
      %get3A_34 = tpu.vector_load %arg6[%get3A_33] {strides = array<i32>} : memref<5120xi32, #tpu.memory_space<vmem>>, vector<16xi32>,
      %gather3A_35 = tpu.vector_load_idx %arg5[%get3A_34] : memref<50000xf32, #tpu.memory_space<vmem>>[vector<16xi32>], vector<16xf32>,
      %add3A_36 = arith.addf %add3A_30, %gather3A_35 : vector<16xf32>
      %add3A_37 = arith.constant 1280 : i32
      %add3A_38 = arith.addi %add3A_37, %mul3A_17 : i32
      %get3A_39 = arith.index_cast %add3A_38 : i32 to index
      %get3A_40 = tpu.vector_load %arg6[%get3A_39] {strides = array<i32>} : memref<5120xi32, #tpu.memory_space<vmem>>, vector<16xi32>,
      %gather3A_41 = tpu.vector_load_idx %arg5[%get3A_40] : memref<50000xf32, #tpu.memory_space<vmem>>[vector<16xi32>], vector<16xf32>,
      %add3A_42 = arith.addf %add3A_36, %gather3A_41 : vector<16xf32>
      %add3A_43 = arith.constant 1600 : i32
      %add3A_44 = arith.addi %add3A_43, %mul3A_17 : i32
      %get3A_45 = arith.index_cast %add3A_44 : i32 to index
      %get3A_46 = tpu.vector_load %arg6[%get3A_45] {strides = array<i32>} : memref<5120xi32, #tpu.memory_space<vmem>>, vector<16xi32>,
      %gather3A_47 = tpu.vector_load_idx %arg5[%get3A_46] : memref<50000xf32, #tpu.memory_space<vmem>>[vector<16xi32>], vector<16xf32>,
      %add3A_48 = arith.addf %add3A_42, %gather3A_47 : vector<16xf32>
      %add3A_49 = arith.constant 1920 : i32
      %add3A_50 = arith.addi %add3A_49, %mul3A_17 : i32
      %get3A_51 = arith.index_cast %add3A_50 : i32 to index
      %get3A_52 = tpu.vector_load %arg6[%get3A_51] {strides = array<i32>} : memref<5120xi32, #tpu.memory_space<vmem>>, vector<16xi32>,
      %gather3A_53 = tpu.vector_load_idx %arg5[%get3A_52] : memref<50000xf32, #tpu.memory_space<vmem>>[vector<16xi32>], vector<16xf32>,
      %add3A_54 = arith.addf %add3A_48, %gather3A_53 : vector<16xf32>
      %add3A_55 = arith.constant 2240 : i32
      %add3A_56 = arith.addi %add3A_55, %mul3A_17 : i32
      %get3A_57 = arith.index_cast %add3A_56 : i32 to index
      %get3A_58 = tpu.vector_load %arg6[%get3A_57] {strides = array<i32>} : memref<5120xi32, #tpu.memory_space<vmem>>, vector<16xi32>,
      %gather3A_59 = tpu.vector_load_idx %arg5[%get3A_58] : memref<50000xf32, #tpu.memory_space<vmem>>[vector<16xi32>], vector<16xf32>,
      %add3A_60 = arith.addf %add3A_54, %gather3A_59 : vector<16xf32>
      %add3A_61 = arith.constant 2560 : i32
      %add3A_62 = arith.addi %add3A_61, %mul3A_17 : i32
      %get3A_63 = arith.index_cast %add3A_62 : i32 to index
      %get3A_64 = tpu.vector_load %arg6[%get3A_63] {strides = array<i32>} : memref<5120xi32, #tpu.memory_space<vmem>>, vector<16xi32>,
      %gather3A_65 = tpu.vector_load_idx %arg5[%get3A_64] : memref<50000xf32, #tpu.memory_space<vmem>>[vector<16xi32>], vector<16xf32>,
      %add3A_66 = arith.addf %add3A_60, %gather3A_65 : vector<16xf32>
      %add3A_67 = arith.constant 2880 : i32
      %add3A_68 = arith.addi %add3A_67, %mul3A_17 : i32
      %get3A_69 = arith.index_cast %add3A_68 : i32 to index
      %get3A_70 = tpu.vector_load %arg6[%get3A_69] {strides = array<i32>} : memref<5120xi32, #tpu.memory_space<vmem>>, vector<16xi32>,
      %gather3A_71 = tpu.vector_load_idx %arg5[%get3A_70] : memref<50000xf32, #tpu.memory_space<vmem>>[vector<16xi32>], vector<16xf32>,
      %add3A_72 = arith.addf %add3A_66, %gather3A_71 : vector<16xf32>
      %add3A_73 = arith.constant 3200 : i32
      %add3A_74 = arith.addi %add3A_73, %mul3A_17 : i32
      %get3A_75 = arith.index_cast %add3A_74 : i32 to index
      %get3A_76 = tpu.vector_load %arg6[%get3A_75] {strides = array<i32>} : memref<5120xi32, #tpu.memory_space<vmem>>, vector<16xi32>,
      %gather3A_77 = tpu.vector_load_idx %arg5[%get3A_76] : memref<50000xf32, #tpu.memory_space<vmem>>[vector<16xi32>], vector<16xf32>,
      %add3A_78 = arith.addf %add3A_72, %gather3A_77 : vector<16xf32>
      %add3A_79 = arith.constant 3520 : i32
      %add3A_80 = arith.addi %add3A_79, %mul3A_17 : i32
      %get3A_81 = arith.index_cast %add3A_80 : i32 to index
      %get3A_82 = tpu.vector_load %arg6[%get3A_81] {strides = array<i32>} : memref<5120xi32, #tpu.memory_space<vmem>>, vector<16xi32>,
      %gather3A_83 = tpu.vector_load_idx %arg5[%get3A_82] : memref<50000xf32, #tpu.memory_space<vmem>>[vector<16xi32>], vector<16xf32>,
      %add3A_84 = arith.addf %add3A_78, %gather3A_83 : vector<16xf32>
      %add3A_85 = arith.constant 3840 : i32
      %add3A_86 = arith.addi %add3A_85, %mul3A_17 : i32
      %get3A_87 = arith.index_cast %add3A_86 : i32 to index
      %get3A_88 = tpu.vector_load %arg6[%get3A_87] {strides = array<i32>} : memref<5120xi32, #tpu.memory_space<vmem>>, vector<16xi32>,
      %gather3A_89 = tpu.vector_load_idx %arg5[%get3A_88] : memref<50000xf32, #tpu.memory_space<vmem>>[vector<16xi32>], vector<16xf32>,
      %add3A_90 = arith.addf %add3A_84, %gather3A_89 : vector<16xf32>
      %add3A_91 = arith.constant 4160 : i32
      %add3A_92 = arith.addi %add3A_91, %mul3A_17 : i32
      %get3A_93 = arith.index_cast %add3A_92 : i32 to index
      %get3A_94 = tpu.vector_load %arg6[%get3A_93] {strides = array<i32>} : memref<5120xi32, #tpu.memory_space<vmem>>, vector<16xi32>,
      %gather3A_95 = tpu.vector_load_idx %arg5[%get3A_94] : memref<50000xf32, #tpu.memory_space<vmem>>[vector<16xi32>], vector<16xf32>,
      %add3A_96 = arith.addf %add3A_90, %gather3A_95 : vector<16xf32>
      %add3A_97 = arith.constant 4480 : i32
      %add3A_98 = arith.addi %add3A_97, %mul3A_17 : i32
      %get3A_99 = arith.index_cast %add3A_98 : i32 to index
      %get3A_100 = tpu.vector_load %arg6[%get3A_99] {strides = array<i32>} : memref<5120xi32, #tpu.memory_space<vmem>>, vector<16xi32>,
      %gather3A_101 = tpu.vector_load_idx %arg5[%get3A_100] : memref<50000xf32, #tpu.memory_space<vmem>>[vector<16xi32>], vector<16xf32>,
      %add3A_102 = arith.addf %add3A_96, %gather3A_101 : vector<16xf32>
      %add3A_103 = arith.constant 4800 : i32
      %add3A_104 = arith.addi %add3A_103, %mul3A_17 : i32
      %get3A_105 = arith.index_cast %add3A_104 : i32 to index
      %get3A_106 = tpu.vector_load %arg6[%get3A_105] {strides = array<i32>} : memref<5120xi32, #tpu.memory_space<vmem>>, vector<16xi32>,
      %gather3A_107 = tpu.vector_load_idx %arg5[%get3A_106] : memref<50000xf32, #tpu.memory_space<vmem>>[vector<16xi32>], vector<16xf32>,
      %add3A_108 = arith.addf %add3A_102, %gather3A_107 : vector<16xf32>
      %swap3A = arith.index_cast %mul3A_17 : i32 to index
      %swap3A_109 = tpu.vector_load %arg7[%swap3A] {strides = array<i32>} : memref<320xf32, #tpu.memory_space<vmem>>, vector<16xf32>,
      tpu.vector_store %arg7[%swap3A], %add3A_108 {strides = array<i32>} : memref<320xf32, #tpu.memory_space<vmem>>, vector<16xf32>,
    }
    %scan3A_8 = arith.constant 20 : i32
    %mul3A_9 = arith.constant 320 : i32
    %mul3A_10 = arith.muli %add3A, %mul3A_9 : i32
    "tpu.region"() ({
      %run_scoped3A = tpu.sem_alloc : memref<!tpu.dma_semaphore, #tpu.memory_space<semaphore_mem>>
      %dma_start3A = tpu.memref_slice %arg4[%mul3A_10] : memref<10240xf32, #tpu.memory_space<hbm>> -> memref<320xf32, #tpu.memory_space<hbm>>
      %dma_start3A_11 = tpu.memref_slice %arg4[%mul3A_10] : memref<10240xf32, #tpu.memory_space<hbm>> -> memref<320xf32, #tpu.memory_space<hbm>>
      tpu.enqueue_dma source(%arg7 : memref<320xf32, #tpu.memory_space<vmem>>) target(%dma_start3A_11 : memref<320xf32, #tpu.memory_space<hbm>>) target_semaphore(%run_scoped3A : memref<!tpu.dma_semaphore, #tpu.memory_space<semaphore_mem>>)
      %dma_wait3A = tpu.memref_slice %arg4[%mul3A_10] : memref<10240xf32, #tpu.memory_space<hbm>> -> memref<320xf32, #tpu.memory_space<hbm>>
      %dma_wait3A_12 = tpu.memref_slice %arg4[%mul3A_10] : memref<10240xf32, #tpu.memory_space<hbm>> -> memref<320xf32, #tpu.memory_space<hbm>>
      tpu.wait_dma2 semaphore(%run_scoped3A : memref<!tpu.dma_semaphore, #tpu.memory_space<semaphore_mem>>) src(%arg7 : memref<320xf32, #tpu.memory_space<vmem>>) dst(%dma_wait3A_12 : memref<320xf32, #tpu.memory_space<hbm>>)
      tpu.yield
    }) : () -> ()
    return
  }
}

#map = affine_map<(d0, d1) -> (0, 0)>
#map1 = affine_map<(d0, d1) -> (0)>
module attributes {stable_mosaic.version = 14 : i64} {
  func.func @k(%arg0: i32, %arg1: i32, %arg2: memref<50000x256xf32, #tpu.memory_space<hbm>>, %arg3: memref<90112xi32, #tpu.memory_space<hbm>>, %arg4: memref<90112x256xf32, #tpu.memory_space<hbm>>, %arg5: memref<4x64xi32, #tpu.memory_space<vmem>>, %arg6: memref<4x64x256xf32, #tpu.memory_space<vmem>>, %arg7: memref<!tpu.dma_semaphore, #tpu.memory_space<semaphore_mem>>, %arg8: memref<!tpu.dma_semaphore, #tpu.memory_space<semaphore_mem>>, %arg9: memref<!tpu.dma_semaphore, #tpu.memory_space<semaphore_mem>>, %arg10: memref<!tpu.dma_semaphore, #tpu.memory_space<semaphore_mem>>, %arg11: memref<!tpu.dma_semaphore, #tpu.memory_space<semaphore_mem>>, %arg12: memref<!tpu.dma_semaphore, #tpu.memory_space<semaphore_mem>>, %arg13: memref<!tpu.dma_semaphore, #tpu.memory_space<semaphore_mem>>, %arg14: memref<!tpu.dma_semaphore, #tpu.memory_space<semaphore_mem>>) attributes {dimension_semantics = [#tpu.dimension_semantics<core_parallel>, #tpu.dimension_semantics<subcore_parallel>], iteration_bounds = array<i64: 2, 16>, scalar_prefetch = 0 : i64, scratch_operands = 10 : i64, tpu.core_type = #tpu.core_type<sc_vector_subcore>, window_params = [{transform_indices = #map}, {transform_indices = #map1}, {transform_indices = #map}]} {
    %mul3A = arith.constant 2 : i32
    %mul3A_0 = arith.muli %arg1, %mul3A : i32
    %add3A = arith.addi %mul3A_0, %arg0 : i32
    %mul3A_1 = arith.constant 2816 : i32
    %mul3A_2 = arith.muli %add3A, %mul3A_1 : i32
    %add3A_3 = arith.constant 0 : i32
    %add3A_4 = arith.addi %mul3A_2, %add3A_3 : i32
    %run_scoped3A = arith.constant 0 : i32
    "tpu.region"() ({
      %run_scoped3A_65 = tpu.sem_alloc : memref<!tpu.dma_semaphore, #tpu.memory_space<semaphore_mem>>
      %dma_start3A_66 = arith.constant 0 : i32
      %dma_start3A_67 = tpu.memref_slice %arg5[%run_scoped3A, %dma_start3A_66] : memref<4x64xi32, #tpu.memory_space<vmem>> -> memref<1x64xi32, #tpu.memory_space<vmem>>
      %dma_start3A_68 = tpu.memref_squeeze %dma_start3A_67 : memref<1x64xi32, #tpu.memory_space<vmem>> -> memref<64xi32, #tpu.memory_space<vmem>>
      %dma_start3A_69 = tpu.memref_slice %arg3[%add3A_4] : memref<90112xi32, #tpu.memory_space<hbm>> -> memref<64xi32, #tpu.memory_space<hbm>>
      %dma_start3A_70 = arith.constant 0 : i32
      %dma_start3A_71 = tpu.memref_slice %arg5[%run_scoped3A, %dma_start3A_70] : memref<4x64xi32, #tpu.memory_space<vmem>> -> memref<1x64xi32, #tpu.memory_space<vmem>>
      %dma_start3A_72 = tpu.memref_squeeze %dma_start3A_71 : memref<1x64xi32, #tpu.memory_space<vmem>> -> memref<64xi32, #tpu.memory_space<vmem>>
      %dma_start3A_73 = tpu.memref_slice %arg3[%add3A_4] : memref<90112xi32, #tpu.memory_space<hbm>> -> memref<64xi32, #tpu.memory_space<hbm>>
      tpu.enqueue_dma source(%dma_start3A_73 : memref<64xi32, #tpu.memory_space<hbm>>) target(%dma_start3A_72 : memref<64xi32, #tpu.memory_space<vmem>>) target_semaphore(%run_scoped3A_65 : memref<!tpu.dma_semaphore, #tpu.memory_space<semaphore_mem>>)
      %dma_wait3A = arith.constant 0 : i32
      %dma_wait3A_74 = tpu.memref_slice %arg5[%run_scoped3A, %dma_wait3A] : memref<4x64xi32, #tpu.memory_space<vmem>> -> memref<1x64xi32, #tpu.memory_space<vmem>>
      %dma_wait3A_75 = tpu.memref_squeeze %dma_wait3A_74 : memref<1x64xi32, #tpu.memory_space<vmem>> -> memref<64xi32, #tpu.memory_space<vmem>>
      %dma_wait3A_76 = tpu.memref_slice %arg3[%add3A_4] : memref<90112xi32, #tpu.memory_space<hbm>> -> memref<64xi32, #tpu.memory_space<hbm>>
      %dma_wait3A_77 = arith.constant 0 : i32
      %dma_wait3A_78 = tpu.memref_slice %arg5[%run_scoped3A, %dma_wait3A_77] : memref<4x64xi32, #tpu.memory_space<vmem>> -> memref<1x64xi32, #tpu.memory_space<vmem>>
      %dma_wait3A_79 = tpu.memref_squeeze %dma_wait3A_78 : memref<1x64xi32, #tpu.memory_space<vmem>> -> memref<64xi32, #tpu.memory_space<vmem>>
      %dma_wait3A_80 = tpu.memref_slice %arg3[%add3A_4] : memref<90112xi32, #tpu.memory_space<hbm>> -> memref<64xi32, #tpu.memory_space<hbm>>
      tpu.wait_dma2 semaphore(%run_scoped3A_65 : memref<!tpu.dma_semaphore, #tpu.memory_space<semaphore_mem>>) src(%dma_wait3A_80 : memref<64xi32, #tpu.memory_space<hbm>>) dst(%dma_wait3A_79 : memref<64xi32, #tpu.memory_space<vmem>>)
      tpu.yield
    }) : () -> ()
    %dma_start3A = arith.constant 0 : i32
    %dma_start3A_5 = arith.constant 0 : i32
    %dma_start3A_6 = arith.constant 0 : i32
    %dma_start3A_7 = arith.constant 0 : i32
    %dma_start3A_8 = tpu.memref_slice %arg6[%dma_start3A_5, %dma_start3A_6, %dma_start3A_7] : memref<4x64x256xf32, #tpu.memory_space<vmem>> -> memref<1x64x256xf32, #tpu.memory_space<vmem>>
    %dma_start3A_9 = tpu.memref_squeeze %dma_start3A_8 : memref<1x64x256xf32, #tpu.memory_space<vmem>> -> memref<64x256xf32, #tpu.memory_space<vmem>>
    %dma_start3A_10 = arith.constant 0 : i32
    %dma_start3A_11 = tpu.memref_slice %arg5[%dma_start3A, %dma_start3A_10] : memref<4x64xi32, #tpu.memory_space<vmem>> -> memref<1x64xi32, #tpu.memory_space<vmem>>
    %dma_start3A_12 = tpu.memref_squeeze %dma_start3A_11 : memref<1x64xi32, #tpu.memory_space<vmem>> -> memref<64xi32, #tpu.memory_space<vmem>>
    %dma_start3A_13 = arith.constant 0 : i32
    %dma_start3A_14 = arith.constant 0 : i32
    %dma_start3A_15 = tpu.memref_slice %arg2[%dma_start3A_13, %dma_start3A_14] : memref<50000x256xf32, #tpu.memory_space<hbm>> -> memref<50000x256xf32, #tpu.memory_space<hbm>>
    tpu.enqueue_indirect_dma source(%dma_start3A_15 : memref<50000x256xf32, #tpu.memory_space<hbm>>) target(%dma_start3A_9 : memref<64x256xf32, #tpu.memory_space<vmem>>) offsets(%dma_start3A_12 : memref<64xi32, #tpu.memory_space<vmem>>) semaphore(%arg7 : memref<!tpu.dma_semaphore, #tpu.memory_space<semaphore_mem>>)
    %add3A_16 = arith.constant 64 : i32
    %add3A_17 = arith.addi %mul3A_2, %add3A_16 : i32
    %run_scoped3A_18 = arith.constant 1 : i32
    "tpu.region"() ({
      %run_scoped3A_65 = tpu.sem_alloc : memref<!tpu.dma_semaphore, #tpu.memory_space<semaphore_mem>>
      %dma_start3A_66 = arith.constant 0 : i32
      %dma_start3A_67 = tpu.memref_slice %arg5[%run_scoped3A_18, %dma_start3A_66] : memref<4x64xi32, #tpu.memory_space<vmem>> -> memref<1x64xi32, #tpu.memory_space<vmem>>
      %dma_start3A_68 = tpu.memref_squeeze %dma_start3A_67 : memref<1x64xi32, #tpu.memory_space<vmem>> -> memref<64xi32, #tpu.memory_space<vmem>>
      %dma_start3A_69 = tpu.memref_slice %arg3[%add3A_17] : memref<90112xi32, #tpu.memory_space<hbm>> -> memref<64xi32, #tpu.memory_space<hbm>>
      %dma_start3A_70 = arith.constant 0 : i32
      %dma_start3A_71 = tpu.memref_slice %arg5[%run_scoped3A_18, %dma_start3A_70] : memref<4x64xi32, #tpu.memory_space<vmem>> -> memref<1x64xi32, #tpu.memory_space<vmem>>
      %dma_start3A_72 = tpu.memref_squeeze %dma_start3A_71 : memref<1x64xi32, #tpu.memory_space<vmem>> -> memref<64xi32, #tpu.memory_space<vmem>>
      %dma_start3A_73 = tpu.memref_slice %arg3[%add3A_17] : memref<90112xi32, #tpu.memory_space<hbm>> -> memref<64xi32, #tpu.memory_space<hbm>>
      tpu.enqueue_dma source(%dma_start3A_73 : memref<64xi32, #tpu.memory_space<hbm>>) target(%dma_start3A_72 : memref<64xi32, #tpu.memory_space<vmem>>) target_semaphore(%run_scoped3A_65 : memref<!tpu.dma_semaphore, #tpu.memory_space<semaphore_mem>>)
      %dma_wait3A = arith.constant 0 : i32
      %dma_wait3A_74 = tpu.memref_slice %arg5[%run_scoped3A_18, %dma_wait3A] : memref<4x64xi32, #tpu.memory_space<vmem>> -> memref<1x64xi32, #tpu.memory_space<vmem>>
      %dma_wait3A_75 = tpu.memref_squeeze %dma_wait3A_74 : memref<1x64xi32, #tpu.memory_space<vmem>> -> memref<64xi32, #tpu.memory_space<vmem>>
      %dma_wait3A_76 = tpu.memref_slice %arg3[%add3A_17] : memref<90112xi32, #tpu.memory_space<hbm>> -> memref<64xi32, #tpu.memory_space<hbm>>
      %dma_wait3A_77 = arith.constant 0 : i32
      %dma_wait3A_78 = tpu.memref_slice %arg5[%run_scoped3A_18, %dma_wait3A_77] : memref<4x64xi32, #tpu.memory_space<vmem>> -> memref<1x64xi32, #tpu.memory_space<vmem>>
      %dma_wait3A_79 = tpu.memref_squeeze %dma_wait3A_78 : memref<1x64xi32, #tpu.memory_space<vmem>> -> memref<64xi32, #tpu.memory_space<vmem>>
      %dma_wait3A_80 = tpu.memref_slice %arg3[%add3A_17] : memref<90112xi32, #tpu.memory_space<hbm>> -> memref<64xi32, #tpu.memory_space<hbm>>
      tpu.wait_dma2 semaphore(%run_scoped3A_65 : memref<!tpu.dma_semaphore, #tpu.memory_space<semaphore_mem>>) src(%dma_wait3A_80 : memref<64xi32, #tpu.memory_space<hbm>>) dst(%dma_wait3A_79 : memref<64xi32, #tpu.memory_space<vmem>>)
      tpu.yield
    }) : () -> ()
    %dma_start3A_19 = arith.constant 1 : i32
    %dma_start3A_20 = arith.constant 1 : i32
    %dma_start3A_21 = arith.constant 0 : i32
    %dma_start3A_22 = arith.constant 0 : i32
    %dma_start3A_23 = tpu.memref_slice %arg6[%dma_start3A_20, %dma_start3A_21, %dma_start3A_22] : memref<4x64x256xf32, #tpu.memory_space<vmem>> -> memref<1x64x256xf32, #tpu.memory_space<vmem>>
    %dma_start3A_24 = tpu.memref_squeeze %dma_start3A_23 : memref<1x64x256xf32, #tpu.memory_space<vmem>> -> memref<64x256xf32, #tpu.memory_space<vmem>>
    %dma_start3A_25 = arith.constant 0 : i32
    %dma_start3A_26 = tpu.memref_slice %arg5[%dma_start3A_19, %dma_start3A_25] : memref<4x64xi32, #tpu.memory_space<vmem>> -> memref<1x64xi32, #tpu.memory_space<vmem>>
    %dma_start3A_27 = tpu.memref_squeeze %dma_start3A_26 : memref<1x64xi32, #tpu.memory_space<vmem>> -> memref<64xi32, #tpu.memory_space<vmem>>
    %dma_start3A_28 = arith.constant 0 : i32
    %dma_start3A_29 = arith.constant 0 : i32
    %dma_start3A_30 = tpu.memref_slice %arg2[%dma_start3A_28, %dma_start3A_29] : memref<50000x256xf32, #tpu.memory_space<hbm>> -> memref<50000x256xf32, #tpu.memory_space<hbm>>
    tpu.enqueue_indirect_dma source(%dma_start3A_30 : memref<50000x256xf32, #tpu.memory_space<hbm>>) target(%dma_start3A_24 : memref<64x256xf32, #tpu.memory_space<vmem>>) offsets(%dma_start3A_27 : memref<64xi32, #tpu.memory_space<vmem>>) semaphore(%arg8 : memref<!tpu.dma_semaphore, #tpu.memory_space<semaphore_mem>>)
    %add3A_31 = arith.constant 128 : i32
    %add3A_32 = arith.addi %mul3A_2, %add3A_31 : i32
    %run_scoped3A_33 = arith.constant 2 : i32
    "tpu.region"() ({
      %run_scoped3A_65 = tpu.sem_alloc : memref<!tpu.dma_semaphore, #tpu.memory_space<semaphore_mem>>
      %dma_start3A_66 = arith.constant 0 : i32
      %dma_start3A_67 = tpu.memref_slice %arg5[%run_scoped3A_33, %dma_start3A_66] : memref<4x64xi32, #tpu.memory_space<vmem>> -> memref<1x64xi32, #tpu.memory_space<vmem>>
      %dma_start3A_68 = tpu.memref_squeeze %dma_start3A_67 : memref<1x64xi32, #tpu.memory_space<vmem>> -> memref<64xi32, #tpu.memory_space<vmem>>
      %dma_start3A_69 = tpu.memref_slice %arg3[%add3A_32] : memref<90112xi32, #tpu.memory_space<hbm>> -> memref<64xi32, #tpu.memory_space<hbm>>
      %dma_start3A_70 = arith.constant 0 : i32
      %dma_start3A_71 = tpu.memref_slice %arg5[%run_scoped3A_33, %dma_start3A_70] : memref<4x64xi32, #tpu.memory_space<vmem>> -> memref<1x64xi32, #tpu.memory_space<vmem>>
      %dma_start3A_72 = tpu.memref_squeeze %dma_start3A_71 : memref<1x64xi32, #tpu.memory_space<vmem>> -> memref<64xi32, #tpu.memory_space<vmem>>
      %dma_start3A_73 = tpu.memref_slice %arg3[%add3A_32] : memref<90112xi32, #tpu.memory_space<hbm>> -> memref<64xi32, #tpu.memory_space<hbm>>
      tpu.enqueue_dma source(%dma_start3A_73 : memref<64xi32, #tpu.memory_space<hbm>>) target(%dma_start3A_72 : memref<64xi32, #tpu.memory_space<vmem>>) target_semaphore(%run_scoped3A_65 : memref<!tpu.dma_semaphore, #tpu.memory_space<semaphore_mem>>)
      %dma_wait3A = arith.constant 0 : i32
      %dma_wait3A_74 = tpu.memref_slice %arg5[%run_scoped3A_33, %dma_wait3A] : memref<4x64xi32, #tpu.memory_space<vmem>> -> memref<1x64xi32, #tpu.memory_space<vmem>>
      %dma_wait3A_75 = tpu.memref_squeeze %dma_wait3A_74 : memref<1x64xi32, #tpu.memory_space<vmem>> -> memref<64xi32, #tpu.memory_space<vmem>>
      %dma_wait3A_76 = tpu.memref_slice %arg3[%add3A_32] : memref<90112xi32, #tpu.memory_space<hbm>> -> memref<64xi32, #tpu.memory_space<hbm>>
      %dma_wait3A_77 = arith.constant 0 : i32
      %dma_wait3A_78 = tpu.memref_slice %arg5[%run_scoped3A_33, %dma_wait3A_77] : memref<4x64xi32, #tpu.memory_space<vmem>> -> memref<1x64xi32, #tpu.memory_space<vmem>>
      %dma_wait3A_79 = tpu.memref_squeeze %dma_wait3A_78 : memref<1x64xi32, #tpu.memory_space<vmem>> -> memref<64xi32, #tpu.memory_space<vmem>>
      %dma_wait3A_80 = tpu.memref_slice %arg3[%add3A_32] : memref<90112xi32, #tpu.memory_space<hbm>> -> memref<64xi32, #tpu.memory_space<hbm>>
      tpu.wait_dma2 semaphore(%run_scoped3A_65 : memref<!tpu.dma_semaphore, #tpu.memory_space<semaphore_mem>>) src(%dma_wait3A_80 : memref<64xi32, #tpu.memory_space<hbm>>) dst(%dma_wait3A_79 : memref<64xi32, #tpu.memory_space<vmem>>)
      tpu.yield
    }) : () -> ()
    %dma_start3A_34 = arith.constant 2 : i32
    %dma_start3A_35 = arith.constant 2 : i32
    %dma_start3A_36 = arith.constant 0 : i32
    %dma_start3A_37 = arith.constant 0 : i32
    %dma_start3A_38 = tpu.memref_slice %arg6[%dma_start3A_35, %dma_start3A_36, %dma_start3A_37] : memref<4x64x256xf32, #tpu.memory_space<vmem>> -> memref<1x64x256xf32, #tpu.memory_space<vmem>>
    %dma_start3A_39 = tpu.memref_squeeze %dma_start3A_38 : memref<1x64x256xf32, #tpu.memory_space<vmem>> -> memref<64x256xf32, #tpu.memory_space<vmem>>
    %dma_start3A_40 = arith.constant 0 : i32
    %dma_start3A_41 = tpu.memref_slice %arg5[%dma_start3A_34, %dma_start3A_40] : memref<4x64xi32, #tpu.memory_space<vmem>> -> memref<1x64xi32, #tpu.memory_space<vmem>>
    %dma_start3A_42 = tpu.memref_squeeze %dma_start3A_41 : memref<1x64xi32, #tpu.memory_space<vmem>> -> memref<64xi32, #tpu.memory_space<vmem>>
    %dma_start3A_43 = arith.constant 0 : i32
    %dma_start3A_44 = arith.constant 0 : i32
    %dma_start3A_45 = tpu.memref_slice %arg2[%dma_start3A_43, %dma_start3A_44] : memref<50000x256xf32, #tpu.memory_space<hbm>> -> memref<50000x256xf32, #tpu.memory_space<hbm>>
    tpu.enqueue_indirect_dma source(%dma_start3A_45 : memref<50000x256xf32, #tpu.memory_space<hbm>>) target(%dma_start3A_39 : memref<64x256xf32, #tpu.memory_space<vmem>>) offsets(%dma_start3A_42 : memref<64xi32, #tpu.memory_space<vmem>>) semaphore(%arg9 : memref<!tpu.dma_semaphore, #tpu.memory_space<semaphore_mem>>)
    %add3A_46 = arith.constant 192 : i32
    %add3A_47 = arith.addi %mul3A_2, %add3A_46 : i32
    %run_scoped3A_48 = arith.constant 3 : i32
    "tpu.region"() ({
      %run_scoped3A_65 = tpu.sem_alloc : memref<!tpu.dma_semaphore, #tpu.memory_space<semaphore_mem>>
      %dma_start3A_66 = arith.constant 0 : i32
      %dma_start3A_67 = tpu.memref_slice %arg5[%run_scoped3A_48, %dma_start3A_66] : memref<4x64xi32, #tpu.memory_space<vmem>> -> memref<1x64xi32, #tpu.memory_space<vmem>>
      %dma_start3A_68 = tpu.memref_squeeze %dma_start3A_67 : memref<1x64xi32, #tpu.memory_space<vmem>> -> memref<64xi32, #tpu.memory_space<vmem>>
      %dma_start3A_69 = tpu.memref_slice %arg3[%add3A_47] : memref<90112xi32, #tpu.memory_space<hbm>> -> memref<64xi32, #tpu.memory_space<hbm>>
      %dma_start3A_70 = arith.constant 0 : i32
      %dma_start3A_71 = tpu.memref_slice %arg5[%run_scoped3A_48, %dma_start3A_70] : memref<4x64xi32, #tpu.memory_space<vmem>> -> memref<1x64xi32, #tpu.memory_space<vmem>>
      %dma_start3A_72 = tpu.memref_squeeze %dma_start3A_71 : memref<1x64xi32, #tpu.memory_space<vmem>> -> memref<64xi32, #tpu.memory_space<vmem>>
      %dma_start3A_73 = tpu.memref_slice %arg3[%add3A_47] : memref<90112xi32, #tpu.memory_space<hbm>> -> memref<64xi32, #tpu.memory_space<hbm>>
      tpu.enqueue_dma source(%dma_start3A_73 : memref<64xi32, #tpu.memory_space<hbm>>) target(%dma_start3A_72 : memref<64xi32, #tpu.memory_space<vmem>>) target_semaphore(%run_scoped3A_65 : memref<!tpu.dma_semaphore, #tpu.memory_space<semaphore_mem>>)
      %dma_wait3A = arith.constant 0 : i32
      %dma_wait3A_74 = tpu.memref_slice %arg5[%run_scoped3A_48, %dma_wait3A] : memref<4x64xi32, #tpu.memory_space<vmem>> -> memref<1x64xi32, #tpu.memory_space<vmem>>
      %dma_wait3A_75 = tpu.memref_squeeze %dma_wait3A_74 : memref<1x64xi32, #tpu.memory_space<vmem>> -> memref<64xi32, #tpu.memory_space<vmem>>
      %dma_wait3A_76 = tpu.memref_slice %arg3[%add3A_47] : memref<90112xi32, #tpu.memory_space<hbm>> -> memref<64xi32, #tpu.memory_space<hbm>>
      %dma_wait3A_77 = arith.constant 0 : i32
      %dma_wait3A_78 = tpu.memref_slice %arg5[%run_scoped3A_48, %dma_wait3A_77] : memref<4x64xi32, #tpu.memory_space<vmem>> -> memref<1x64xi32, #tpu.memory_space<vmem>>
      %dma_wait3A_79 = tpu.memref_squeeze %dma_wait3A_78 : memref<1x64xi32, #tpu.memory_space<vmem>> -> memref<64xi32, #tpu.memory_space<vmem>>
      %dma_wait3A_80 = tpu.memref_slice %arg3[%add3A_47] : memref<90112xi32, #tpu.memory_space<hbm>> -> memref<64xi32, #tpu.memory_space<hbm>>
      tpu.wait_dma2 semaphore(%run_scoped3A_65 : memref<!tpu.dma_semaphore, #tpu.memory_space<semaphore_mem>>) src(%dma_wait3A_80 : memref<64xi32, #tpu.memory_space<hbm>>) dst(%dma_wait3A_79 : memref<64xi32, #tpu.memory_space<vmem>>)
      tpu.yield
    }) : () -> ()
    %dma_start3A_49 = arith.constant 3 : i32
    %dma_start3A_50 = arith.constant 3 : i32
    %dma_start3A_51 = arith.constant 0 : i32
    %dma_start3A_52 = arith.constant 0 : i32
    %dma_start3A_53 = tpu.memref_slice %arg6[%dma_start3A_50, %dma_start3A_51, %dma_start3A_52] : memref<4x64x256xf32, #tpu.memory_space<vmem>> -> memref<1x64x256xf32, #tpu.memory_space<vmem>>
    %dma_start3A_54 = tpu.memref_squeeze %dma_start3A_53 : memref<1x64x256xf32, #tpu.memory_space<vmem>> -> memref<64x256xf32, #tpu.memory_space<vmem>>
    %dma_start3A_55 = arith.constant 0 : i32
    %dma_start3A_56 = tpu.memref_slice %arg5[%dma_start3A_49, %dma_start3A_55] : memref<4x64xi32, #tpu.memory_space<vmem>> -> memref<1x64xi32, #tpu.memory_space<vmem>>
    %dma_start3A_57 = tpu.memref_squeeze %dma_start3A_56 : memref<1x64xi32, #tpu.memory_space<vmem>> -> memref<64xi32, #tpu.memory_space<vmem>>
    %dma_start3A_58 = arith.constant 0 : i32
    %dma_start3A_59 = arith.constant 0 : i32
    %dma_start3A_60 = tpu.memref_slice %arg2[%dma_start3A_58, %dma_start3A_59] : memref<50000x256xf32, #tpu.memory_space<hbm>> -> memref<50000x256xf32, #tpu.memory_space<hbm>>
    tpu.enqueue_indirect_dma source(%dma_start3A_60 : memref<50000x256xf32, #tpu.memory_space<hbm>>) target(%dma_start3A_54 : memref<64x256xf32, #tpu.memory_space<vmem>>) offsets(%dma_start3A_57 : memref<64xi32, #tpu.memory_space<vmem>>) semaphore(%arg10 : memref<!tpu.dma_semaphore, #tpu.memory_space<semaphore_mem>>)
    %scan3A = arith.constant 0 : i32
    %scan3A_61 = arith.constant 11 : i32
    %scan3A_62 = arith.addi %scan3A, %scan3A_61 : i32
    %scan3A_63 = arith.constant 1 : i32
    scf.for %scan3A_65 = %scan3A to %scan3A_62 step %scan3A_63  : i32 {
      %mul3A_66 = arith.constant 1 : i32
      %mul3A_67 = arith.muli %scan3A_65, %mul3A_66 : i32
      %add3A_68 = arith.constant 0 : i32
      %add3A_69 = arith.addi %add3A_68, %mul3A_67 : i32
      %mul3A_70 = arith.constant 4 : i32
      %mul3A_71 = arith.muli %add3A_69, %mul3A_70 : i32
      %add3A_72 = arith.constant 0 : i32
      %add3A_73 = arith.addi %mul3A_71, %add3A_72 : i32
      %mul3A_74 = arith.constant 64 : i32
      %mul3A_75 = arith.muli %add3A_73, %mul3A_74 : i32
      %add3A_76 = arith.addi %mul3A_2, %mul3A_75 : i32
      %dma_wait3A = arith.constant 0 : i32
      %dma_wait3A_77 = arith.constant 0 : i32
      %dma_wait3A_78 = arith.constant 0 : i32
      %dma_wait3A_79 = arith.constant 0 : i32
      %dma_wait3A_80 = tpu.memref_slice %arg6[%dma_wait3A_77, %dma_wait3A_78, %dma_wait3A_79] : memref<4x64x256xf32, #tpu.memory_space<vmem>> -> memref<1x64x256xf32, #tpu.memory_space<vmem>>
      %dma_wait3A_81 = tpu.memref_squeeze %dma_wait3A_80 : memref<1x64x256xf32, #tpu.memory_space<vmem>> -> memref<64x256xf32, #tpu.memory_space<vmem>>
      %dma_wait3A_82 = arith.constant 0 : i32
      %dma_wait3A_83 = tpu.memref_slice %arg5[%dma_wait3A, %dma_wait3A_82] : memref<4x64xi32, #tpu.memory_space<vmem>> -> memref<1x64xi32, #tpu.memory_space<vmem>>
      %dma_wait3A_84 = tpu.memref_squeeze %dma_wait3A_83 : memref<1x64xi32, #tpu.memory_space<vmem>> -> memref<64xi32, #tpu.memory_space<vmem>>
      %dma_wait3A_85 = arith.constant 0 : i32
      %dma_wait3A_86 = arith.constant 0 : i32
      %dma_wait3A_87 = tpu.memref_slice %arg2[%dma_wait3A_85, %dma_wait3A_86] : memref<50000x256xf32, #tpu.memory_space<hbm>> -> memref<50000x256xf32, #tpu.memory_space<hbm>>
      tpu.wait_indirect_dma semaphore(%arg7 : memref<!tpu.dma_semaphore, #tpu.memory_space<semaphore_mem>>) src(%dma_wait3A_87 : memref<50000x256xf32, #tpu.memory_space<hbm>>) dst(%dma_wait3A_81 : memref<64x256xf32, #tpu.memory_space<vmem>>)
      %dma_start3A_88 = arith.constant 0 : i32
      %dma_start3A_89 = arith.constant 0 : i32
      %dma_start3A_90 = arith.constant 0 : i32
      %dma_start3A_91 = tpu.memref_slice %arg6[%dma_start3A_88, %dma_start3A_89, %dma_start3A_90] : memref<4x64x256xf32, #tpu.memory_space<vmem>> -> memref<1x64x256xf32, #tpu.memory_space<vmem>>
      %dma_start3A_92 = tpu.memref_squeeze %dma_start3A_91 : memref<1x64x256xf32, #tpu.memory_space<vmem>> -> memref<64x256xf32, #tpu.memory_space<vmem>>
      %dma_start3A_93 = arith.constant 0 : i32
      %dma_start3A_94 = tpu.memref_slice %arg4[%add3A_76, %dma_start3A_93] : memref<90112x256xf32, #tpu.memory_space<hbm>> -> memref<64x256xf32, #tpu.memory_space<hbm>>
      %dma_start3A_95 = arith.constant 0 : i32
      %dma_start3A_96 = tpu.memref_slice %arg4[%add3A_76, %dma_start3A_95] : memref<90112x256xf32, #tpu.memory_space<hbm>> -> memref<64x256xf32, #tpu.memory_space<hbm>>
      %dma_start3A_97 = arith.constant 0 : i32
      %dma_start3A_98 = arith.constant 0 : i32
      %dma_start3A_99 = tpu.memref_slice %arg6[%dma_start3A_88, %dma_start3A_97, %dma_start3A_98] : memref<4x64x256xf32, #tpu.memory_space<vmem>> -> memref<1x64x256xf32, #tpu.memory_space<vmem>>
      %dma_start3A_100 = tpu.memref_squeeze %dma_start3A_99 : memref<1x64x256xf32, #tpu.memory_space<vmem>> -> memref<64x256xf32, #tpu.memory_space<vmem>>
      tpu.enqueue_dma source(%dma_start3A_100 : memref<64x256xf32, #tpu.memory_space<vmem>>) target(%dma_start3A_96 : memref<64x256xf32, #tpu.memory_space<hbm>>) target_semaphore(%arg11 : memref<!tpu.dma_semaphore, #tpu.memory_space<semaphore_mem>>)
      %add3A_101 = arith.constant 4 : i32
      %add3A_102 = arith.addi %mul3A_71, %add3A_101 : i32
      %add3A_103 = arith.constant 0 : i32
      %add3A_104 = arith.addi %add3A_102, %add3A_103 : i32
      %lt3A = arith.constant 44 : i32
      %lt3A_105 = arith.cmpi slt, %add3A_104, %lt3A : i32
      %convert_element_type3A = arith.extui %lt3A_105 : i1 to i32
      %cond3A = arith.constant 0 : i32
      %cond3A_106 = arith.cmpi ne, %convert_element_type3A, %cond3A : i32
      scf.if %cond3A_106 {
        %mul3A_243 = arith.constant 64 : i32
        %mul3A_244 = arith.muli %add3A_104, %mul3A_243 : i32
        %add3A_245 = arith.addi %mul3A_2, %mul3A_244 : i32
        %run_scoped3A_246 = arith.constant 0 : i32
        "tpu.region"() ({
          %run_scoped3A_272 = tpu.sem_alloc : memref<!tpu.dma_semaphore, #tpu.memory_space<semaphore_mem>>
          %dma_start3A_273 = arith.constant 0 : i32
          %dma_start3A_274 = tpu.memref_slice %arg5[%run_scoped3A_246, %dma_start3A_273] : memref<4x64xi32, #tpu.memory_space<vmem>> -> memref<1x64xi32, #tpu.memory_space<vmem>>
          %dma_start3A_275 = tpu.memref_squeeze %dma_start3A_274 : memref<1x64xi32, #tpu.memory_space<vmem>> -> memref<64xi32, #tpu.memory_space<vmem>>
          %dma_start3A_276 = tpu.memref_slice %arg3[%add3A_245] : memref<90112xi32, #tpu.memory_space<hbm>> -> memref<64xi32, #tpu.memory_space<hbm>>
          %dma_start3A_277 = arith.constant 0 : i32
          %dma_start3A_278 = tpu.memref_slice %arg5[%run_scoped3A_246, %dma_start3A_277] : memref<4x64xi32, #tpu.memory_space<vmem>> -> memref<1x64xi32, #tpu.memory_space<vmem>>
          %dma_start3A_279 = tpu.memref_squeeze %dma_start3A_278 : memref<1x64xi32, #tpu.memory_space<vmem>> -> memref<64xi32, #tpu.memory_space<vmem>>
          %dma_start3A_280 = tpu.memref_slice %arg3[%add3A_245] : memref<90112xi32, #tpu.memory_space<hbm>> -> memref<64xi32, #tpu.memory_space<hbm>>
          tpu.enqueue_dma source(%dma_start3A_280 : memref<64xi32, #tpu.memory_space<hbm>>) target(%dma_start3A_279 : memref<64xi32, #tpu.memory_space<vmem>>) target_semaphore(%run_scoped3A_272 : memref<!tpu.dma_semaphore, #tpu.memory_space<semaphore_mem>>)
          %dma_wait3A_281 = arith.constant 0 : i32
          %dma_wait3A_282 = tpu.memref_slice %arg5[%run_scoped3A_246, %dma_wait3A_281] : memref<4x64xi32, #tpu.memory_space<vmem>> -> memref<1x64xi32, #tpu.memory_space<vmem>>
          %dma_wait3A_283 = tpu.memref_squeeze %dma_wait3A_282 : memref<1x64xi32, #tpu.memory_space<vmem>> -> memref<64xi32, #tpu.memory_space<vmem>>
          %dma_wait3A_284 = tpu.memref_slice %arg3[%add3A_245] : memref<90112xi32, #tpu.memory_space<hbm>> -> memref<64xi32, #tpu.memory_space<hbm>>
          %dma_wait3A_285 = arith.constant 0 : i32
          %dma_wait3A_286 = tpu.memref_slice %arg5[%run_scoped3A_246, %dma_wait3A_285] : memref<4x64xi32, #tpu.memory_space<vmem>> -> memref<1x64xi32, #tpu.memory_space<vmem>>
          %dma_wait3A_287 = tpu.memref_squeeze %dma_wait3A_286 : memref<1x64xi32, #tpu.memory_space<vmem>> -> memref<64xi32, #tpu.memory_space<vmem>>
          %dma_wait3A_288 = tpu.memref_slice %arg3[%add3A_245] : memref<90112xi32, #tpu.memory_space<hbm>> -> memref<64xi32, #tpu.memory_space<hbm>>
          tpu.wait_dma2 semaphore(%run_scoped3A_272 : memref<!tpu.dma_semaphore, #tpu.memory_space<semaphore_mem>>) src(%dma_wait3A_288 : memref<64xi32, #tpu.memory_space<hbm>>) dst(%dma_wait3A_287 : memref<64xi32, #tpu.memory_space<vmem>>)
          tpu.yield
        }) : () -> ()
        %dma_wait3A_247 = arith.constant 0 : i32
        %dma_wait3A_248 = arith.constant 0 : i32
        %dma_wait3A_249 = arith.constant 0 : i32
        %dma_wait3A_250 = tpu.memref_slice %arg6[%dma_wait3A_247, %dma_wait3A_248, %dma_wait3A_249] : memref<4x64x256xf32, #tpu.memory_space<vmem>> -> memref<1x64x256xf32, #tpu.memory_space<vmem>>
        %dma_wait3A_251 = tpu.memref_squeeze %dma_wait3A_250 : memref<1x64x256xf32, #tpu.memory_space<vmem>> -> memref<64x256xf32, #tpu.memory_space<vmem>>
        %dma_wait3A_252 = arith.constant 0 : i32
        %dma_wait3A_253 = tpu.memref_slice %arg4[%add3A_76, %dma_wait3A_252] : memref<90112x256xf32, #tpu.memory_space<hbm>> -> memref<64x256xf32, #tpu.memory_space<hbm>>
        %dma_wait3A_254 = arith.constant 0 : i32
        %dma_wait3A_255 = tpu.memref_slice %arg4[%add3A_76, %dma_wait3A_254] : memref<90112x256xf32, #tpu.memory_space<hbm>> -> memref<64x256xf32, #tpu.memory_space<hbm>>
        %dma_wait3A_256 = arith.constant 0 : i32
        %dma_wait3A_257 = arith.constant 0 : i32
        %dma_wait3A_258 = tpu.memref_slice %arg6[%dma_wait3A_247, %dma_wait3A_256, %dma_wait3A_257] : memref<4x64x256xf32, #tpu.memory_space<vmem>> -> memref<1x64x256xf32, #tpu.memory_space<vmem>>
        %dma_wait3A_259 = tpu.memref_squeeze %dma_wait3A_258 : memref<1x64x256xf32, #tpu.memory_space<vmem>> -> memref<64x256xf32, #tpu.memory_space<vmem>>
        tpu.wait_dma2 semaphore(%arg11 : memref<!tpu.dma_semaphore, #tpu.memory_space<semaphore_mem>>) src(%dma_wait3A_259 : memref<64x256xf32, #tpu.memory_space<vmem>>) dst(%dma_wait3A_255 : memref<64x256xf32, #tpu.memory_space<hbm>>)
        %dma_start3A_260 = arith.constant 0 : i32
        %dma_start3A_261 = arith.constant 0 : i32
        %dma_start3A_262 = arith.constant 0 : i32
        %dma_start3A_263 = arith.constant 0 : i32
        %dma_start3A_264 = tpu.memref_slice %arg6[%dma_start3A_261, %dma_start3A_262, %dma_start3A_263] : memref<4x64x256xf32, #tpu.memory_space<vmem>> -> memref<1x64x256xf32, #tpu.memory_space<vmem>>
        %dma_start3A_265 = tpu.memref_squeeze %dma_start3A_264 : memref<1x64x256xf32, #tpu.memory_space<vmem>> -> memref<64x256xf32, #tpu.memory_space<vmem>>
        %dma_start3A_266 = arith.constant 0 : i32
        %dma_start3A_267 = tpu.memref_slice %arg5[%dma_start3A_260, %dma_start3A_266] : memref<4x64xi32, #tpu.memory_space<vmem>> -> memref<1x64xi32, #tpu.memory_space<vmem>>
        %dma_start3A_268 = tpu.memref_squeeze %dma_start3A_267 : memref<1x64xi32, #tpu.memory_space<vmem>> -> memref<64xi32, #tpu.memory_space<vmem>>
        %dma_start3A_269 = arith.constant 0 : i32
        %dma_start3A_270 = arith.constant 0 : i32
        %dma_start3A_271 = tpu.memref_slice %arg2[%dma_start3A_269, %dma_start3A_270] : memref<50000x256xf32, #tpu.memory_space<hbm>> -> memref<50000x256xf32, #tpu.memory_space<hbm>>
        tpu.enqueue_indirect_dma source(%dma_start3A_271 : memref<50000x256xf32, #tpu.memory_space<hbm>>) target(%dma_start3A_265 : memref<64x256xf32, #tpu.memory_space<vmem>>) offsets(%dma_start3A_268 : memref<64xi32, #tpu.memory_space<vmem>>) semaphore(%arg7 : memref<!tpu.dma_semaphore, #tpu.memory_space<semaphore_mem>>)
      } else {
      }
      %ge3A = arith.constant 44 : i32
      %ge3A_107 = arith.cmpi sge, %add3A_104, %ge3A : i32
      %convert_element_type3A_108 = arith.extui %ge3A_107 : i1 to i32
      %cond3A_109 = arith.constant 0 : i32
      %cond3A_110 = arith.cmpi ne, %convert_element_type3A_108, %cond3A_109 : i32
      scf.if %cond3A_110 {
        %dma_wait3A_243 = arith.constant 0 : i32
        %dma_wait3A_244 = arith.constant 0 : i32
        %dma_wait3A_245 = arith.constant 0 : i32
        %dma_wait3A_246 = tpu.memref_slice %arg6[%dma_wait3A_243, %dma_wait3A_244, %dma_wait3A_245] : memref<4x64x256xf32, #tpu.memory_space<vmem>> -> memref<1x64x256xf32, #tpu.memory_space<vmem>>
        %dma_wait3A_247 = tpu.memref_squeeze %dma_wait3A_246 : memref<1x64x256xf32, #tpu.memory_space<vmem>> -> memref<64x256xf32, #tpu.memory_space<vmem>>
        %dma_wait3A_248 = arith.constant 0 : i32
        %dma_wait3A_249 = tpu.memref_slice %arg4[%add3A_76, %dma_wait3A_248] : memref<90112x256xf32, #tpu.memory_space<hbm>> -> memref<64x256xf32, #tpu.memory_space<hbm>>
        %dma_wait3A_250 = arith.constant 0 : i32
        %dma_wait3A_251 = tpu.memref_slice %arg4[%add3A_76, %dma_wait3A_250] : memref<90112x256xf32, #tpu.memory_space<hbm>> -> memref<64x256xf32, #tpu.memory_space<hbm>>
        %dma_wait3A_252 = arith.constant 0 : i32
        %dma_wait3A_253 = arith.constant 0 : i32
        %dma_wait3A_254 = tpu.memref_slice %arg6[%dma_wait3A_243, %dma_wait3A_252, %dma_wait3A_253] : memref<4x64x256xf32, #tpu.memory_space<vmem>> -> memref<1x64x256xf32, #tpu.memory_space<vmem>>
        %dma_wait3A_255 = tpu.memref_squeeze %dma_wait3A_254 : memref<1x64x256xf32, #tpu.memory_space<vmem>> -> memref<64x256xf32, #tpu.memory_space<vmem>>
        tpu.wait_dma2 semaphore(%arg11 : memref<!tpu.dma_semaphore, #tpu.memory_space<semaphore_mem>>) src(%dma_wait3A_255 : memref<64x256xf32, #tpu.memory_space<vmem>>) dst(%dma_wait3A_251 : memref<64x256xf32, #tpu.memory_space<hbm>>)
      } else {
      }
      %add3A_111 = arith.constant 1 : i32
      %add3A_112 = arith.addi %mul3A_71, %add3A_111 : i32
      %mul3A_113 = arith.constant 64 : i32
      %mul3A_114 = arith.muli %add3A_112, %mul3A_113 : i32
      %add3A_115 = arith.addi %mul3A_2, %mul3A_114 : i32
      %dma_wait3A_116 = arith.constant 1 : i32
      %dma_wait3A_117 = arith.constant 1 : i32
      %dma_wait3A_118 = arith.constant 0 : i32
      %dma_wait3A_119 = arith.constant 0 : i32
      %dma_wait3A_120 = tpu.memref_slice %arg6[%dma_wait3A_117, %dma_wait3A_118, %dma_wait3A_119] : memref<4x64x256xf32, #tpu.memory_space<vmem>> -> memref<1x64x256xf32, #tpu.memory_space<vmem>>
      %dma_wait3A_121 = tpu.memref_squeeze %dma_wait3A_120 : memref<1x64x256xf32, #tpu.memory_space<vmem>> -> memref<64x256xf32, #tpu.memory_space<vmem>>
      %dma_wait3A_122 = arith.constant 0 : i32
      %dma_wait3A_123 = tpu.memref_slice %arg5[%dma_wait3A_116, %dma_wait3A_122] : memref<4x64xi32, #tpu.memory_space<vmem>> -> memref<1x64xi32, #tpu.memory_space<vmem>>
      %dma_wait3A_124 = tpu.memref_squeeze %dma_wait3A_123 : memref<1x64xi32, #tpu.memory_space<vmem>> -> memref<64xi32, #tpu.memory_space<vmem>>
      %dma_wait3A_125 = arith.constant 0 : i32
      %dma_wait3A_126 = arith.constant 0 : i32
      %dma_wait3A_127 = tpu.memref_slice %arg2[%dma_wait3A_125, %dma_wait3A_126] : memref<50000x256xf32, #tpu.memory_space<hbm>> -> memref<50000x256xf32, #tpu.memory_space<hbm>>
      tpu.wait_indirect_dma semaphore(%arg8 : memref<!tpu.dma_semaphore, #tpu.memory_space<semaphore_mem>>) src(%dma_wait3A_127 : memref<50000x256xf32, #tpu.memory_space<hbm>>) dst(%dma_wait3A_121 : memref<64x256xf32, #tpu.memory_space<vmem>>)
      %dma_start3A_128 = arith.constant 1 : i32
      %dma_start3A_129 = arith.constant 0 : i32
      %dma_start3A_130 = arith.constant 0 : i32
      %dma_start3A_131 = tpu.memref_slice %arg6[%dma_start3A_128, %dma_start3A_129, %dma_start3A_130] : memref<4x64x256xf32, #tpu.memory_space<vmem>> -> memref<1x64x256xf32, #tpu.memory_space<vmem>>
      %dma_start3A_132 = tpu.memref_squeeze %dma_start3A_131 : memref<1x64x256xf32, #tpu.memory_space<vmem>> -> memref<64x256xf32, #tpu.memory_space<vmem>>
      %dma_start3A_133 = arith.constant 0 : i32
      %dma_start3A_134 = tpu.memref_slice %arg4[%add3A_115, %dma_start3A_133] : memref<90112x256xf32, #tpu.memory_space<hbm>> -> memref<64x256xf32, #tpu.memory_space<hbm>>
      %dma_start3A_135 = arith.constant 0 : i32
      %dma_start3A_136 = tpu.memref_slice %arg4[%add3A_115, %dma_start3A_135] : memref<90112x256xf32, #tpu.memory_space<hbm>> -> memref<64x256xf32, #tpu.memory_space<hbm>>
      %dma_start3A_137 = arith.constant 0 : i32
      %dma_start3A_138 = arith.constant 0 : i32
      %dma_start3A_139 = tpu.memref_slice %arg6[%dma_start3A_128, %dma_start3A_137, %dma_start3A_138] : memref<4x64x256xf32, #tpu.memory_space<vmem>> -> memref<1x64x256xf32, #tpu.memory_space<vmem>>
      %dma_start3A_140 = tpu.memref_squeeze %dma_start3A_139 : memref<1x64x256xf32, #tpu.memory_space<vmem>> -> memref<64x256xf32, #tpu.memory_space<vmem>>
      tpu.enqueue_dma source(%dma_start3A_140 : memref<64x256xf32, #tpu.memory_space<vmem>>) target(%dma_start3A_136 : memref<64x256xf32, #tpu.memory_space<hbm>>) target_semaphore(%arg12 : memref<!tpu.dma_semaphore, #tpu.memory_space<semaphore_mem>>)
      %add3A_141 = arith.constant 4 : i32
      %add3A_142 = arith.addi %mul3A_71, %add3A_141 : i32
      %add3A_143 = arith.constant 1 : i32
      %add3A_144 = arith.addi %add3A_142, %add3A_143 : i32
      %lt3A_145 = arith.constant 44 : i32
      %lt3A_146 = arith.cmpi slt, %add3A_144, %lt3A_145 : i32
      %convert_element_type3A_147 = arith.extui %lt3A_146 : i1 to i32
      %cond3A_148 = arith.constant 0 : i32
      %cond3A_149 = arith.cmpi ne, %convert_element_type3A_147, %cond3A_148 : i32
      scf.if %cond3A_149 {
        %mul3A_243 = arith.constant 64 : i32
        %mul3A_244 = arith.muli %add3A_144, %mul3A_243 : i32
        %add3A_245 = arith.addi %mul3A_2, %mul3A_244 : i32
        %run_scoped3A_246 = arith.constant 1 : i32
        "tpu.region"() ({
          %run_scoped3A_272 = tpu.sem_alloc : memref<!tpu.dma_semaphore, #tpu.memory_space<semaphore_mem>>
          %dma_start3A_273 = arith.constant 0 : i32
          %dma_start3A_274 = tpu.memref_slice %arg5[%run_scoped3A_246, %dma_start3A_273] : memref<4x64xi32, #tpu.memory_space<vmem>> -> memref<1x64xi32, #tpu.memory_space<vmem>>
          %dma_start3A_275 = tpu.memref_squeeze %dma_start3A_274 : memref<1x64xi32, #tpu.memory_space<vmem>> -> memref<64xi32, #tpu.memory_space<vmem>>
          %dma_start3A_276 = tpu.memref_slice %arg3[%add3A_245] : memref<90112xi32, #tpu.memory_space<hbm>> -> memref<64xi32, #tpu.memory_space<hbm>>
          %dma_start3A_277 = arith.constant 0 : i32
          %dma_start3A_278 = tpu.memref_slice %arg5[%run_scoped3A_246, %dma_start3A_277] : memref<4x64xi32, #tpu.memory_space<vmem>> -> memref<1x64xi32, #tpu.memory_space<vmem>>
          %dma_start3A_279 = tpu.memref_squeeze %dma_start3A_278 : memref<1x64xi32, #tpu.memory_space<vmem>> -> memref<64xi32, #tpu.memory_space<vmem>>
          %dma_start3A_280 = tpu.memref_slice %arg3[%add3A_245] : memref<90112xi32, #tpu.memory_space<hbm>> -> memref<64xi32, #tpu.memory_space<hbm>>
          tpu.enqueue_dma source(%dma_start3A_280 : memref<64xi32, #tpu.memory_space<hbm>>) target(%dma_start3A_279 : memref<64xi32, #tpu.memory_space<vmem>>) target_semaphore(%run_scoped3A_272 : memref<!tpu.dma_semaphore, #tpu.memory_space<semaphore_mem>>)
          %dma_wait3A_281 = arith.constant 0 : i32
          %dma_wait3A_282 = tpu.memref_slice %arg5[%run_scoped3A_246, %dma_wait3A_281] : memref<4x64xi32, #tpu.memory_space<vmem>> -> memref<1x64xi32, #tpu.memory_space<vmem>>
          %dma_wait3A_283 = tpu.memref_squeeze %dma_wait3A_282 : memref<1x64xi32, #tpu.memory_space<vmem>> -> memref<64xi32, #tpu.memory_space<vmem>>
          %dma_wait3A_284 = tpu.memref_slice %arg3[%add3A_245] : memref<90112xi32, #tpu.memory_space<hbm>> -> memref<64xi32, #tpu.memory_space<hbm>>
          %dma_wait3A_285 = arith.constant 0 : i32
          %dma_wait3A_286 = tpu.memref_slice %arg5[%run_scoped3A_246, %dma_wait3A_285] : memref<4x64xi32, #tpu.memory_space<vmem>> -> memref<1x64xi32, #tpu.memory_space<vmem>>
          %dma_wait3A_287 = tpu.memref_squeeze %dma_wait3A_286 : memref<1x64xi32, #tpu.memory_space<vmem>> -> memref<64xi32, #tpu.memory_space<vmem>>
          %dma_wait3A_288 = tpu.memref_slice %arg3[%add3A_245] : memref<90112xi32, #tpu.memory_space<hbm>> -> memref<64xi32, #tpu.memory_space<hbm>>
          tpu.wait_dma2 semaphore(%run_scoped3A_272 : memref<!tpu.dma_semaphore, #tpu.memory_space<semaphore_mem>>) src(%dma_wait3A_288 : memref<64xi32, #tpu.memory_space<hbm>>) dst(%dma_wait3A_287 : memref<64xi32, #tpu.memory_space<vmem>>)
          tpu.yield
        }) : () -> ()
        %dma_wait3A_247 = arith.constant 1 : i32
        %dma_wait3A_248 = arith.constant 0 : i32
        %dma_wait3A_249 = arith.constant 0 : i32
        %dma_wait3A_250 = tpu.memref_slice %arg6[%dma_wait3A_247, %dma_wait3A_248, %dma_wait3A_249] : memref<4x64x256xf32, #tpu.memory_space<vmem>> -> memref<1x64x256xf32, #tpu.memory_space<vmem>>
        %dma_wait3A_251 = tpu.memref_squeeze %dma_wait3A_250 : memref<1x64x256xf32, #tpu.memory_space<vmem>> -> memref<64x256xf32, #tpu.memory_space<vmem>>
        %dma_wait3A_252 = arith.constant 0 : i32
        %dma_wait3A_253 = tpu.memref_slice %arg4[%add3A_115, %dma_wait3A_252] : memref<90112x256xf32, #tpu.memory_space<hbm>> -> memref<64x256xf32, #tpu.memory_space<hbm>>
        %dma_wait3A_254 = arith.constant 0 : i32
        %dma_wait3A_255 = tpu.memref_slice %arg4[%add3A_115, %dma_wait3A_254] : memref<90112x256xf32, #tpu.memory_space<hbm>> -> memref<64x256xf32, #tpu.memory_space<hbm>>
        %dma_wait3A_256 = arith.constant 0 : i32
        %dma_wait3A_257 = arith.constant 0 : i32
        %dma_wait3A_258 = tpu.memref_slice %arg6[%dma_wait3A_247, %dma_wait3A_256, %dma_wait3A_257] : memref<4x64x256xf32, #tpu.memory_space<vmem>> -> memref<1x64x256xf32, #tpu.memory_space<vmem>>
        %dma_wait3A_259 = tpu.memref_squeeze %dma_wait3A_258 : memref<1x64x256xf32, #tpu.memory_space<vmem>> -> memref<64x256xf32, #tpu.memory_space<vmem>>
        tpu.wait_dma2 semaphore(%arg12 : memref<!tpu.dma_semaphore, #tpu.memory_space<semaphore_mem>>) src(%dma_wait3A_259 : memref<64x256xf32, #tpu.memory_space<vmem>>) dst(%dma_wait3A_255 : memref<64x256xf32, #tpu.memory_space<hbm>>)
        %dma_start3A_260 = arith.constant 1 : i32
        %dma_start3A_261 = arith.constant 1 : i32
        %dma_start3A_262 = arith.constant 0 : i32
        %dma_start3A_263 = arith.constant 0 : i32
        %dma_start3A_264 = tpu.memref_slice %arg6[%dma_start3A_261, %dma_start3A_262, %dma_start3A_263] : memref<4x64x256xf32, #tpu.memory_space<vmem>> -> memref<1x64x256xf32, #tpu.memory_space<vmem>>
        %dma_start3A_265 = tpu.memref_squeeze %dma_start3A_264 : memref<1x64x256xf32, #tpu.memory_space<vmem>> -> memref<64x256xf32, #tpu.memory_space<vmem>>
        %dma_start3A_266 = arith.constant 0 : i32
        %dma_start3A_267 = tpu.memref_slice %arg5[%dma_start3A_260, %dma_start3A_266] : memref<4x64xi32, #tpu.memory_space<vmem>> -> memref<1x64xi32, #tpu.memory_space<vmem>>
        %dma_start3A_268 = tpu.memref_squeeze %dma_start3A_267 : memref<1x64xi32, #tpu.memory_space<vmem>> -> memref<64xi32, #tpu.memory_space<vmem>>
        %dma_start3A_269 = arith.constant 0 : i32
        %dma_start3A_270 = arith.constant 0 : i32
        %dma_start3A_271 = tpu.memref_slice %arg2[%dma_start3A_269, %dma_start3A_270] : memref<50000x256xf32, #tpu.memory_space<hbm>> -> memref<50000x256xf32, #tpu.memory_space<hbm>>
        tpu.enqueue_indirect_dma source(%dma_start3A_271 : memref<50000x256xf32, #tpu.memory_space<hbm>>) target(%dma_start3A_265 : memref<64x256xf32, #tpu.memory_space<vmem>>) offsets(%dma_start3A_268 : memref<64xi32, #tpu.memory_space<vmem>>) semaphore(%arg8 : memref<!tpu.dma_semaphore, #tpu.memory_space<semaphore_mem>>)
      } else {
      }
      %ge3A_150 = arith.constant 44 : i32
      %ge3A_151 = arith.cmpi sge, %add3A_144, %ge3A_150 : i32
      %convert_element_type3A_152 = arith.extui %ge3A_151 : i1 to i32
      %cond3A_153 = arith.constant 0 : i32
      %cond3A_154 = arith.cmpi ne, %convert_element_type3A_152, %cond3A_153 : i32
      scf.if %cond3A_154 {
        %dma_wait3A_243 = arith.constant 1 : i32
        %dma_wait3A_244 = arith.constant 0 : i32
        %dma_wait3A_245 = arith.constant 0 : i32
        %dma_wait3A_246 = tpu.memref_slice %arg6[%dma_wait3A_243, %dma_wait3A_244, %dma_wait3A_245] : memref<4x64x256xf32, #tpu.memory_space<vmem>> -> memref<1x64x256xf32, #tpu.memory_space<vmem>>
        %dma_wait3A_247 = tpu.memref_squeeze %dma_wait3A_246 : memref<1x64x256xf32, #tpu.memory_space<vmem>> -> memref<64x256xf32, #tpu.memory_space<vmem>>
        %dma_wait3A_248 = arith.constant 0 : i32
        %dma_wait3A_249 = tpu.memref_slice %arg4[%add3A_115, %dma_wait3A_248] : memref<90112x256xf32, #tpu.memory_space<hbm>> -> memref<64x256xf32, #tpu.memory_space<hbm>>
        %dma_wait3A_250 = arith.constant 0 : i32
        %dma_wait3A_251 = tpu.memref_slice %arg4[%add3A_115, %dma_wait3A_250] : memref<90112x256xf32, #tpu.memory_space<hbm>> -> memref<64x256xf32, #tpu.memory_space<hbm>>
        %dma_wait3A_252 = arith.constant 0 : i32
        %dma_wait3A_253 = arith.constant 0 : i32
        %dma_wait3A_254 = tpu.memref_slice %arg6[%dma_wait3A_243, %dma_wait3A_252, %dma_wait3A_253] : memref<4x64x256xf32, #tpu.memory_space<vmem>> -> memref<1x64x256xf32, #tpu.memory_space<vmem>>
        %dma_wait3A_255 = tpu.memref_squeeze %dma_wait3A_254 : memref<1x64x256xf32, #tpu.memory_space<vmem>> -> memref<64x256xf32, #tpu.memory_space<vmem>>
        tpu.wait_dma2 semaphore(%arg12 : memref<!tpu.dma_semaphore, #tpu.memory_space<semaphore_mem>>) src(%dma_wait3A_255 : memref<64x256xf32, #tpu.memory_space<vmem>>) dst(%dma_wait3A_251 : memref<64x256xf32, #tpu.memory_space<hbm>>)
      } else {
      }
      %add3A_155 = arith.constant 2 : i32
      %add3A_156 = arith.addi %mul3A_71, %add3A_155 : i32
      %mul3A_157 = arith.constant 64 : i32
      %mul3A_158 = arith.muli %add3A_156, %mul3A_157 : i32
      %add3A_159 = arith.addi %mul3A_2, %mul3A_158 : i32
      %dma_wait3A_160 = arith.constant 2 : i32
      %dma_wait3A_161 = arith.constant 2 : i32
      %dma_wait3A_162 = arith.constant 0 : i32
      %dma_wait3A_163 = arith.constant 0 : i32
      %dma_wait3A_164 = tpu.memref_slice %arg6[%dma_wait3A_161, %dma_wait3A_162, %dma_wait3A_163] : memref<4x64x256xf32, #tpu.memory_space<vmem>> -> memref<1x64x256xf32, #tpu.memory_space<vmem>>
      %dma_wait3A_165 = tpu.memref_squeeze %dma_wait3A_164 : memref<1x64x256xf32, #tpu.memory_space<vmem>> -> memref<64x256xf32, #tpu.memory_space<vmem>>
      %dma_wait3A_166 = arith.constant 0 : i32
      %dma_wait3A_167 = tpu.memref_slice %arg5[%dma_wait3A_160, %dma_wait3A_166] : memref<4x64xi32, #tpu.memory_space<vmem>> -> memref<1x64xi32, #tpu.memory_space<vmem>>
      %dma_wait3A_168 = tpu.memref_squeeze %dma_wait3A_167 : memref<1x64xi32, #tpu.memory_space<vmem>> -> memref<64xi32, #tpu.memory_space<vmem>>
      %dma_wait3A_169 = arith.constant 0 : i32
      %dma_wait3A_170 = arith.constant 0 : i32
      %dma_wait3A_171 = tpu.memref_slice %arg2[%dma_wait3A_169, %dma_wait3A_170] : memref<50000x256xf32, #tpu.memory_space<hbm>> -> memref<50000x256xf32, #tpu.memory_space<hbm>>
      tpu.wait_indirect_dma semaphore(%arg9 : memref<!tpu.dma_semaphore, #tpu.memory_space<semaphore_mem>>) src(%dma_wait3A_171 : memref<50000x256xf32, #tpu.memory_space<hbm>>) dst(%dma_wait3A_165 : memref<64x256xf32, #tpu.memory_space<vmem>>)
      %dma_start3A_172 = arith.constant 2 : i32
      %dma_start3A_173 = arith.constant 0 : i32
      %dma_start3A_174 = arith.constant 0 : i32
      %dma_start3A_175 = tpu.memref_slice %arg6[%dma_start3A_172, %dma_start3A_173, %dma_start3A_174] : memref<4x64x256xf32, #tpu.memory_space<vmem>> -> memref<1x64x256xf32, #tpu.memory_space<vmem>>
      %dma_start3A_176 = tpu.memref_squeeze %dma_start3A_175 : memref<1x64x256xf32, #tpu.memory_space<vmem>> -> memref<64x256xf32, #tpu.memory_space<vmem>>
      %dma_start3A_177 = arith.constant 0 : i32
      %dma_start3A_178 = tpu.memref_slice %arg4[%add3A_159, %dma_start3A_177] : memref<90112x256xf32, #tpu.memory_space<hbm>> -> memref<64x256xf32, #tpu.memory_space<hbm>>
      %dma_start3A_179 = arith.constant 0 : i32
      %dma_start3A_180 = tpu.memref_slice %arg4[%add3A_159, %dma_start3A_179] : memref<90112x256xf32, #tpu.memory_space<hbm>> -> memref<64x256xf32, #tpu.memory_space<hbm>>
      %dma_start3A_181 = arith.constant 0 : i32
      %dma_start3A_182 = arith.constant 0 : i32
      %dma_start3A_183 = tpu.memref_slice %arg6[%dma_start3A_172, %dma_start3A_181, %dma_start3A_182] : memref<4x64x256xf32, #tpu.memory_space<vmem>> -> memref<1x64x256xf32, #tpu.memory_space<vmem>>
      %dma_start3A_184 = tpu.memref_squeeze %dma_start3A_183 : memref<1x64x256xf32, #tpu.memory_space<vmem>> -> memref<64x256xf32, #tpu.memory_space<vmem>>
      tpu.enqueue_dma source(%dma_start3A_184 : memref<64x256xf32, #tpu.memory_space<vmem>>) target(%dma_start3A_180 : memref<64x256xf32, #tpu.memory_space<hbm>>) target_semaphore(%arg13 : memref<!tpu.dma_semaphore, #tpu.memory_space<semaphore_mem>>)
      %add3A_185 = arith.constant 4 : i32
      %add3A_186 = arith.addi %mul3A_71, %add3A_185 : i32
      %add3A_187 = arith.constant 2 : i32
      %add3A_188 = arith.addi %add3A_186, %add3A_187 : i32
      %lt3A_189 = arith.constant 44 : i32
      %lt3A_190 = arith.cmpi slt, %add3A_188, %lt3A_189 : i32
      %convert_element_type3A_191 = arith.extui %lt3A_190 : i1 to i32
      %cond3A_192 = arith.constant 0 : i32
      %cond3A_193 = arith.cmpi ne, %convert_element_type3A_191, %cond3A_192 : i32
      scf.if %cond3A_193 {
        %mul3A_243 = arith.constant 64 : i32
        %mul3A_244 = arith.muli %add3A_188, %mul3A_243 : i32
        %add3A_245 = arith.addi %mul3A_2, %mul3A_244 : i32
        %run_scoped3A_246 = arith.constant 2 : i32
        "tpu.region"() ({
          %run_scoped3A_272 = tpu.sem_alloc : memref<!tpu.dma_semaphore, #tpu.memory_space<semaphore_mem>>
          %dma_start3A_273 = arith.constant 0 : i32
          %dma_start3A_274 = tpu.memref_slice %arg5[%run_scoped3A_246, %dma_start3A_273] : memref<4x64xi32, #tpu.memory_space<vmem>> -> memref<1x64xi32, #tpu.memory_space<vmem>>
          %dma_start3A_275 = tpu.memref_squeeze %dma_start3A_274 : memref<1x64xi32, #tpu.memory_space<vmem>> -> memref<64xi32, #tpu.memory_space<vmem>>
          %dma_start3A_276 = tpu.memref_slice %arg3[%add3A_245] : memref<90112xi32, #tpu.memory_space<hbm>> -> memref<64xi32, #tpu.memory_space<hbm>>
          %dma_start3A_277 = arith.constant 0 : i32
          %dma_start3A_278 = tpu.memref_slice %arg5[%run_scoped3A_246, %dma_start3A_277] : memref<4x64xi32, #tpu.memory_space<vmem>> -> memref<1x64xi32, #tpu.memory_space<vmem>>
          %dma_start3A_279 = tpu.memref_squeeze %dma_start3A_278 : memref<1x64xi32, #tpu.memory_space<vmem>> -> memref<64xi32, #tpu.memory_space<vmem>>
          %dma_start3A_280 = tpu.memref_slice %arg3[%add3A_245] : memref<90112xi32, #tpu.memory_space<hbm>> -> memref<64xi32, #tpu.memory_space<hbm>>
          tpu.enqueue_dma source(%dma_start3A_280 : memref<64xi32, #tpu.memory_space<hbm>>) target(%dma_start3A_279 : memref<64xi32, #tpu.memory_space<vmem>>) target_semaphore(%run_scoped3A_272 : memref<!tpu.dma_semaphore, #tpu.memory_space<semaphore_mem>>)
          %dma_wait3A_281 = arith.constant 0 : i32
          %dma_wait3A_282 = tpu.memref_slice %arg5[%run_scoped3A_246, %dma_wait3A_281] : memref<4x64xi32, #tpu.memory_space<vmem>> -> memref<1x64xi32, #tpu.memory_space<vmem>>
          %dma_wait3A_283 = tpu.memref_squeeze %dma_wait3A_282 : memref<1x64xi32, #tpu.memory_space<vmem>> -> memref<64xi32, #tpu.memory_space<vmem>>
          %dma_wait3A_284 = tpu.memref_slice %arg3[%add3A_245] : memref<90112xi32, #tpu.memory_space<hbm>> -> memref<64xi32, #tpu.memory_space<hbm>>
          %dma_wait3A_285 = arith.constant 0 : i32
          %dma_wait3A_286 = tpu.memref_slice %arg5[%run_scoped3A_246, %dma_wait3A_285] : memref<4x64xi32, #tpu.memory_space<vmem>> -> memref<1x64xi32, #tpu.memory_space<vmem>>
          %dma_wait3A_287 = tpu.memref_squeeze %dma_wait3A_286 : memref<1x64xi32, #tpu.memory_space<vmem>> -> memref<64xi32, #tpu.memory_space<vmem>>
          %dma_wait3A_288 = tpu.memref_slice %arg3[%add3A_245] : memref<90112xi32, #tpu.memory_space<hbm>> -> memref<64xi32, #tpu.memory_space<hbm>>
          tpu.wait_dma2 semaphore(%run_scoped3A_272 : memref<!tpu.dma_semaphore, #tpu.memory_space<semaphore_mem>>) src(%dma_wait3A_288 : memref<64xi32, #tpu.memory_space<hbm>>) dst(%dma_wait3A_287 : memref<64xi32, #tpu.memory_space<vmem>>)
          tpu.yield
        }) : () -> ()
        %dma_wait3A_247 = arith.constant 2 : i32
        %dma_wait3A_248 = arith.constant 0 : i32
        %dma_wait3A_249 = arith.constant 0 : i32
        %dma_wait3A_250 = tpu.memref_slice %arg6[%dma_wait3A_247, %dma_wait3A_248, %dma_wait3A_249] : memref<4x64x256xf32, #tpu.memory_space<vmem>> -> memref<1x64x256xf32, #tpu.memory_space<vmem>>
        %dma_wait3A_251 = tpu.memref_squeeze %dma_wait3A_250 : memref<1x64x256xf32, #tpu.memory_space<vmem>> -> memref<64x256xf32, #tpu.memory_space<vmem>>
        %dma_wait3A_252 = arith.constant 0 : i32
        %dma_wait3A_253 = tpu.memref_slice %arg4[%add3A_159, %dma_wait3A_252] : memref<90112x256xf32, #tpu.memory_space<hbm>> -> memref<64x256xf32, #tpu.memory_space<hbm>>
        %dma_wait3A_254 = arith.constant 0 : i32
        %dma_wait3A_255 = tpu.memref_slice %arg4[%add3A_159, %dma_wait3A_254] : memref<90112x256xf32, #tpu.memory_space<hbm>> -> memref<64x256xf32, #tpu.memory_space<hbm>>
        %dma_wait3A_256 = arith.constant 0 : i32
        %dma_wait3A_257 = arith.constant 0 : i32
        %dma_wait3A_258 = tpu.memref_slice %arg6[%dma_wait3A_247, %dma_wait3A_256, %dma_wait3A_257] : memref<4x64x256xf32, #tpu.memory_space<vmem>> -> memref<1x64x256xf32, #tpu.memory_space<vmem>>
        %dma_wait3A_259 = tpu.memref_squeeze %dma_wait3A_258 : memref<1x64x256xf32, #tpu.memory_space<vmem>> -> memref<64x256xf32, #tpu.memory_space<vmem>>
        tpu.wait_dma2 semaphore(%arg13 : memref<!tpu.dma_semaphore, #tpu.memory_space<semaphore_mem>>) src(%dma_wait3A_259 : memref<64x256xf32, #tpu.memory_space<vmem>>) dst(%dma_wait3A_255 : memref<64x256xf32, #tpu.memory_space<hbm>>)
        %dma_start3A_260 = arith.constant 2 : i32
        %dma_start3A_261 = arith.constant 2 : i32
        %dma_start3A_262 = arith.constant 0 : i32
        %dma_start3A_263 = arith.constant 0 : i32
        %dma_start3A_264 = tpu.memref_slice %arg6[%dma_start3A_261, %dma_start3A_262, %dma_start3A_263] : memref<4x64x256xf32, #tpu.memory_space<vmem>> -> memref<1x64x256xf32, #tpu.memory_space<vmem>>
        %dma_start3A_265 = tpu.memref_squeeze %dma_start3A_264 : memref<1x64x256xf32, #tpu.memory_space<vmem>> -> memref<64x256xf32, #tpu.memory_space<vmem>>
        %dma_start3A_266 = arith.constant 0 : i32
        %dma_start3A_267 = tpu.memref_slice %arg5[%dma_start3A_260, %dma_start3A_266] : memref<4x64xi32, #tpu.memory_space<vmem>> -> memref<1x64xi32, #tpu.memory_space<vmem>>
        %dma_start3A_268 = tpu.memref_squeeze %dma_start3A_267 : memref<1x64xi32, #tpu.memory_space<vmem>> -> memref<64xi32, #tpu.memory_space<vmem>>
        %dma_start3A_269 = arith.constant 0 : i32
        %dma_start3A_270 = arith.constant 0 : i32
        %dma_start3A_271 = tpu.memref_slice %arg2[%dma_start3A_269, %dma_start3A_270] : memref<50000x256xf32, #tpu.memory_space<hbm>> -> memref<50000x256xf32, #tpu.memory_space<hbm>>
        tpu.enqueue_indirect_dma source(%dma_start3A_271 : memref<50000x256xf32, #tpu.memory_space<hbm>>) target(%dma_start3A_265 : memref<64x256xf32, #tpu.memory_space<vmem>>) offsets(%dma_start3A_268 : memref<64xi32, #tpu.memory_space<vmem>>) semaphore(%arg9 : memref<!tpu.dma_semaphore, #tpu.memory_space<semaphore_mem>>)
      } else {
      }
      %ge3A_194 = arith.constant 44 : i32
      %ge3A_195 = arith.cmpi sge, %add3A_188, %ge3A_194 : i32
      %convert_element_type3A_196 = arith.extui %ge3A_195 : i1 to i32
      %cond3A_197 = arith.constant 0 : i32
      %cond3A_198 = arith.cmpi ne, %convert_element_type3A_196, %cond3A_197 : i32
      scf.if %cond3A_198 {
        %dma_wait3A_243 = arith.constant 2 : i32
        %dma_wait3A_244 = arith.constant 0 : i32
        %dma_wait3A_245 = arith.constant 0 : i32
        %dma_wait3A_246 = tpu.memref_slice %arg6[%dma_wait3A_243, %dma_wait3A_244, %dma_wait3A_245] : memref<4x64x256xf32, #tpu.memory_space<vmem>> -> memref<1x64x256xf32, #tpu.memory_space<vmem>>
        %dma_wait3A_247 = tpu.memref_squeeze %dma_wait3A_246 : memref<1x64x256xf32, #tpu.memory_space<vmem>> -> memref<64x256xf32, #tpu.memory_space<vmem>>
        %dma_wait3A_248 = arith.constant 0 : i32
        %dma_wait3A_249 = tpu.memref_slice %arg4[%add3A_159, %dma_wait3A_248] : memref<90112x256xf32, #tpu.memory_space<hbm>> -> memref<64x256xf32, #tpu.memory_space<hbm>>
        %dma_wait3A_250 = arith.constant 0 : i32
        %dma_wait3A_251 = tpu.memref_slice %arg4[%add3A_159, %dma_wait3A_250] : memref<90112x256xf32, #tpu.memory_space<hbm>> -> memref<64x256xf32, #tpu.memory_space<hbm>>
        %dma_wait3A_252 = arith.constant 0 : i32
        %dma_wait3A_253 = arith.constant 0 : i32
        %dma_wait3A_254 = tpu.memref_slice %arg6[%dma_wait3A_243, %dma_wait3A_252, %dma_wait3A_253] : memref<4x64x256xf32, #tpu.memory_space<vmem>> -> memref<1x64x256xf32, #tpu.memory_space<vmem>>
        %dma_wait3A_255 = tpu.memref_squeeze %dma_wait3A_254 : memref<1x64x256xf32, #tpu.memory_space<vmem>> -> memref<64x256xf32, #tpu.memory_space<vmem>>
        tpu.wait_dma2 semaphore(%arg13 : memref<!tpu.dma_semaphore, #tpu.memory_space<semaphore_mem>>) src(%dma_wait3A_255 : memref<64x256xf32, #tpu.memory_space<vmem>>) dst(%dma_wait3A_251 : memref<64x256xf32, #tpu.memory_space<hbm>>)
      } else {
      }
      %add3A_199 = arith.constant 3 : i32
      %add3A_200 = arith.addi %mul3A_71, %add3A_199 : i32
      %mul3A_201 = arith.constant 64 : i32
      %mul3A_202 = arith.muli %add3A_200, %mul3A_201 : i32
      %add3A_203 = arith.addi %mul3A_2, %mul3A_202 : i32
      %dma_wait3A_204 = arith.constant 3 : i32
      %dma_wait3A_205 = arith.constant 3 : i32
      %dma_wait3A_206 = arith.constant 0 : i32
      %dma_wait3A_207 = arith.constant 0 : i32
      %dma_wait3A_208 = tpu.memref_slice %arg6[%dma_wait3A_205, %dma_wait3A_206, %dma_wait3A_207] : memref<4x64x256xf32, #tpu.memory_space<vmem>> -> memref<1x64x256xf32, #tpu.memory_space<vmem>>
      %dma_wait3A_209 = tpu.memref_squeeze %dma_wait3A_208 : memref<1x64x256xf32, #tpu.memory_space<vmem>> -> memref<64x256xf32, #tpu.memory_space<vmem>>
      %dma_wait3A_210 = arith.constant 0 : i32
      %dma_wait3A_211 = tpu.memref_slice %arg5[%dma_wait3A_204, %dma_wait3A_210] : memref<4x64xi32, #tpu.memory_space<vmem>> -> memref<1x64xi32, #tpu.memory_space<vmem>>
      %dma_wait3A_212 = tpu.memref_squeeze %dma_wait3A_211 : memref<1x64xi32, #tpu.memory_space<vmem>> -> memref<64xi32, #tpu.memory_space<vmem>>
      %dma_wait3A_213 = arith.constant 0 : i32
      %dma_wait3A_214 = arith.constant 0 : i32
      %dma_wait3A_215 = tpu.memref_slice %arg2[%dma_wait3A_213, %dma_wait3A_214] : memref<50000x256xf32, #tpu.memory_space<hbm>> -> memref<50000x256xf32, #tpu.memory_space<hbm>>
      tpu.wait_indirect_dma semaphore(%arg10 : memref<!tpu.dma_semaphore, #tpu.memory_space<semaphore_mem>>) src(%dma_wait3A_215 : memref<50000x256xf32, #tpu.memory_space<hbm>>) dst(%dma_wait3A_209 : memref<64x256xf32, #tpu.memory_space<vmem>>)
      %dma_start3A_216 = arith.constant 3 : i32
      %dma_start3A_217 = arith.constant 0 : i32
      %dma_start3A_218 = arith.constant 0 : i32
      %dma_start3A_219 = tpu.memref_slice %arg6[%dma_start3A_216, %dma_start3A_217, %dma_start3A_218] : memref<4x64x256xf32, #tpu.memory_space<vmem>> -> memref<1x64x256xf32, #tpu.memory_space<vmem>>
      %dma_start3A_220 = tpu.memref_squeeze %dma_start3A_219 : memref<1x64x256xf32, #tpu.memory_space<vmem>> -> memref<64x256xf32, #tpu.memory_space<vmem>>
      %dma_start3A_221 = arith.constant 0 : i32
      %dma_start3A_222 = tpu.memref_slice %arg4[%add3A_203, %dma_start3A_221] : memref<90112x256xf32, #tpu.memory_space<hbm>> -> memref<64x256xf32, #tpu.memory_space<hbm>>
      %dma_start3A_223 = arith.constant 0 : i32
      %dma_start3A_224 = tpu.memref_slice %arg4[%add3A_203, %dma_start3A_223] : memref<90112x256xf32, #tpu.memory_space<hbm>> -> memref<64x256xf32, #tpu.memory_space<hbm>>
      %dma_start3A_225 = arith.constant 0 : i32
      %dma_start3A_226 = arith.constant 0 : i32
      %dma_start3A_227 = tpu.memref_slice %arg6[%dma_start3A_216, %dma_start3A_225, %dma_start3A_226] : memref<4x64x256xf32, #tpu.memory_space<vmem>> -> memref<1x64x256xf32, #tpu.memory_space<vmem>>
      %dma_start3A_228 = tpu.memref_squeeze %dma_start3A_227 : memref<1x64x256xf32, #tpu.memory_space<vmem>> -> memref<64x256xf32, #tpu.memory_space<vmem>>
      tpu.enqueue_dma source(%dma_start3A_228 : memref<64x256xf32, #tpu.memory_space<vmem>>) target(%dma_start3A_224 : memref<64x256xf32, #tpu.memory_space<hbm>>) target_semaphore(%arg14 : memref<!tpu.dma_semaphore, #tpu.memory_space<semaphore_mem>>)
      %add3A_229 = arith.constant 4 : i32
      %add3A_230 = arith.addi %mul3A_71, %add3A_229 : i32
      %add3A_231 = arith.constant 3 : i32
      %add3A_232 = arith.addi %add3A_230, %add3A_231 : i32
      %lt3A_233 = arith.constant 44 : i32
      %lt3A_234 = arith.cmpi slt, %add3A_232, %lt3A_233 : i32
      %convert_element_type3A_235 = arith.extui %lt3A_234 : i1 to i32
      %cond3A_236 = arith.constant 0 : i32
      %cond3A_237 = arith.cmpi ne, %convert_element_type3A_235, %cond3A_236 : i32
      scf.if %cond3A_237 {
        %mul3A_243 = arith.constant 64 : i32
        %mul3A_244 = arith.muli %add3A_232, %mul3A_243 : i32
        %add3A_245 = arith.addi %mul3A_2, %mul3A_244 : i32
        %run_scoped3A_246 = arith.constant 3 : i32
        "tpu.region"() ({
          %run_scoped3A_272 = tpu.sem_alloc : memref<!tpu.dma_semaphore, #tpu.memory_space<semaphore_mem>>
          %dma_start3A_273 = arith.constant 0 : i32
          %dma_start3A_274 = tpu.memref_slice %arg5[%run_scoped3A_246, %dma_start3A_273] : memref<4x64xi32, #tpu.memory_space<vmem>> -> memref<1x64xi32, #tpu.memory_space<vmem>>
          %dma_start3A_275 = tpu.memref_squeeze %dma_start3A_274 : memref<1x64xi32, #tpu.memory_space<vmem>> -> memref<64xi32, #tpu.memory_space<vmem>>
          %dma_start3A_276 = tpu.memref_slice %arg3[%add3A_245] : memref<90112xi32, #tpu.memory_space<hbm>> -> memref<64xi32, #tpu.memory_space<hbm>>
          %dma_start3A_277 = arith.constant 0 : i32
          %dma_start3A_278 = tpu.memref_slice %arg5[%run_scoped3A_246, %dma_start3A_277] : memref<4x64xi32, #tpu.memory_space<vmem>> -> memref<1x64xi32, #tpu.memory_space<vmem>>
          %dma_start3A_279 = tpu.memref_squeeze %dma_start3A_278 : memref<1x64xi32, #tpu.memory_space<vmem>> -> memref<64xi32, #tpu.memory_space<vmem>>
          %dma_start3A_280 = tpu.memref_slice %arg3[%add3A_245] : memref<90112xi32, #tpu.memory_space<hbm>> -> memref<64xi32, #tpu.memory_space<hbm>>
          tpu.enqueue_dma source(%dma_start3A_280 : memref<64xi32, #tpu.memory_space<hbm>>) target(%dma_start3A_279 : memref<64xi32, #tpu.memory_space<vmem>>) target_semaphore(%run_scoped3A_272 : memref<!tpu.dma_semaphore, #tpu.memory_space<semaphore_mem>>)
          %dma_wait3A_281 = arith.constant 0 : i32
          %dma_wait3A_282 = tpu.memref_slice %arg5[%run_scoped3A_246, %dma_wait3A_281] : memref<4x64xi32, #tpu.memory_space<vmem>> -> memref<1x64xi32, #tpu.memory_space<vmem>>
          %dma_wait3A_283 = tpu.memref_squeeze %dma_wait3A_282 : memref<1x64xi32, #tpu.memory_space<vmem>> -> memref<64xi32, #tpu.memory_space<vmem>>
          %dma_wait3A_284 = tpu.memref_slice %arg3[%add3A_245] : memref<90112xi32, #tpu.memory_space<hbm>> -> memref<64xi32, #tpu.memory_space<hbm>>
          %dma_wait3A_285 = arith.constant 0 : i32
          %dma_wait3A_286 = tpu.memref_slice %arg5[%run_scoped3A_246, %dma_wait3A_285] : memref<4x64xi32, #tpu.memory_space<vmem>> -> memref<1x64xi32, #tpu.memory_space<vmem>>
          %dma_wait3A_287 = tpu.memref_squeeze %dma_wait3A_286 : memref<1x64xi32, #tpu.memory_space<vmem>> -> memref<64xi32, #tpu.memory_space<vmem>>
          %dma_wait3A_288 = tpu.memref_slice %arg3[%add3A_245] : memref<90112xi32, #tpu.memory_space<hbm>> -> memref<64xi32, #tpu.memory_space<hbm>>
          tpu.wait_dma2 semaphore(%run_scoped3A_272 : memref<!tpu.dma_semaphore, #tpu.memory_space<semaphore_mem>>) src(%dma_wait3A_288 : memref<64xi32, #tpu.memory_space<hbm>>) dst(%dma_wait3A_287 : memref<64xi32, #tpu.memory_space<vmem>>)
          tpu.yield
        }) : () -> ()
        %dma_wait3A_247 = arith.constant 3 : i32
        %dma_wait3A_248 = arith.constant 0 : i32
        %dma_wait3A_249 = arith.constant 0 : i32
        %dma_wait3A_250 = tpu.memref_slice %arg6[%dma_wait3A_247, %dma_wait3A_248, %dma_wait3A_249] : memref<4x64x256xf32, #tpu.memory_space<vmem>> -> memref<1x64x256xf32, #tpu.memory_space<vmem>>
        %dma_wait3A_251 = tpu.memref_squeeze %dma_wait3A_250 : memref<1x64x256xf32, #tpu.memory_space<vmem>> -> memref<64x256xf32, #tpu.memory_space<vmem>>
        %dma_wait3A_252 = arith.constant 0 : i32
        %dma_wait3A_253 = tpu.memref_slice %arg4[%add3A_203, %dma_wait3A_252] : memref<90112x256xf32, #tpu.memory_space<hbm>> -> memref<64x256xf32, #tpu.memory_space<hbm>>
        %dma_wait3A_254 = arith.constant 0 : i32
        %dma_wait3A_255 = tpu.memref_slice %arg4[%add3A_203, %dma_wait3A_254] : memref<90112x256xf32, #tpu.memory_space<hbm>> -> memref<64x256xf32, #tpu.memory_space<hbm>>
        %dma_wait3A_256 = arith.constant 0 : i32
        %dma_wait3A_257 = arith.constant 0 : i32
        %dma_wait3A_258 = tpu.memref_slice %arg6[%dma_wait3A_247, %dma_wait3A_256, %dma_wait3A_257] : memref<4x64x256xf32, #tpu.memory_space<vmem>> -> memref<1x64x256xf32, #tpu.memory_space<vmem>>
        %dma_wait3A_259 = tpu.memref_squeeze %dma_wait3A_258 : memref<1x64x256xf32, #tpu.memory_space<vmem>> -> memref<64x256xf32, #tpu.memory_space<vmem>>
        tpu.wait_dma2 semaphore(%arg14 : memref<!tpu.dma_semaphore, #tpu.memory_space<semaphore_mem>>) src(%dma_wait3A_259 : memref<64x256xf32, #tpu.memory_space<vmem>>) dst(%dma_wait3A_255 : memref<64x256xf32, #tpu.memory_space<hbm>>)
        %dma_start3A_260 = arith.constant 3 : i32
        %dma_start3A_261 = arith.constant 3 : i32
        %dma_start3A_262 = arith.constant 0 : i32
        %dma_start3A_263 = arith.constant 0 : i32
        %dma_start3A_264 = tpu.memref_slice %arg6[%dma_start3A_261, %dma_start3A_262, %dma_start3A_263] : memref<4x64x256xf32, #tpu.memory_space<vmem>> -> memref<1x64x256xf32, #tpu.memory_space<vmem>>
        %dma_start3A_265 = tpu.memref_squeeze %dma_start3A_264 : memref<1x64x256xf32, #tpu.memory_space<vmem>> -> memref<64x256xf32, #tpu.memory_space<vmem>>
        %dma_start3A_266 = arith.constant 0 : i32
        %dma_start3A_267 = tpu.memref_slice %arg5[%dma_start3A_260, %dma_start3A_266] : memref<4x64xi32, #tpu.memory_space<vmem>> -> memref<1x64xi32, #tpu.memory_space<vmem>>
        %dma_start3A_268 = tpu.memref_squeeze %dma_start3A_267 : memref<1x64xi32, #tpu.memory_space<vmem>> -> memref<64xi32, #tpu.memory_space<vmem>>
        %dma_start3A_269 = arith.constant 0 : i32
        %dma_start3A_270 = arith.constant 0 : i32
        %dma_start3A_271 = tpu.memref_slice %arg2[%dma_start3A_269, %dma_start3A_270] : memref<50000x256xf32, #tpu.memory_space<hbm>> -> memref<50000x256xf32, #tpu.memory_space<hbm>>
        tpu.enqueue_indirect_dma source(%dma_start3A_271 : memref<50000x256xf32, #tpu.memory_space<hbm>>) target(%dma_start3A_265 : memref<64x256xf32, #tpu.memory_space<vmem>>) offsets(%dma_start3A_268 : memref<64xi32, #tpu.memory_space<vmem>>) semaphore(%arg10 : memref<!tpu.dma_semaphore, #tpu.memory_space<semaphore_mem>>)
      } else {
      }
      %ge3A_238 = arith.constant 44 : i32
      %ge3A_239 = arith.cmpi sge, %add3A_232, %ge3A_238 : i32
      %convert_element_type3A_240 = arith.extui %ge3A_239 : i1 to i32
      %cond3A_241 = arith.constant 0 : i32
      %cond3A_242 = arith.cmpi ne, %convert_element_type3A_240, %cond3A_241 : i32
      scf.if %cond3A_242 {
        %dma_wait3A_243 = arith.constant 3 : i32
        %dma_wait3A_244 = arith.constant 0 : i32
        %dma_wait3A_245 = arith.constant 0 : i32
        %dma_wait3A_246 = tpu.memref_slice %arg6[%dma_wait3A_243, %dma_wait3A_244, %dma_wait3A_245] : memref<4x64x256xf32, #tpu.memory_space<vmem>> -> memref<1x64x256xf32, #tpu.memory_space<vmem>>
        %dma_wait3A_247 = tpu.memref_squeeze %dma_wait3A_246 : memref<1x64x256xf32, #tpu.memory_space<vmem>> -> memref<64x256xf32, #tpu.memory_space<vmem>>
        %dma_wait3A_248 = arith.constant 0 : i32
        %dma_wait3A_249 = tpu.memref_slice %arg4[%add3A_203, %dma_wait3A_248] : memref<90112x256xf32, #tpu.memory_space<hbm>> -> memref<64x256xf32, #tpu.memory_space<hbm>>
        %dma_wait3A_250 = arith.constant 0 : i32
        %dma_wait3A_251 = tpu.memref_slice %arg4[%add3A_203, %dma_wait3A_250] : memref<90112x256xf32, #tpu.memory_space<hbm>> -> memref<64x256xf32, #tpu.memory_space<hbm>>
        %dma_wait3A_252 = arith.constant 0 : i32
        %dma_wait3A_253 = arith.constant 0 : i32
        %dma_wait3A_254 = tpu.memref_slice %arg6[%dma_wait3A_243, %dma_wait3A_252, %dma_wait3A_253] : memref<4x64x256xf32, #tpu.memory_space<vmem>> -> memref<1x64x256xf32, #tpu.memory_space<vmem>>
        %dma_wait3A_255 = tpu.memref_squeeze %dma_wait3A_254 : memref<1x64x256xf32, #tpu.memory_space<vmem>> -> memref<64x256xf32, #tpu.memory_space<vmem>>
        tpu.wait_dma2 semaphore(%arg14 : memref<!tpu.dma_semaphore, #tpu.memory_space<semaphore_mem>>) src(%dma_wait3A_255 : memref<64x256xf32, #tpu.memory_space<vmem>>) dst(%dma_wait3A_251 : memref<64x256xf32, #tpu.memory_space<hbm>>)
      } else {
      }
    }
    %scan3A_64 = arith.constant 11 : i32
    return
  }
}

</mosaic_0001>

<sc_bundles>
// kernel: gather_offload_async_start.1
scs
__scs_entry_jumppad:
0x0: {  	(pc) =	sbr.rel $0x88, $3  }
0x1: {  	(tag) =	ssettag $0x0;
	lr =	simm.s32 $0x1  }
0x2: {  	[smem:$0x3F9D] =	sst lr;
	_ =	strace $0xD0000000  }
0x3: {  	_ = 	snop  }
0x4: {  	_ = 	snop  }
0x5: {  	_ = 	snop  }
0x6: {  	_ = 	snop  }
0x7: {  	_ = 	snop  }
__scs_overlays_trampoline_lowered:
0x8: {  	[smem:$0x3FAC] =	sst s0  }
0x9: {  	[smem:$0x3FAD] =	sst s1  }
0xa: {  	[smem:$0x3FAE] =	sst s2  }
0xb: {  	[smem:$0x3FAF] =	sst s3  }
0xc: {  	[smem:$0x3FB0] =	sst s4  }
0xd: {  	[smem:$0x3FB1] =	sst s5  }
0xe: {  	[smem:$0x3FB2] =	sst s6  }
0xf: {  	[smem:$0x3FB3] =	sst s7  }
0x10: {  	[smem:$0x3FB4] =	sst s8  }
0x11: {  	[smem:$0x3FB5] =	sst s9;
	s0 =	simm.s32 @!p0 $0x0  }
0x12: {  	s1 =	sld [smem:$0x3F9B];
	s0 =	simm.s32 @p0 $0x1  }
0x13: {  	[smem:$0x3FB6] =	sst s0;
	s0 =	simm.s32 @!p1 $0x0  }
0x14: {  	s2 =	sld [smem:$0x3F9A];
	s0 =	simm.s32 @p1 $0x1  }
0x15: {  	[smem:$0x3FB7] =	sst s0;
	s0 =	simm.s32 @!p2 $0x0  }
0x16: {  	s3 =	sld [smem:$0x3FDB];
	s0 =	simm.s32 @p2 $0x1  }
0x17: {  	s4 =	simm.s32 $0x1BF5;
	[smem:$0x3FB9] =	sst s0  }
0x18: {  	s0 =	sld [smem:$0x3F9C];
	_ =	swait.ge [sflag:s4], $0x0  }
0x19: {  	s7 =	sld [smem:$0x3F9D]  }
0x1a: {  	s8 =	sadd.s32 $0xFFFFE003, lr  }
0x1b: {  	s9 =	sadd.s32 $0xFFFFFEF7, lr;
	s5 =	simm.s32 $0xFFFFFFFF;
	p2 =	slt.u32 s8, $0xFFFFF086  }
0x1c: {  	p1 =	slt.u32 s9, $0xF7A;
	s5 =	simm.s32 @!p2 $0x0  }
0x1d: {  	s5 =	simm.s32 @p1 $0x1;
	p0 =	seq.s32 s7, s2  }
0x1e: {  	s7 =	smul.u32 @!p0 $0xF7A, s2;
	p2 =	seq.s32 @!p0 s5, $0x0  }
0x1f: {  	s9 =	smul.u32 $0xF7A, s1;
	s8 =	simm.s32 @!p0 $0x1BF5;
	p2 =	por !p2, p0  }
0x20: {  	[sflag:s8] =	ssyncset.s32 @!p0 $0xFFFFF086;
	s6 =	sadd.s32 @!p0 s3, s7;
	s7 =	simm.s32 @!p0 $0x108  }
0x21: {  	s3 =	sadd.s32 s3, s9;
	s6 =	sadd.s32 @!p0 $0x88, s6;
	s7 =	simm.s32 @p2 $0x1082  }
0x22: {  	[simem:s7], [sflag:s8] =	dma.local @!p0 [hbm:s6], $0xF7A  }
0x23: {  	s9 =	sor.u32 $0xD0000000, s2;
	s6 =	simm.s32 $0x108;
	_ =	swait.ge @!p0 [sflag:s8], $0x0  }
0x24: {  	s3 =	sadd.s32 $0x88, s3;
	s6 =	simm.s32 @!p1 $0x1082;
	[sflag:s4] =	ssyncset.s32 $0xFFFFF086  }
0x25: {  	[simem:s6], [sflag:s4] =	dma.local [hbm:s3], $0xF7A  }
0x26: {  	[smem:$0x3F9D] =	sst s1;
	(tag) =	ssettag s2;
	_ =	strace s9  }
0x27: {  	s1 =	sld [smem:$0x3FAD]  }
0x28: {  	s2 =	sld [smem:$0x3FAE]  }
0x29: {  	s4 =	sld [smem:$0x3FB0]  }
0x2a: {  	p0 =	seq.s32 s5, $0x0;
	s5 =	sld [smem:$0x3FB1]  }
0x2b: {  	s6 =	sld [smem:$0x3FB2]  }
0x2c: {  	s7 =	sld [smem:$0x3FB3]  }
0x2d: {  	s3 =	simm.s32 $0x108;
	s8 =	sld [smem:$0x3FB4]  }
0x2e: {  	s3 =	simm.s32 @!p0 $0x1082;
	s9 =	sld [smem:$0x3FB5]  }
0x2f: {  	lr =	sadd.s32 s0, s3;
	s0 =	sld [smem:$0x3FAC]  }
0x30: {  	s3 =	sld [smem:$0x3FAF]  }
0x31: {  	[smem:$0x3FB8] =	sst s10  }
0x32: {  	s10 =	sld [smem:$0x3FB6];
	_ =	sdelay $0x3  }
0x33: {  	p0 =	seq.s32 s10, $0x1;
	s10 =	sld [smem:$0x3FB8];
	_ =	sdelay $0x3  }
0x34: {  	[smem:$0x3FB8] =	sst s10  }
0x35: {  	s10 =	sld [smem:$0x3FB7];
	_ =	sdelay $0x3  }
0x36: {  	p1 =	seq.s32 s10, $0x1;
	s10 =	sld [smem:$0x3FB8];
	_ =	sdelay $0x3  }
0x37: {  	[smem:$0x3FB8] =	sst s10  }
0x38: {  	s10 =	sld [smem:$0x3FB9]  }
0x39: {  	_ = 	snop;
	(pc) =	sbr.ind lr, $3  }
0x3a: {  	_ = 	snop  }
0x3b: {  	_ = 	snop  }
0x3c: {  	p2 =	seq.s32 s10, $0x1;
	s10 =	sld [smem:$0x3FB8]  }
0x3d: {  	_ =	shalt  }
0x3e: {  	_ =	shalt  }
0x3f: {  	_ =	shalt  }
0x40: {  	_ =	shalt  }
0x41: {  	_ =	shalt  }
0x42: {  	_ =	shalt  }
0x43: {  	_ =	shalt  }
0x44: {  	_ =	shalt  }
0x45: {  	_ =	shalt  }
0x46: {  	_ =	shalt  }
0x47: {  	_ =	shalt  }
0x48: {  	_ =	shalt  }
0x49: {  	_ =	shalt  }
0x4a: {  	_ =	shalt  }
0x4b: {  	_ =	shalt  }
0x4c: {  	_ =	shalt  }
0x4d: {  	_ =	shalt  }
0x4e: {  	_ =	shalt  }
0x4f: {  	_ =	shalt  }
0x50: {  	_ =	shalt  }
0x51: {  	_ =	shalt  }
0x52: {  	_ =	shalt  }
0x53: {  	_ =	shalt  }
0x54: {  	_ =	shalt  }
0x55: {  	_ =	shalt  }
0x56: {  	_ =	shalt  }
0x57: {  	_ =	shalt  }
0x58: {  	_ =	shalt  }
0x59: {  	_ =	shalt  }
0x5a: {  	_ =	shalt  }
0x5b: {  	_ =	shalt  }
0x5c: {  	_ =	shalt  }
0x5d: {  	_ =	shalt  }
0x5e: {  	_ =	shalt  }
0x5f: {  	_ =	shalt  }
0x60: {  	_ =	shalt  }
0x61: {  	_ =	shalt  }
0x62: {  	_ =	shalt  }
0x63: {  	_ =	shalt  }
0x64: {  	_ =	shalt  }
0x65: {  	_ =	shalt  }
0x66: {  	_ =	shalt  }
0x67: {  	_ =	shalt  }
0x68: {  	_ =	shalt  }
0x69: {  	_ =	shalt  }
0x6a: {  	_ =	shalt  }
0x6b: {  	_ =	shalt  }
0x6c: {  	_ =	shalt  }
0x6d: {  	_ =	shalt  }
0x6e: {  	_ =	shalt  }
0x6f: {  	_ =	shalt  }
0x70: {  	_ =	shalt  }
0x71: {  	_ =	shalt  }
0x72: {  	_ =	shalt  }
0x73: {  	_ =	shalt  }
0x74: {  	_ =	shalt  }
0x75: {  	_ =	shalt  }
0x76: {  	_ =	shalt  }
0x77: {  	_ =	shalt  }
0x78: {  	_ =	shalt  }
0x79: {  	_ =	shalt  }
0x7a: {  	_ =	shalt  }
0x7b: {  	_ =	shalt  }
0x7c: {  	_ =	shalt  }
0x7d: {  	_ =	shalt  }
0x7e: {  	_ =	shalt  }
0x7f: {  	_ =	shalt  }
0x80: {  	_ =	shalt  }
0x81: {  	_ =	shalt  }
0x82: {  	_ =	shalt  }
0x83: {  	_ =	shalt  }
0x84: {  	_ =	shalt  }
0x85: {  	_ =	shalt  }
0x86: {  	_ =	shalt  }
0x87: {  	_ =	shalt  }
.Lfunc_end0:
.L_simem_size_0:
called_computation.1_lowered:
.L_overlay_start_0:
0x88: {  	s0 =	sld [smem:$0x3FD9]  }
0x89: {  	s1 =	sld [smem:$0x3FFE];
	_ =	sdelay $0x3  }
0x8a: {  	s0 =	sadd.s32 s1, s0  }
0x8b: {  	[smem:$0x3FC4] =	sst s0  }
0x8c: {  	_ = 	snop  }
0x8d: {  	s0 =	sld [smem:$0x3FD0];
	_ =	sdelay $0x2  }
0x8e: {  	s13 =	simm.s32 $0xB;
	s2 =	simm.s32 $0x10  }
0x8f: {  	[smem:s2], [sflag:s13] =	dma.local [hbm:s0], $0x1  }
0x90: {  	_ =	swait.eq [sflag:s13], $0x1  }
0x91: {  	[sflag:s13] =	ssyncset.done $0x0  }
0x92: {  	s14 =	sld [smem:$0x10];
	[sflag:s13] =	ssyncadd.s32 $0xFFFFFFFF  }
0x93: {  	s15 =	sld [smem:$0x11];
	(tm) =	ssettm $0x1  }
0x94: {  	s16 =	sld [smem:$0x3FFB];
	_ =	sdelay $0x3  }
0x95: {  	_ =	strace s16  }
0x96: {  	s2 =	sld [smem:$0x3FFC];
	_ =	sdelay $0x3  }
0x97: {  	_ =	strace s2  }
0x98: {  	s2 =	sld [smem:$0x3FFD];
	_ =	sdelay $0x3  }
0x99: {  	_ =	strace s2  }
0x9a: {  	_ =	strace $0x8FFFFFFF  }
0x9b: {  	s17 =	sld [smem:$0x3FDB];
	_ =	sdelay $0x1  }
0x9c: {  	s3 =	simm.s32 $_scs_section_size  }
0x9d: {  	s4 =	simm.s32 $_size__tile_overlayer_lowered;
	s5 =	simm.s32 $_tile_overlayer_lowered  }
0x9e: {  	s20 =	simm.s32 $0x1BFF;
	s19 =	sshll.u32 s5, $0x1;
	s2 =	sadd.s32 s3, s17  }
0x9f: {  	s6 =	simm.s32 $0x0;
	s18 =	sshll.u32 s4, $0x1;
	s4 =	sadd.s32 s19, s2  }
0xa0: {  	[timem:s6], [sflag:s20] =	dma.local [hbm:s4], s18  }
0xa1: {  	_ =	swait.ge [sflag:s20], s18  }
0xa2: {  	s3 =	ssub.s32 $0x0, s18;
	[sflag:s20] =	ssyncset.done $0x0  }
0xa3: {  	[sflag:s20] =	ssyncadd.s32 s3;
	_ =	sdelay $0x1  }
0xa4: {  	s21 =	simm.s32 $0x1B8B  }
0xa5: {  	_ =	swait.ge [sflag:s21], $0x1  }
0xa6: {  	[sflag:s21] =	ssyncset.done $0x0  }
0xa7: {  	s23 =	simm.s32 $0x1B8E;
	s22 =	sld [smem:$0x3FFE];
	[sflag:s21] =	ssyncadd.s32 $0xFFFFFFFF  }
0xa8: {  	s24 =	simm.s32 $execute0_lowered;
	[smem:$0x3FD2] =	sst s23  }
0xa9: {  	s4 =	sshll.u32 s24, $0x1;
	_ =	strace $0x8000004F;
	[dreg:$0x1] =	wrdreg $0xFFFFFFFF  }
0xaa: {  	s25 =	simm.s32 $_size_execute0_lowered;
	s2 =	sadd.s32 s2, s4;
	[dreg:$0x0] =	wrdreg $0x0  }
0xab: {  	s4 =	sshll.u32 s25, $0x1;
	[dreg:$0x2] =	wrdreg s2  }
0xac: {  	[dreg:$0x3] =	wrdreg s4  }
0xad: {  	[dreg:$0x4] =	wrdreg $0xC0  }
0xae: {  	_ =	task [dreg:s6], $0x5FFFF  }
0xaf: {  	[dreg:$0x1] =	wrdreg $0xFFFFFFFF  }
0xb0: {  	[dreg:$0x0] =	wrdreg $0x60  }
0xb1: {  	[dreg:$0x2] =	wrdreg s15  }
0xb2: {  	[dreg:$0x3] =	wrdreg s14  }
0xb3: {  	[dreg:$0x4] =	wrdreg s22  }
0xb4: {  	[dreg:$0x5] =	wrdreg $0x9  }
0xb5: {  	_ =	task.clear_ibuf [dreg:s6], $0x6FFFF;
	_ =	strace $0x9000004F  }
0xb6: {  	s26 =	simm.s32 $0x9;
	_ =	strace $0x80000051  }
0xb7: {  	_ =	swait.ge [sflag:s26], $0x1  }
0xb8: {  	[sflag:s26] =	ssyncadd.s32 $0xFFFFFFFF  }
0xb9: {  	_ =	strace $0x90000051  }
0xba: {  	_ =	sfence  }
0xbb: {  	s28 =	sld [smem:$0x0];
	_ =	sdelay $0x1  }
0xbc: {  	s29 =	srdreg.scid  }
0xbd: {  	s30 =	sshll.u32 s29, $0xD;
	s31 =	sshrl.u32 s29, $0x2  }
0xbe: {  	s1 =	sand.u32 $0x1, s29;
	s2 =	sand.u32 $0x4000, s30;
	s0 =	sadd.s32 s31, s28  }
0xbf: {  	s1 =	sor.u32 s2, s1;
	s0 =	sshll.u32 s0, $0x11  }
0xc0: {  	s0 =	sor.u32 s0, s1  }
0xc1: {  	s0 =	sadd.s32 $0x8F2B, s0  }
0xc2: {  	[sflag:s0] =	ssyncadd.remote.s32 $0x1  }
0xc3: {  	_ =	sfence.sel $0xFFFF  }
0xc4: {  	[dreg:$0x0] =	wrdreg $0xFFFFFFFF;
	(pc) =	sbr.abs _section_cstart, $3  }
0xc5: {  	[dreg:$0x1] =	wrdreg $0xFFFFFFFF  }
0xc6: {  	_ =	task.clear_ibuf [dreg:s6], $0x2FFFF;
	_ =	strace $0x9FFFFFFF  }
0xc7: {  	(tm) =	ssettm $0x7FFFFFFF  }
tec
execute0_lowered:
.L_overlay_start_1:
0x0: {  	(tag) =	ssettag $0x1  }
0x1: {  	s0 =	stileid.u32  }
0x2: {  	s1 =	smin.u32 s0, $0x9  }
0x3: {  	s1 =	sadd.s32 s0, s1  }
0x4: {  	s2 =	simm.s32 $0x190;
	p0 =	slt.u32 s0, $0x9;
	s1 =	smul.u32 $0xC8, s1  }
0x5: {  	s2 =	simm.s32 @!p0 $0xC8  }
0x6: {  	s2 =	sadd.s32 s2, s1  }
0x7: {  	s3 =	smin.u32 s2, $0x1388  }
0x8: {  	s7 =	ssub.s32 s3, s1  }
0x9: {  	p0 =	sgt.s32 s7, $0x0  }
0xa: {  	s7 =	simm.s32 @!p0 $0x0  }
0xb: {  	s31 =	sand.u32 $0xFFF8, s7  }
0xc: {  	s4 =	rddreg [dreg:$0x0];
	s2 =	sshrl.u32 s31, $0x3  }
0xd: {  	s5 =	rddreg [dreg:$0x1];
	s2 =	smul.u32 $0x147B, s2  }
0xe: {  	s9 =	rddreg [dreg:$0x2]  }
0xf: {  	s6 =	simm.s32 $0x1;
	s11 =	simm.s32 $0x3;
	s8 =	sshrl.u32 s2, $0x11  }
0x10: {  	s13 =	simm.s32 $0x0;
	s12 =	simm.s32 $0x0;
	s10 =	smul.u32 $0xC8, s8  }
.Ltmp0:
0x11: {  	s9 =	sadd.s32 $0x2C000, s9;
	s2 =	rddreg [dreg:$0x3];
	(pc) =	sbr.rel .LBB2_1-.Ltmp0, $4  }
0x12: {  	_ =	strace $0x80000050;
	p0 =	sne.s32 s7, s10;
	s10 =	simm.s32 $0x1  }
0x13: {  	[sflag:s6] =	ssyncpa.u1 $0x0;
	s7 =	simm.s32 $0x2;
	s10 =	simm.s32 @!p0 $0x0  }
0x14: {  	[sflag:s7] =	ssyncpa.u1 $0x0;
	p0 =	por $0x0, $0x0;
	s8 =	sadd.s32 s8, s10  }
0x15: {  	vm0 =	vmmov $0xff;
	vm1 =	vcmask $0x3F20;
	[sflag:s11] =	ssyncpa.u1 $0x0;
	s11 =	smov.u32 s1;
	s10 =	sadd.s32 $0x1, s8  }
.LBB2_6:
0x16: {  	[hbm:s17] =	stream.linear.scatter [tilespmem:s14], [sflag:$0x3], $0x400, $0x38;
	[tilespmem:$0xC990] =	vst v63  }
.LBB2_7:
0x17: {  	s13 =	sadd.s32 $0xC8, s11  }
0x18: {  	s15 =	smov.u32 s1;
	p2 =	slt.s32 s13, s3  }
0x19: {  	s15 =	smov.u32 @p2 s13;
	p2 =	sne.s32 s12, s10  }
.Ltmp1:
0x1a: {  	p1 =	slt.u32 s12, $0x2;
	(pc) =	sbr.rel @!p2 .LBB2_8-.Ltmp1, $4  }
0x1b: {  	s14 =	simm.s32 @!p1 $0x3  }
0x1c: {  	s16 =	sadd.s32 $0x1, s12;
	_ =	swait.ge @!p1 [sflag:s14], $0x6400  }
0x1d: {  	p0 =	por !p0, !p0;
	s13 =	smov.u32 s11;
	[sflag:s14] =	ssyncset.done @!p1 $0x0  }
0x1e: {  	s12 =	smov.u32 s16;
	s11 =	smov.u32 s15;
	[sflag:s14] =	ssyncadd.s32 @!p1 $0xFFFF9C00  }
.LBB2_1:
0x1f: {  	p1 =	sge.u32 s12, s8  }
0x20: {  	s14 =	sxor.u32 @!p1 $0xFFFFFFFF, s12  }
0x21: {  	s14 =	sand.u32 @!p1 $0x1, s14  }
0x22: {  	s14 =	smul.u32 @!p1 $0x320, s14  }
0x23: {  	s31 =	sadd.s32 $0xFFFFFFFF, s12;
	s15 =	sshrl.u32 @!p1 s11, $0x3  }
0x24: {  	s16 =	sand.u32 @!p1 $0x7, s11;
	s15 =	sadd.s32 @!p1 s5, s15;
	s14 =	sshrl.u32 @!p1 s14, $0x2  }
0x25: {  	[tilespmem:s14], [sflag:$0x2] =	stream.linear.gather @!p1 [hbm4b:s15+s16], $0xC8, $0x38;
	[tilespmem:$0xC990] =	vst v63  }
0x26: {  	p1 =	sge.u32 s31, s8  }
.Ltmp2:
0x27: {  	_ = 	snop;
	(pc) =	sbr.rel @p1 .LBB2_7-.Ltmp2, $1  }
0x28: {  	_ =	sdelay $0x3  }
0x29: {  	s14 =	simm.s32 $0x1  }
0x2a: {  	s14 =	simm.s32 @!p0 $0x0  }
0x2b: {  	s15 =	smul.u32 $0x320, s14  }
0x2c: {  	_ =	swait.ge [sflag:s7], $0xC8  }
0x2d: {  	[sflag:s7] =	ssyncset.done $0x0;
	s16 =	sshrl.u32 s15, $0x2  }
0x2e: {  	[sflag:s7] =	ssyncadd.s32 $0xFFFFFF38;
	s15 =	sadd.s32 $0x0, s16  }
0x2f: {  	v0 =	vld.msk [tilespmem:s15+$0x0 ss:$0x1], $0xffff;
	_ =	sdelay $0x4  }
0x30: {  	vm2 =	vgt.s32 v0, $0x0  }
0x31: {  	v0 =	vnsel vm2, $0x0, v0  }
0x32: {  	v0 =	vmin.u32 v0, $0x270F  }
0x33: {  	v0 =	vshll.u32 v0, $0x4  }
0x34: {  	s14 =	smul.u32 $0x19000, s14  }
0x35: {  	s31 =	sand.u32 $0x1, s12  }
0x36: {  	s17 =	smul.u32 $0x320, s31;
	s14 =	sshrl.u32 s14, $0x2  }
0x37: {  	s19 =	smul.u32 $0x19000, s31;
	s14 =	sor.u32 $0x190, s14  }
0x38: {  	[tilespmem:s14], [sflag:$0x1] =	stream.indirect_vreg.gather [hbm:s4], $0x80, v0, vm0, $0x38;
	[tilespmem:$0xC990] =	vst v63  }
0x39: {  	s18 =	sshrl.u32 s17, $0x2;
	s20 =	sadd.s32 $0x10, s16;
	s15 =	sadd.s32 $0x400, s14  }
0x3a: {  	[tilespmem:s15], [sflag:$0x1] =	stream.indirect_vreg.gather [hbm:s4], $0x80, v0, vm1, $0x38;
	[tilespmem:$0xC990] =	vst v63  }
0x3b: {  	s17 =	sshrl.u32 s19, $0x2;
	s19 =	smov.u32 s14;
	v0 =	vld.msk [tilespmem:s20+$0x0 ss:$0x1], $0xffff;
	s20 =	simm.s32 $0x80  }
.LBB2_3:
0x3c: {  	p1 =	sne.s32 s20, $0x2C0;
	_ =	sdelay $0x4  }
0x3d: {  	vm2 =	vgt.s32 v0, $0x0  }
0x3e: {  	v0 =	vnsel vm2, $0x0, v0  }
0x3f: {  	v0 =	vmin.u32 v0, $0x270F  }
0x40: {  	v0 =	vshll.u32 v0, $0x4;
	_ =	sdelay $0x3  }
.Ltmp3:
0x41: {  	s21 =	sshra.s32 s20, $0x2;
	s19 =	sadd.s32 $0x800, s19;
	(pc) =	sbr.rel @p1 .LBB2_3-.Ltmp3, $4  }
0x42: {  	[tilespmem:s19], [sflag:$0x1] =	stream.indirect_vreg.gather [hbm:s4], $0x80, v0, vm0, $0x38;
	[tilespmem:$0xC990] =	vst v63  }
0x43: {  	s21 =	sadd.s32 s21, s16;
	s22 =	sadd.s32 $0x400, s19  }
0x44: {  	[tilespmem:s22], [sflag:$0x1] =	stream.indirect_vreg.gather [hbm:s4], $0x80, v0, vm1, $0x38;
	[tilespmem:$0xC990] =	vst v63  }
0x45: {  	s20 =	sadd.s32 $0x40, s20;
	v0 =	vld.msk [tilespmem:s21+$0x0 ss:$0x1], $0xffff  }
0x46: {  	_ =	sdelay $0x3  }
0x47: {  	vm2 =	vgt.s32 v0, $0x0  }
0x48: {  	v0 =	vnsel vm2, $0x0, v0  }
0x49: {  	v0 =	vmin.u32 v0, $0x270F  }
0x4a: {  	v0 =	vshll.u32 v0, $0x4;
	_ =	sdelay $0x3  }
0x4b: {  	s16 =	sadd.s32 $0x800, s19  }
0x4c: {  	[tilespmem:s16], [sflag:$0x1] =	stream.indirect_vreg.gather [hbm:s4], $0x80, v0, vm0, $0x38;
	[tilespmem:$0xC990] =	vst v63  }
0x4d: {  	s16 =	sadd.s32 $0x400, s16  }
0x4e: {  	[tilespmem:s16], [sflag:$0x1] =	stream.indirect_vreg.gather [hbm:s4], $0x80, v0, vm1, $0x38;
	[tilespmem:$0xC990] =	vst v63  }
0x4f: {  	v0 =	vld.msk [tilespmem:s18+$0xC0 ss:$0x1], $0xff;
	_ =	sdelay $0x4  }
0x50: {  	vm2 =	vgt.s32 v0, $0x0  }
0x51: {  	v0 =	vnsel vm2, $0x0, v0  }
0x52: {  	v0 =	vmin.u32 v0, $0x270F  }
0x53: {  	v0 =	vshll.u32 v0, $0x4;
	_ =	sdelay $0x3  }
0x54: {  	s31 =	sadd.s32 $0x6190, s17  }
0x55: {  	[tilespmem:s31], [sflag:$0x1] =	stream.indirect_vreg.gather [hbm:s4], $0x80, v0, vm0, $0x38;
	[tilespmem:$0xC990] =	vst v63  }
0x56: {  	s13 =	sshll.u32 s13, $0x4;
	_ =	swait.ge [sflag:s6], $0x6400  }
0x57: {  	s13 =	sadd.s32 s13, s9;
	[sflag:s6] =	ssyncset.done $0x0  }
0x58: {  	s17 =	sadd.s32 $0x0, s13;
	s16 =	simm.s32 $0x80;
	[sflag:s6] =	ssyncadd.s32 $0xFFFF9C00  }
.LBB2_5:
0x59: {  	[hbm:s17] =	stream.linear.scatter [tilespmem:s14], [sflag:$0x3], $0x400, $0x38;
	[tilespmem:$0xC990] =	vst v63  }
0x5a: {  	s17 =	smov.u32 s16;
	s14 =	smov.u32 s15;
	p1 =	sne.s32 s16, $0xC00  }
.Ltmp4:
0x5b: {  	s16 =	sadd.s32 $0x80, s16;
	(pc) =	sbr.rel @p1 .LBB2_5-.Ltmp4, $2  }
0x5c: {  	_ =	sdelay $0x2  }
0x5d: {  	s15 =	sadd.s32 $0x400, s15;
	s17 =	sadd.s32 s17, s13  }
.Ltmp5:
0x5e: {  	_ = 	snop;
	(pc) =	sbr.rel .LBB2_6-.Ltmp5, $1  }
0x5f: {  	_ =	sdelay $0x3  }
.LBB2_8:
0x60: {  	_ =	sfence.sel $0x180000  }
0x61: {  	s1 =	simm.s32 $0x2;
	[bflag:$0x0] =	sbarrier.arrive $0xFFFF  }
0x62: {  	s30 =	simm.s32 $0x3;
	[sflag:s1] =	ssyncpa.u1 $0x1  }
0x63: {  	s31 =	simm.s32 $0x1;
	[sflag:s30] =	ssyncpa.u1 $0x1  }
0x64: {  	[sflag:s31] =	ssyncpa.u1 $0x1  }
0x65: {  	p0 =	sne.s32 s0, $0x0;
	_ =	strace $0x90000050  }
0x66: {  	s0 =	sadd.s32 @!p0 $0x100000, s2;
	[bflag:$0x2] =	sbarrier.arrive $0xFFFF  }
0x67: {  	[sflag:s0] =	ssyncadd.tile.s32 @!p0 $0x1;
	_ =	shalt  }
.Lfunc_end2:
_tile_overlayer_lowered:
.L_overlay_start_2:
0x68: {  	(tag) =	ssettag $0x2  }
0x69: {  	s0 =	rddreg [dreg:$0x0];
	s2 =	stileid.u32  }
0x6a: {  	s1 =	rddreg [dreg:$0x1];
	p0 =	sne.s32 s2, $0x0  }
0x6b: {  	s3 =	rddreg [dreg:$0x2];
	[bflag:$0x3] =	sbarrier.arrive $0xFFFF;
	s2 =	simm.s32 @!p0 $0x1C01  }
0x6c: {  	[timem:s3], [sflag:s2] =	dma.local @!p0 [hbm:s0], s1  }
0x6d: {  	s0 =	simm.s32 @!p0 $0x1  }
0x6e: {  	_ =	swait.ge @!p0 [sflag:s0], s1  }
0x6f: {  	s1 =	ssub.s32 @!p0 $0x0, s1;
	[sflag:s0] =	ssyncset.done @!p0 $0x0  }
0x70: {  	[sflag:s0] =	ssyncadd.s32 @!p0 s1  }
0x71: {  	[bflag:$0x3] =	sbarrier.arrive $0xFFFF  }
0x72: {  	_ =	shalt  }

// kernel: gather_offload_async_start.2
scs
__scs_entry_jumppad:
0x0: {  	(pc) =	sbr.rel $0x88, $3  }
0x1: {  	(tag) =	ssettag $0x0;
	lr =	simm.s32 $0x1  }
0x2: {  	[smem:$0x3F9D] =	sst lr;
	_ =	strace $0xD0000000  }
0x3: {  	_ = 	snop  }
0x4: {  	_ = 	snop  }
0x5: {  	_ = 	snop  }
0x6: {  	_ = 	snop  }
0x7: {  	_ = 	snop  }
__scs_overlays_trampoline_lowered:
0x8: {  	[smem:$0x3FAC] =	sst s0  }
0x9: {  	[smem:$0x3FAD] =	sst s1  }
0xa: {  	[smem:$0x3FAE] =	sst s2  }
0xb: {  	[smem:$0x3FAF] =	sst s3  }
0xc: {  	[smem:$0x3FB0] =	sst s4  }
0xd: {  	[smem:$0x3FB1] =	sst s5  }
0xe: {  	[smem:$0x3FB2] =	sst s6  }
0xf: {  	[smem:$0x3FB3] =	sst s7  }
0x10: {  	[smem:$0x3FB4] =	sst s8  }
0x11: {  	[smem:$0x3FB5] =	sst s9;
	s0 =	simm.s32 @!p0 $0x0  }
0x12: {  	s1 =	sld [smem:$0x3F9B];
	s0 =	simm.s32 @p0 $0x1  }
0x13: {  	[smem:$0x3FB6] =	sst s0;
	s0 =	simm.s32 @!p1 $0x0  }
0x14: {  	s2 =	sld [smem:$0x3F9A];
	s0 =	simm.s32 @p1 $0x1  }
0x15: {  	[smem:$0x3FB7] =	sst s0;
	s0 =	simm.s32 @!p2 $0x0  }
0x16: {  	s3 =	sld [smem:$0x3FDB];
	s0 =	simm.s32 @p2 $0x1  }
0x17: {  	s4 =	simm.s32 $0x1BF5;
	[smem:$0x3FB9] =	sst s0  }
0x18: {  	s0 =	sld [smem:$0x3F9C];
	_ =	swait.ge [sflag:s4], $0x0  }
0x19: {  	s7 =	sld [smem:$0x3F9D]  }
0x1a: {  	s8 =	sadd.s32 $0xFFFFE003, lr  }
0x1b: {  	s9 =	sadd.s32 $0xFFFFFEF7, lr;
	s5 =	simm.s32 $0xFFFFFFFF;
	p2 =	slt.u32 s8, $0xFFFFF086  }
0x1c: {  	p1 =	slt.u32 s9, $0xF7A;
	s5 =	simm.s32 @!p2 $0x0  }
0x1d: {  	s5 =	simm.s32 @p1 $0x1;
	p0 =	seq.s32 s7, s2  }
0x1e: {  	s7 =	smul.u32 @!p0 $0xF7A, s2;
	p2 =	seq.s32 @!p0 s5, $0x0  }
0x1f: {  	s9 =	smul.u32 $0xF7A, s1;
	s8 =	simm.s32 @!p0 $0x1BF5;
	p2 =	por !p2, p0  }
0x20: {  	[sflag:s8] =	ssyncset.s32 @!p0 $0xFFFFF086;
	s6 =	sadd.s32 @!p0 s3, s7;
	s7 =	simm.s32 @!p0 $0x108  }
0x21: {  	s3 =	sadd.s32 s3, s9;
	s6 =	sadd.s32 @!p0 $0x88, s6;
	s7 =	simm.s32 @p2 $0x1082  }
0x22: {  	[simem:s7], [sflag:s8] =	dma.local @!p0 [hbm:s6], $0xF7A  }
0x23: {  	s9 =	sor.u32 $0xD0000000, s2;
	s6 =	simm.s32 $0x108;
	_ =	swait.ge @!p0 [sflag:s8], $0x0  }
0x24: {  	s3 =	sadd.s32 $0x88, s3;
	s6 =	simm.s32 @!p1 $0x1082;
	[sflag:s4] =	ssyncset.s32 $0xFFFFF086  }
0x25: {  	[simem:s6], [sflag:s4] =	dma.local [hbm:s3], $0xF7A  }
0x26: {  	[smem:$0x3F9D] =	sst s1;
	(tag) =	ssettag s2;
	_ =	strace s9  }
0x27: {  	s1 =	sld [smem:$0x3FAD]  }
0x28: {  	s2 =	sld [smem:$0x3FAE]  }
0x29: {  	s4 =	sld [smem:$0x3FB0]  }
0x2a: {  	p0 =	seq.s32 s5, $0x0;
	s5 =	sld [smem:$0x3FB1]  }
0x2b: {  	s6 =	sld [smem:$0x3FB2]  }
0x2c: {  	s7 =	sld [smem:$0x3FB3]  }
0x2d: {  	s3 =	simm.s32 $0x108;
	s8 =	sld [smem:$0x3FB4]  }
0x2e: {  	s3 =	simm.s32 @!p0 $0x1082;
	s9 =	sld [smem:$0x3FB5]  }
0x2f: {  	lr =	sadd.s32 s0, s3;
	s0 =	sld [smem:$0x3FAC]  }
0x30: {  	s3 =	sld [smem:$0x3FAF]  }
0x31: {  	[smem:$0x3FB8] =	sst s10  }
0x32: {  	s10 =	sld [smem:$0x3FB6];
	_ =	sdelay $0x3  }
0x33: {  	p0 =	seq.s32 s10, $0x1;
	s10 =	sld [smem:$0x3FB8];
	_ =	sdelay $0x3  }
0x34: {  	[smem:$0x3FB8] =	sst s10  }
0x35: {  	s10 =	sld [smem:$0x3FB7];
	_ =	sdelay $0x3  }
0x36: {  	p1 =	seq.s32 s10, $0x1;
	s10 =	sld [smem:$0x3FB8];
	_ =	sdelay $0x3  }
0x37: {  	[smem:$0x3FB8] =	sst s10  }
0x38: {  	s10 =	sld [smem:$0x3FB9]  }
0x39: {  	_ = 	snop;
	(pc) =	sbr.ind lr, $3  }
0x3a: {  	_ = 	snop  }
0x3b: {  	_ = 	snop  }
0x3c: {  	p2 =	seq.s32 s10, $0x1;
	s10 =	sld [smem:$0x3FB8]  }
0x3d: {  	_ =	shalt  }
0x3e: {  	_ =	shalt  }
0x3f: {  	_ =	shalt  }
0x40: {  	_ =	shalt  }
0x41: {  	_ =	shalt  }
0x42: {  	_ =	shalt  }
0x43: {  	_ =	shalt  }
0x44: {  	_ =	shalt  }
0x45: {  	_ =	shalt  }
0x46: {  	_ =	shalt  }
0x47: {  	_ =	shalt  }
0x48: {  	_ =	shalt  }
0x49: {  	_ =	shalt  }
0x4a: {  	_ =	shalt  }
0x4b: {  	_ =	shalt  }
0x4c: {  	_ =	shalt  }
0x4d: {  	_ =	shalt  }
0x4e: {  	_ =	shalt  }
0x4f: {  	_ =	shalt  }
0x50: {  	_ =	shalt  }
0x51: {  	_ =	shalt  }
0x52: {  	_ =	shalt  }
0x53: {  	_ =	shalt  }
0x54: {  	_ =	shalt  }
0x55: {  	_ =	shalt  }
0x56: {  	_ =	shalt  }
0x57: {  	_ =	shalt  }
0x58: {  	_ =	shalt  }
0x59: {  	_ =	shalt  }
0x5a: {  	_ =	shalt  }
0x5b: {  	_ =	shalt  }
0x5c: {  	_ =	shalt  }
0x5d: {  	_ =	shalt  }
0x5e: {  	_ =	shalt  }
0x5f: {  	_ =	shalt  }
0x60: {  	_ =	shalt  }
0x61: {  	_ =	shalt  }
0x62: {  	_ =	shalt  }
0x63: {  	_ =	shalt  }
0x64: {  	_ =	shalt  }
0x65: {  	_ =	shalt  }
0x66: {  	_ =	shalt  }
0x67: {  	_ =	shalt  }
0x68: {  	_ =	shalt  }
0x69: {  	_ =	shalt  }
0x6a: {  	_ =	shalt  }
0x6b: {  	_ =	shalt  }
0x6c: {  	_ =	shalt  }
0x6d: {  	_ =	shalt  }
0x6e: {  	_ =	shalt  }
0x6f: {  	_ =	shalt  }
0x70: {  	_ =	shalt  }
0x71: {  	_ =	shalt  }
0x72: {  	_ =	shalt  }
0x73: {  	_ =	shalt  }
0x74: {  	_ =	shalt  }
0x75: {  	_ =	shalt  }
0x76: {  	_ =	shalt  }
0x77: {  	_ =	shalt  }
0x78: {  	_ =	shalt  }
0x79: {  	_ =	shalt  }
0x7a: {  	_ =	shalt  }
0x7b: {  	_ =	shalt  }
0x7c: {  	_ =	shalt  }
0x7d: {  	_ =	shalt  }
0x7e: {  	_ =	shalt  }
0x7f: {  	_ =	shalt  }
0x80: {  	_ =	shalt  }
0x81: {  	_ =	shalt  }
0x82: {  	_ =	shalt  }
0x83: {  	_ =	shalt  }
0x84: {  	_ =	shalt  }
0x85: {  	_ =	shalt  }
0x86: {  	_ =	shalt  }
0x87: {  	_ =	shalt  }
.Lfunc_end0:
.L_simem_size_0:
called_computation.2_lowered:
.L_overlay_start_0:
0x88: {  	s0 =	sld [smem:$0x3FD9]  }
0x89: {  	s1 =	sld [smem:$0x3FFE];
	_ =	sdelay $0x3  }
0x8a: {  	s0 =	sadd.s32 s1, s0  }
0x8b: {  	[smem:$0x3FC4] =	sst s0  }
0x8c: {  	_ = 	snop  }
0x8d: {  	s0 =	sld [smem:$0x3FD0];
	_ =	sdelay $0x2  }
0x8e: {  	s13 =	simm.s32 $0xB;
	s2 =	simm.s32 $0x10  }
0x8f: {  	[smem:s2], [sflag:s13] =	dma.local [hbm:s0], $0x1  }
0x90: {  	_ =	swait.eq [sflag:s13], $0x1  }
0x91: {  	[sflag:s13] =	ssyncset.done $0x0  }
0x92: {  	[sflag:s13] =	ssyncadd.s32 $0xFFFFFFFF  }
0x93: {  	s14 =	sld [smem:$0x10];
	(tm) =	ssettm $0x1  }
0x94: {  	s15 =	sld [smem:$0x3FFB];
	_ =	sdelay $0x3  }
0x95: {  	_ =	strace s15  }
0x96: {  	s1 =	sld [smem:$0x3FFC];
	_ =	sdelay $0x3  }
0x97: {  	_ =	strace s1  }
0x98: {  	s1 =	sld [smem:$0x3FFD];
	_ =	sdelay $0x3  }
0x99: {  	_ =	strace s1  }
0x9a: {  	_ =	strace $0x8FFFFFFF  }
0x9b: {  	s16 =	sld [smem:$0x3FDB];
	_ =	sdelay $0x1  }
0x9c: {  	s17 =	simm.s32 $_scs_section_size  }
0x9d: {  	s3 =	simm.s32 $_size__tile_overlayer_lowered;
	s4 =	simm.s32 $_tile_overlayer_lowered  }
0x9e: {  	s20 =	simm.s32 $0x1BFF;
	s19 =	sshll.u32 s4, $0x1;
	s1 =	sadd.s32 s17, s16  }
0x9f: {  	s5 =	simm.s32 $0x0;
	s18 =	sshll.u32 s3, $0x1;
	s3 =	sadd.s32 s19, s1  }
0xa0: {  	[timem:s5], [sflag:s20] =	dma.local [hbm:s3], s18  }
0xa1: {  	_ =	swait.ge [sflag:s20], s18  }
0xa2: {  	s2 =	ssub.s32 $0x0, s18;
	[sflag:s20] =	ssyncset.done $0x0  }
0xa3: {  	[sflag:s20] =	ssyncadd.s32 s2;
	_ =	sdelay $0x1  }
0xa4: {  	s21 =	simm.s32 $0x1B8B  }
0xa5: {  	_ =	swait.ge [sflag:s21], $0x1  }
0xa6: {  	[sflag:s21] =	ssyncset.done $0x0  }
0xa7: {  	s23 =	simm.s32 $0x1B8E;
	s22 =	sld [smem:$0x3FFE];
	[sflag:s21] =	ssyncadd.s32 $0xFFFFFFFF  }
0xa8: {  	s24 =	simm.s32 $execute0_lowered;
	[smem:$0x3FD2] =	sst s23  }
0xa9: {  	s3 =	sshll.u32 s24, $0x1;
	_ =	strace $0x80000052;
	[dreg:$0x1] =	wrdreg $0xFFFFFFFF  }
0xaa: {  	s25 =	simm.s32 $_size_execute0_lowered;
	s1 =	sadd.s32 s1, s3;
	[dreg:$0x0] =	wrdreg $0x0  }
0xab: {  	s3 =	sshll.u32 s25, $0x1;
	[dreg:$0x2] =	wrdreg s1  }
0xac: {  	[dreg:$0x3] =	wrdreg s3  }
0xad: {  	[dreg:$0x4] =	wrdreg $0xC0  }
0xae: {  	_ =	task [dreg:s5], $0x5FFFF  }
0xaf: {  	[dreg:$0x1] =	wrdreg $0xFFFFFFFF  }
0xb0: {  	[dreg:$0x0] =	wrdreg $0x60  }
0xb1: {  	[dreg:$0x2] =	wrdreg s22  }
0xb2: {  	[dreg:$0x3] =	wrdreg s14  }
0xb3: {  	[dreg:$0x4] =	wrdreg $0x9  }
0xb4: {  	_ =	task.clear_ibuf [dreg:s5], $0x5FFFF;
	_ =	strace $0x90000052  }
0xb5: {  	s26 =	simm.s32 $0x9;
	_ =	strace $0x80000054  }
0xb6: {  	_ =	swait.ge [sflag:s26], $0x1  }
0xb7: {  	[sflag:s26] =	ssyncadd.s32 $0xFFFFFFFF  }
0xb8: {  	_ =	strace $0x90000054  }
0xb9: {  	_ =	sfence  }
0xba: {  	s28 =	sld [smem:$0x0];
	_ =	sdelay $0x1  }
0xbb: {  	s29 =	srdreg.scid  }
0xbc: {  	s30 =	sshll.u32 s29, $0xD;
	s31 =	sshrl.u32 s29, $0x2  }
0xbd: {  	s2 =	sand.u32 $0x4000, s30;
	s1 =	sand.u32 $0x1, s29;
	s0 =	sadd.s32 s31, s28  }
0xbe: {  	s1 =	sor.u32 s2, s1;
	s0 =	sshll.u32 s0, $0x11  }
0xbf: {  	s0 =	sor.u32 s0, s1  }
0xc0: {  	s0 =	sadd.s32 $0x8F2B, s0  }
0xc1: {  	[sflag:s0] =	ssyncadd.remote.s32 $0x1  }
0xc2: {  	_ =	sfence.sel $0xFFFF  }
0xc3: {  	[dreg:$0x0] =	wrdreg $0xFFFFFFFF;
	(pc) =	sbr.abs _section_cstart, $3  }
0xc4: {  	[dreg:$0x1] =	wrdreg $0xFFFFFFFF  }
0xc5: {  	_ =	task.clear_ibuf [dreg:s5], $0x2FFFF;
	_ =	strace $0x9FFFFFFF  }
0xc6: {  	(tm) =	ssettm $0x7FFFFFFF  }
0xc7: {  	_ =	shalt  }
tec
execute0_lowered:
.L_overlay_start_1:
0x0: {  	(tag) =	ssettag $0x1  }
0x1: {  	s5 =	rddreg [dreg:$0x0]  }
0x2: {  	s2 =	rddreg [dreg:$0x1]  }
0x3: {  	s0 =	rddreg [dreg:$0x2];
	s1 =	stileid.u32;
	_ =	strace $0x80000053  }
0x4: {  	s6 =	simm.s32 $0x1;
	s8 =	simm.s32 $0x2;
	s30 =	simm.s32 $0x3  }
0x5: {  	s12 =	simm.s32 $0x0;
	s9 =	simm.s32 $0x0;
	s4 =	sshll.u32 s1, $0x4  }
0x6: {  	s10 =	simm.s32 $0x0;
	s3 =	sadd.s32 $0x2C2E00, s5;
	s7 =	ssub.s32 $0x1380, s4  }
0x7: {  	s5 =	sadd.s32 $0x2C000, s5;
	[sflag:s6] =	ssyncpa.u1 $0x0;
	s6 =	sshrl.u32 s7, $0x8  }
0x8: {  	[sflag:s8] =	ssyncpa.u1 $0x0;
	s11 =	smov.u32 s4;
	s31 =	sshll.u32 s6, $0x4  }
0x9: {  	[sflag:s30] =	ssyncpa.u1 $0x0;
	s7 =	sadd.s32 $0x2, s6;
	s8 =	sadd.s32 $0x30, s31  }
.LBB2_1:
0xa: {  	p0 =	sgt.u32 s10, s6  }
0xb: {  	s13 =	sxor.u32 @!p0 $0xFFFFFFFF, s9;
	s14 =	sshrl.u32 @!p0 s11, $0x3  }
0xc: {  	s15 =	sand.u32 @!p0 $0x7, s11;
	s13 =	sand.u32 @!p0 $0x10, s13;
	s14 =	sadd.s32 @!p0 s2, s14  }
0xd: {  	[tilespmem:s13], [sflag:$0x2] =	stream.linear.gather @!p0 [hbm4b:s14+s15], $0x10, $0x38;
	[tilespmem:$0x40] =	vst v63  }
0xe: {  	p0 =	seq.s32 s9, $0x0  }
0xf: {  	p1 =	sge.u32 @!p0 s10, s7  }
0x10: {  	p0 =	por p1, p0  }
0x11: {  	s13 =	simm.s32 @!p0 $0x2  }
0x12: {  	_ =	swait.ge @!p0 [sflag:s13], $0x10  }
0x13: {  	[sflag:s13] =	ssyncset.done @!p0 $0x0  }
0x14: {  	[sflag:s13] =	ssyncadd.s32 @!p0 $0xFFFFFFF0;
	s13 =	sand.u32 @!p0 $0x10, s9  }
0x15: {  	(ifvalue) =	ssetifvalue @!p0 $0x7FFFFFFF;
	v0 =	vld.msk @!p0 [tilespmem:s13+$0x0 ss:$0x1], $0xffff;
	_ =	sdelay $0x4  }
0x16: {  	vm0 =	vgt.s32 @!p0 v0, $0x0  }
0x17: {  	v0 =	vnsel @!p0 vm0, $0x0, v0  }
0x18: {  	v0 =	vmin.u32 @!p0 v0, $0x270F;
	_ =	sdelay $0x3  }
0x19: {  	s14 =	simm.s32 @!p0 $0x0;
	s13 =	sor.u32 @!p0 $0x20, s13;
	(ifvalue) =	ssetifvalue @!p0 $0x7FFFFFFF;
	vm0 =	vmmov @!p0 $0xffff  }
0x1a: {  	[tilespmem:s13], [sflag:$0x1] =	stream.indirect_vreg.gather @!p0 [hbm4b:s3+s14], $0x1, v0, vm0, $0x4038;
	[tilespmem:$0x40] =	vst v63  }
0x1b: {  	s14 =	simm.s32 @!p0 $0x1  }
0x1c: {  	_ =	swait.ge @!p0 [sflag:s14], $0x10  }
0x1d: {  	s15 =	sshrl.u32 @!p0 s12, $0x3;
	[sflag:s14] =	ssyncset.done @!p0 $0x0  }
0x1e: {  	s12 =	sand.u32 @!p0 $0x7, s12;
	[sflag:s14] =	ssyncadd.s32 @!p0 $0xFFFFFFF0;
	s14 =	sadd.s32 @!p0 s5, s15  }
0x1f: {  	[hbm4b:s14+s12] =	stream.linear.scatter @!p0 [tilespmem:s13], [sflag:$0x3], $0x10, $0x38;
	[tilespmem:$0x40] =	vst v63  }
0x20: {  	s14 =	sadd.s32 $0x100, s11  }
0x21: {  	s9 =	sadd.s32 $0x10, s9;
	p1 =	sgt.s32 s14, $0x1387  }
0x22: {  	s14 =	smov.u32 @p1 s4;
	p1 =	sne.s32 s8, s9  }
.Ltmp0:
0x23: {  	p0 =	slt.u32 s10, $0x2;
	(pc) =	sbr.rel @p1 .LBB2_1-.Ltmp0, $4  }
0x24: {  	s13 =	simm.s32 @!p0 $0x3  }
0x25: {  	_ =	swait.ge @!p0 [sflag:s13], $0x10  }
0x26: {  	s12 =	smov.u32 s11;
	[sflag:s13] =	ssyncset.done @!p0 $0x0  }
0x27: {  	s10 =	sadd.s32 $0x1, s10;
	s11 =	smov.u32 s14;
	[sflag:s13] =	ssyncadd.s32 @!p0 $0xFFFFFFF0  }
0x28: {  	_ =	sfence.sel $0x180000  }
0x29: {  	s2 =	simm.s32 $0x2;
	[bflag:$0x0] =	sbarrier.arrive $0xFFFF  }
0x2a: {  	s30 =	simm.s32 $0x3;
	[sflag:s2] =	ssyncpa.u1 $0x1  }
0x2b: {  	s31 =	simm.s32 $0x1;
	[sflag:s30] =	ssyncpa.u1 $0x1  }
0x2c: {  	[sflag:s31] =	ssyncpa.u1 $0x1  }
0x2d: {  	p0 =	sne.s32 s1, $0x0;
	_ =	strace $0x90000053  }
0x2e: {  	s0 =	sadd.s32 @!p0 $0x100000, s0;
	[bflag:$0x2] =	sbarrier.arrive $0xFFFF  }
0x2f: {  	[sflag:s0] =	ssyncadd.tile.s32 @!p0 $0x1;
	_ =	shalt  }
.Lfunc_end2:
_tile_overlayer_lowered:
.L_overlay_start_2:
0x30: {  	(tag) =	ssettag $0x2  }
0x31: {  	s0 =	rddreg [dreg:$0x0];
	s2 =	stileid.u32  }
0x32: {  	s1 =	rddreg [dreg:$0x1];
	p0 =	sne.s32 s2, $0x0  }
0x33: {  	s3 =	rddreg [dreg:$0x2];
	[bflag:$0x3] =	sbarrier.arrive $0xFFFF;
	s2 =	simm.s32 @!p0 $0x1C01  }
0x34: {  	[timem:s3], [sflag:s2] =	dma.local @!p0 [hbm:s0], s1  }
0x35: {  	s0 =	simm.s32 @!p0 $0x1  }
0x36: {  	_ =	swait.ge @!p0 [sflag:s0], s1  }
0x37: {  	s1 =	ssub.s32 @!p0 $0x0, s1;
	[sflag:s0] =	ssyncset.done @!p0 $0x0  }
0x38: {  	[sflag:s0] =	ssyncadd.s32 @!p0 s1  }
0x39: {  	[bflag:$0x3] =	sbarrier.arrive $0xFFFF  }
0x3a: {  	_ =	shalt  }

// kernel: gather_offload_async_start.3
scs
__scs_entry_jumppad:
0x0: {  	(pc) =	sbr.rel $0x88, $3  }
0x1: {  	(tag) =	ssettag $0x0;
	lr =	simm.s32 $0x1  }
0x2: {  	[smem:$0x3F9D] =	sst lr;
	_ =	strace $0xD0000000  }
0x3: {  	_ = 	snop  }
0x4: {  	_ = 	snop  }
0x5: {  	_ = 	snop  }
0x6: {  	_ = 	snop  }
0x7: {  	_ = 	snop  }
__scs_overlays_trampoline_lowered:
0x8: {  	[smem:$0x3FAC] =	sst s0  }
0x9: {  	[smem:$0x3FAD] =	sst s1  }
0xa: {  	[smem:$0x3FAE] =	sst s2  }
0xb: {  	[smem:$0x3FAF] =	sst s3  }
0xc: {  	[smem:$0x3FB0] =	sst s4  }
0xd: {  	[smem:$0x3FB1] =	sst s5  }
0xe: {  	[smem:$0x3FB2] =	sst s6  }
0xf: {  	[smem:$0x3FB3] =	sst s7  }
0x10: {  	[smem:$0x3FB4] =	sst s8  }
0x11: {  	[smem:$0x3FB5] =	sst s9;
	s0 =	simm.s32 @!p0 $0x0  }
0x12: {  	s1 =	sld [smem:$0x3F9B];
	s0 =	simm.s32 @p0 $0x1  }
0x13: {  	[smem:$0x3FB6] =	sst s0;
	s0 =	simm.s32 @!p1 $0x0  }
0x14: {  	s2 =	sld [smem:$0x3F9A];
	s0 =	simm.s32 @p1 $0x1  }
0x15: {  	[smem:$0x3FB7] =	sst s0;
	s0 =	simm.s32 @!p2 $0x0  }
0x16: {  	s3 =	sld [smem:$0x3FDB];
	s0 =	simm.s32 @p2 $0x1  }
0x17: {  	s4 =	simm.s32 $0x1BF5;
	[smem:$0x3FB9] =	sst s0  }
0x18: {  	s0 =	sld [smem:$0x3F9C];
	_ =	swait.ge [sflag:s4], $0x0  }
0x19: {  	s7 =	sld [smem:$0x3F9D]  }
0x1a: {  	s8 =	sadd.s32 $0xFFFFE003, lr  }
0x1b: {  	s9 =	sadd.s32 $0xFFFFFEF7, lr;
	s5 =	simm.s32 $0xFFFFFFFF;
	p2 =	slt.u32 s8, $0xFFFFF086  }
0x1c: {  	p1 =	slt.u32 s9, $0xF7A;
	s5 =	simm.s32 @!p2 $0x0  }
0x1d: {  	s5 =	simm.s32 @p1 $0x1;
	p0 =	seq.s32 s7, s2  }
0x1e: {  	s7 =	smul.u32 @!p0 $0xF7A, s2;
	p2 =	seq.s32 @!p0 s5, $0x0  }
0x1f: {  	s9 =	smul.u32 $0xF7A, s1;
	s8 =	simm.s32 @!p0 $0x1BF5;
	p2 =	por !p2, p0  }
0x20: {  	[sflag:s8] =	ssyncset.s32 @!p0 $0xFFFFF086;
	s6 =	sadd.s32 @!p0 s3, s7;
	s7 =	simm.s32 @!p0 $0x108  }
0x21: {  	s3 =	sadd.s32 s3, s9;
	s6 =	sadd.s32 @!p0 $0x88, s6;
	s7 =	simm.s32 @p2 $0x1082  }
0x22: {  	[simem:s7], [sflag:s8] =	dma.local @!p0 [hbm:s6], $0xF7A  }
0x23: {  	s9 =	sor.u32 $0xD0000000, s2;
	s6 =	simm.s32 $0x108;
	_ =	swait.ge @!p0 [sflag:s8], $0x0  }
0x24: {  	s3 =	sadd.s32 $0x88, s3;
	s6 =	simm.s32 @!p1 $0x1082;
	[sflag:s4] =	ssyncset.s32 $0xFFFFF086  }
0x25: {  	[simem:s6], [sflag:s4] =	dma.local [hbm:s3], $0xF7A  }
0x26: {  	[smem:$0x3F9D] =	sst s1;
	(tag) =	ssettag s2;
	_ =	strace s9  }
0x27: {  	s1 =	sld [smem:$0x3FAD]  }
0x28: {  	s2 =	sld [smem:$0x3FAE]  }
0x29: {  	s4 =	sld [smem:$0x3FB0]  }
0x2a: {  	p0 =	seq.s32 s5, $0x0;
	s5 =	sld [smem:$0x3FB1]  }
0x2b: {  	s6 =	sld [smem:$0x3FB2]  }
0x2c: {  	s7 =	sld [smem:$0x3FB3]  }
0x2d: {  	s3 =	simm.s32 $0x108;
	s8 =	sld [smem:$0x3FB4]  }
0x2e: {  	s3 =	simm.s32 @!p0 $0x1082;
	s9 =	sld [smem:$0x3FB5]  }
0x2f: {  	lr =	sadd.s32 s0, s3;
	s0 =	sld [smem:$0x3FAC]  }
0x30: {  	s3 =	sld [smem:$0x3FAF]  }
0x31: {  	[smem:$0x3FB8] =	sst s10  }
0x32: {  	s10 =	sld [smem:$0x3FB6];
	_ =	sdelay $0x3  }
0x33: {  	p0 =	seq.s32 s10, $0x1;
	s10 =	sld [smem:$0x3FB8];
	_ =	sdelay $0x3  }
0x34: {  	[smem:$0x3FB8] =	sst s10  }
0x35: {  	s10 =	sld [smem:$0x3FB7];
	_ =	sdelay $0x3  }
0x36: {  	p1 =	seq.s32 s10, $0x1;
	s10 =	sld [smem:$0x3FB8];
	_ =	sdelay $0x3  }
0x37: {  	[smem:$0x3FB8] =	sst s10  }
0x38: {  	s10 =	sld [smem:$0x3FB9]  }
0x39: {  	_ = 	snop;
	(pc) =	sbr.ind lr, $3  }
0x3a: {  	_ = 	snop  }
0x3b: {  	_ = 	snop  }
0x3c: {  	p2 =	seq.s32 s10, $0x1;
	s10 =	sld [smem:$0x3FB8]  }
0x3d: {  	_ =	shalt  }
0x3e: {  	_ =	shalt  }
0x3f: {  	_ =	shalt  }
0x40: {  	_ =	shalt  }
0x41: {  	_ =	shalt  }
0x42: {  	_ =	shalt  }
0x43: {  	_ =	shalt  }
0x44: {  	_ =	shalt  }
0x45: {  	_ =	shalt  }
0x46: {  	_ =	shalt  }
0x47: {  	_ =	shalt  }
0x48: {  	_ =	shalt  }
0x49: {  	_ =	shalt  }
0x4a: {  	_ =	shalt  }
0x4b: {  	_ =	shalt  }
0x4c: {  	_ =	shalt  }
0x4d: {  	_ =	shalt  }
0x4e: {  	_ =	shalt  }
0x4f: {  	_ =	shalt  }
0x50: {  	_ =	shalt  }
0x51: {  	_ =	shalt  }
0x52: {  	_ =	shalt  }
0x53: {  	_ =	shalt  }
0x54: {  	_ =	shalt  }
0x55: {  	_ =	shalt  }
0x56: {  	_ =	shalt  }
0x57: {  	_ =	shalt  }
0x58: {  	_ =	shalt  }
0x59: {  	_ =	shalt  }
0x5a: {  	_ =	shalt  }
0x5b: {  	_ =	shalt  }
0x5c: {  	_ =	shalt  }
0x5d: {  	_ =	shalt  }
0x5e: {  	_ =	shalt  }
0x5f: {  	_ =	shalt  }
0x60: {  	_ =	shalt  }
0x61: {  	_ =	shalt  }
0x62: {  	_ =	shalt  }
0x63: {  	_ =	shalt  }
0x64: {  	_ =	shalt  }
0x65: {  	_ =	shalt  }
0x66: {  	_ =	shalt  }
0x67: {  	_ =	shalt  }
0x68: {  	_ =	shalt  }
0x69: {  	_ =	shalt  }
0x6a: {  	_ =	shalt  }
0x6b: {  	_ =	shalt  }
0x6c: {  	_ =	shalt  }
0x6d: {  	_ =	shalt  }
0x6e: {  	_ =	shalt  }
0x6f: {  	_ =	shalt  }
0x70: {  	_ =	shalt  }
0x71: {  	_ =	shalt  }
0x72: {  	_ =	shalt  }
0x73: {  	_ =	shalt  }
0x74: {  	_ =	shalt  }
0x75: {  	_ =	shalt  }
0x76: {  	_ =	shalt  }
0x77: {  	_ =	shalt  }
0x78: {  	_ =	shalt  }
0x79: {  	_ =	shalt  }
0x7a: {  	_ =	shalt  }
0x7b: {  	_ =	shalt  }
0x7c: {  	_ =	shalt  }
0x7d: {  	_ =	shalt  }
0x7e: {  	_ =	shalt  }
0x7f: {  	_ =	shalt  }
0x80: {  	_ =	shalt  }
0x81: {  	_ =	shalt  }
0x82: {  	_ =	shalt  }
0x83: {  	_ =	shalt  }
0x84: {  	_ =	shalt  }
0x85: {  	_ =	shalt  }
0x86: {  	_ =	shalt  }
0x87: {  	_ =	shalt  }
.Lfunc_end0:
.L_simem_size_0:
called_computation.3_lowered:
.L_overlay_start_0:
0x88: {  	s0 =	sld [smem:$0x3FD9]  }
0x89: {  	s1 =	sld [smem:$0x3FFE];
	_ =	sdelay $0x3  }
0x8a: {  	s0 =	sadd.s32 s1, s0  }
0x8b: {  	[smem:$0x3FC4] =	sst s0  }
0x8c: {  	_ = 	snop  }
0x8d: {  	(tm) =	ssettm $0x1  }
0x8e: {  	s15 =	sld [smem:$0x3FFB];
	_ =	sdelay $0x3  }
0x8f: {  	_ =	strace s15  }
0x90: {  	s0 =	sld [smem:$0x3FFC];
	_ =	sdelay $0x3  }
0x91: {  	_ =	strace s0  }
0x92: {  	s0 =	sld [smem:$0x3FFD];
	_ =	sdelay $0x3  }
0x93: {  	_ =	strace s0  }
0x94: {  	_ =	strace $0x8FFFFFFF  }
0x95: {  	s16 =	sld [smem:$0x3FDB];
	_ =	sdelay $0x1  }
0x96: {  	s17 =	simm.s32 $_scs_section_size  }
0x97: {  	s2 =	simm.s32 $_size__tile_overlayer_lowered;
	s3 =	simm.s32 $_tile_overlayer_lowered  }
0x98: {  	s20 =	simm.s32 $0x1BFF;
	s19 =	sshll.u32 s3, $0x1;
	s0 =	sadd.s32 s17, s16  }
0x99: {  	s4 =	simm.s32 $0x0;
	s18 =	sshll.u32 s2, $0x1;
	s2 =	sadd.s32 s19, s0  }
0x9a: {  	[timem:s4], [sflag:s20] =	dma.local [hbm:s2], s18  }
0x9b: {  	_ =	swait.ge [sflag:s20], s18  }
0x9c: {  	s1 =	ssub.s32 $0x0, s18;
	[sflag:s20] =	ssyncset.done $0x0  }
0x9d: {  	[sflag:s20] =	ssyncadd.s32 s1;
	_ =	sdelay $0x1  }
0x9e: {  	s21 =	simm.s32 $0x1B8B  }
0x9f: {  	_ =	swait.ge [sflag:s21], $0x1  }
0xa0: {  	[sflag:s21] =	ssyncset.done $0x0  }
0xa1: {  	s23 =	simm.s32 $0x1B8E;
	s22 =	sld [smem:$0x3FFE];
	[sflag:s21] =	ssyncadd.s32 $0xFFFFFFFF  }
0xa2: {  	s24 =	simm.s32 $execute0_lowered;
	[smem:$0x3FD2] =	sst s23  }
0xa3: {  	s2 =	sshll.u32 s24, $0x1;
	_ =	strace $0x80000055;
	[dreg:$0x1] =	wrdreg $0xFFFFFFFF  }
0xa4: {  	s25 =	simm.s32 $_size_execute0_lowered;
	s0 =	sadd.s32 s0, s2;
	[dreg:$0x0] =	wrdreg $0x0  }
0xa5: {  	s2 =	sshll.u32 s25, $0x1;
	[dreg:$0x2] =	wrdreg s0  }
0xa6: {  	[dreg:$0x3] =	wrdreg s2  }
0xa7: {  	[dreg:$0x4] =	wrdreg $0xC0  }
0xa8: {  	_ =	task [dreg:s4], $0x5FFFF  }
0xa9: {  	[dreg:$0x1] =	wrdreg $0xFFFFFFFF  }
0xaa: {  	[dreg:$0x0] =	wrdreg $0x60  }
0xab: {  	[dreg:$0x2] =	wrdreg s22  }
0xac: {  	[dreg:$0x3] =	wrdreg $0xA  }
0xad: {  	_ =	task.clear_ibuf [dreg:s4], $0x4FFFF;
	_ =	strace $0x90000055  }
0xae: {  	s26 =	simm.s32 $0xA;
	_ =	strace $0x80000057  }
0xaf: {  	_ =	swait.ge [sflag:s26], $0x1  }
0xb0: {  	[sflag:s26] =	ssyncadd.s32 $0xFFFFFFFF  }
0xb1: {  	_ =	strace $0x90000057  }
0xb2: {  	_ =	sfence  }
0xb3: {  	s28 =	sld [smem:$0x0];
	_ =	sdelay $0x1  }
0xb4: {  	s29 =	srdreg.scid  }
0xb5: {  	s30 =	sshll.u32 s29, $0xD;
	s31 =	sshrl.u32 s29, $0x2  }
0xb6: {  	s1 =	sand.u32 $0x1, s29;
	s2 =	sand.u32 $0x4000, s30;
	s0 =	sadd.s32 s31, s28  }
0xb7: {  	s1 =	sor.u32 s2, s1;
	s0 =	sshll.u32 s0, $0x11  }
0xb8: {  	s0 =	sor.u32 s0, s1  }
0xb9: {  	s0 =	sadd.s32 $0x8F2B, s0  }
0xba: {  	[sflag:s0] =	ssyncadd.remote.s32 $0x1  }
0xbb: {  	_ =	sfence.sel $0xFFFF  }
0xbc: {  	[dreg:$0x0] =	wrdreg $0xFFFFFFFF;
	(pc) =	sbr.abs _section_cstart, $3  }
0xbd: {  	[dreg:$0x1] =	wrdreg $0xFFFFFFFF  }
0xbe: {  	_ =	task.clear_ibuf [dreg:s4], $0x2FFFF;
	_ =	strace $0x9FFFFFFF  }
0xbf: {  	(tm) =	ssettm $0x7FFFFFFF  }
tec
execute0_lowered:
.L_overlay_start_1:
0x0: {  	(tag) =	ssettag $0x1  }
0x1: {  	s0 =	stileid.u32  }
0x2: {  	s1 =	smin.u32 s0, $0x9  }
0x3: {  	s1 =	sadd.s32 s0, s1  }
0x4: {  	s2 =	simm.s32 $0x190;
	p0 =	slt.u32 s0, $0x9;
	s1 =	smul.u32 $0xC8, s1  }
0x5: {  	s2 =	simm.s32 @!p0 $0xC8  }
0x6: {  	s2 =	sadd.s32 s2, s1  }
0x7: {  	s3 =	smin.u32 s2, $0x1388  }
0x8: {  	s7 =	ssub.s32 s3, s1  }
0x9: {  	p0 =	sgt.s32 s7, $0x0  }
0xa: {  	s7 =	simm.s32 @!p0 $0x0  }
0xb: {  	s31 =	sand.u32 $0xFFF8, s7  }
0xc: {  	s2 =	sshrl.u32 s31, $0x3  }
0xd: {  	s2 =	smul.u32 $0x147B, s2  }
0xe: {  	s4 =	rddreg [dreg:$0x0];
	s6 =	simm.s32 $0x1  }
0xf: {  	s10 =	simm.s32 $0x3;
	s13 =	simm.s32 $0x0;
	s8 =	sshrl.u32 s2, $0x11  }
0x10: {  	s12 =	simm.s32 $0x0;
	s5 =	sadd.s32 $0x3FA00, s4;
	s9 =	smul.u32 $0xC8, s8  }
.Ltmp0:
0x11: {  	s11 =	smov.u32 s1;
	s2 =	rddreg [dreg:$0x1];
	(pc) =	sbr.rel .LBB2_1-.Ltmp0, $4  }
0x12: {  	_ =	strace $0x80000056;
	p0 =	sne.s32 s7, s9;
	s9 =	simm.s32 $0x1  }
0x13: {  	[sflag:s6] =	ssyncpa.u1 $0x0;
	s7 =	simm.s32 $0x2;
	s9 =	simm.s32 @!p0 $0x0  }
0x14: {  	[sflag:s7] =	ssyncpa.u1 $0x0;
	p0 =	por $0x0, $0x0;
	s8 =	sadd.s32 s8, s9  }
0x15: {  	vm0 =	vmmov $0xff;
	vm1 =	vcmask $0x3F20;
	s9 =	sadd.s32 $0x3FE00, s4;
	[sflag:s10] =	ssyncpa.u1 $0x0;
	s10 =	sadd.s32 $0x1, s8  }
.LBB2_10:
0x16: {  	[hbm:s17] =	stream.linear.scatter [tilespmem:s14], [sflag:$0x3], $0x800, $0x38;
	[tilespmem:$0x19190] =	vst v63  }
.LBB2_11:
0x17: {  	s13 =	sadd.s32 $0xC8, s11  }
0x18: {  	s15 =	smov.u32 s1;
	p2 =	slt.s32 s13, s3  }
0x19: {  	s15 =	smov.u32 @p2 s13;
	p2 =	sne.s32 s12, s10  }
.Ltmp1:
0x1a: {  	p1 =	slt.u32 s12, $0x2;
	(pc) =	sbr.rel @!p2 .LBB2_12-.Ltmp1, $4  }
0x1b: {  	s14 =	simm.s32 @!p1 $0x3  }
0x1c: {  	s16 =	sadd.s32 $0x1, s12;
	_ =	swait.ge @!p1 [sflag:s14], $0xC800  }
0x1d: {  	p0 =	por !p0, !p0;
	s13 =	smov.u32 s11;
	[sflag:s14] =	ssyncset.done @!p1 $0x0  }
0x1e: {  	s12 =	smov.u32 s16;
	s11 =	smov.u32 s15;
	[sflag:s14] =	ssyncadd.s32 @!p1 $0xFFFF3800  }
.LBB2_1:
0x1f: {  	p1 =	sge.u32 s12, s8  }
0x20: {  	s14 =	sxor.u32 @!p1 $0xFFFFFFFF, s12  }
0x21: {  	s14 =	sand.u32 @!p1 $0x1, s14  }
0x22: {  	s14 =	smul.u32 @!p1 $0x320, s14  }
0x23: {  	s31 =	sadd.s32 $0xFFFFFFFF, s12;
	s15 =	sshrl.u32 @!p1 s11, $0x3  }
0x24: {  	s16 =	sand.u32 @!p1 $0x7, s11;
	s15 =	sadd.s32 @!p1 s5, s15;
	s14 =	sshrl.u32 @!p1 s14, $0x2  }
0x25: {  	[tilespmem:s14], [sflag:$0x2] =	stream.linear.gather @!p1 [hbm4b:s15+s16], $0xC8, $0x38;
	[tilespmem:$0x19190] =	vst v63  }
0x26: {  	p1 =	sge.u32 s31, s8  }
.Ltmp2:
0x27: {  	_ = 	snop;
	(pc) =	sbr.rel @p1 .LBB2_11-.Ltmp2, $1  }
0x28: {  	_ =	sdelay $0x3  }
0x29: {  	s15 =	sand.u32 $0x1, s12  }
0x2a: {  	s14 =	simm.s32 $0x1;
	s16 =	smul.u32 $0x32000, s15  }
0x2b: {  	_ =	swait.ge [sflag:s7], $0xC8;
	s14 =	simm.s32 @!p0 $0x0;
	s15 =	smul.u32 $0x320, s15  }
0x2c: {  	[sflag:s7] =	ssyncset.done $0x0;
	s14 =	smul.u32 $0x32000, s14  }
0x2d: {  	[sflag:s7] =	ssyncadd.s32 $0xFFFFFF38  }
0x2e: {  	s17 =	sshrl.u32 s16, $0x2;
	s16 =	sshrl.u32 s15, $0x2;
	s14 =	sshrl.u32 s14, $0x2  }
0x2f: {  	s15 =	sor.u32 $0x190, s17;
	s17 =	simm.s32 $0x0;
	s14 =	sor.u32 $0x190, s14  }
.LBB2_3:
0x30: {  	s18 =	sshll.u32 s17, $0x4  }
0x31: {  	s18 =	sand.u32 $0x3FFFFFF0, s18  }
0x32: {  	s18 =	sadd.s32 s18, s16  }
0x33: {  	v0 =	vld.msk [tilespmem:s18+$0x0 ss:$0x1], $0xffff;
	_ =	sdelay $0x4  }
0x34: {  	vm2 =	vgt.s32 v0, $0x0  }
0x35: {  	v0 =	vnsel vm2, $0x0, v0  }
0x36: {  	v0 =	vmin.u32 v0, $0x15FF  }
0x37: {  	s31 =	sshll.u32 s17, $0xC;
	v1 =	vshll.u32 v0, $0x5;
	v0 =	vshll.u32 v0, $0x4  }
0x38: {  	s18 =	sand.u32 $0x3FFFF000, s31;
	v1 =	vand.u32 $0x3FF00, v1;
	v0 =	vand.u32 $0x70, v0  }
0x39: {  	p1 =	por $0x1, $0x1;
	s19 =	simm.s32 $0x0;
	s18 =	sadd.s32 s18, s15;
	v0 =	vor.u32 v0, v1  }
.LBB2_4:
0x3a: {  	_ =	sdelay $0x1  }
0x3b: {  	s19 =	sshra.s32 s19, $0x2;
	p2 =	por p1, p1  }
.Ltmp3:
0x3c: {  	s19 =	sadd.s32 s19, s18;
	(pc) =	sbr.rel @p2 .LBB2_4-.Ltmp3, $4  }
0x3d: {  	[tilespmem:s19], [sflag:$0x1] =	stream.indirect_vreg.gather [hbm:s4], $0x80, v0, vm0, $0x38;
	[tilespmem:$0x19190] =	vst v63  }
0x3e: {  	s19 =	sadd.s32 $0x800, s19  }
0x3f: {  	[tilespmem:s19], [sflag:$0x1] =	stream.indirect_vreg.gather [hbm:s4], $0x80, v0, vm1, $0x38;
	[tilespmem:$0x19190] =	vst v63  }
0x40: {  	p1 =	por $0x0, $0x0;
	v0 =	vadd.s32 $0x80, v0;
	s19 =	simm.s32 $0x1000  }
0x41: {  	s17 =	sadd.s32 $0x1, s17  }
0x42: {  	p1 =	sne.s32 s17, $0xC  }
.Ltmp4:
0x43: {  	_ = 	snop;
	(pc) =	sbr.rel @p1 .LBB2_3-.Ltmp4, $1  }
0x44: {  	_ =	sdelay $0x3  }
0x45: {  	v0 =	vld.msk [tilespmem:s16+$0xC0 ss:$0x1], $0xff;
	_ =	sdelay $0x4  }
0x46: {  	vm2 =	vgt.s32 v0, $0x0  }
0x47: {  	v0 =	vnsel vm2, $0x0, v0  }
0x48: {  	v0 =	vmin.u32 v0, $0x15FF  }
0x49: {  	v1 =	vshll.u32 v0, $0x5;
	v0 =	vshll.u32 v0, $0x4  }
0x4a: {  	v1 =	vand.u32 $0x3FF00, v1;
	v0 =	vand.u32 $0x70, v0  }
0x4b: {  	s16 =	simm.s32 $0x0;
	p1 =	por $0x1, $0x1;
	v0 =	vor.u32 v0, v1  }
.LBB2_7:
0x4c: {  	p2 =	por p1, p1  }
.Ltmp5:
0x4d: {  	s16 =	sshra.s32 s16, $0x2;
	(pc) =	sbr.rel @p2 .LBB2_7-.Ltmp5, $4  }
0x4e: {  	s16 =	sadd.s32 s16, s15  }
0x4f: {  	s16 =	sadd.s32 $0xC000, s16  }
0x50: {  	[tilespmem:s16], [sflag:$0x1] =	stream.indirect_vreg.gather [hbm:s4], $0x80, v0, vm0, $0x38;
	[tilespmem:$0x19190] =	vst v63  }
0x51: {  	p1 =	por $0x0, $0x0;
	v0 =	vadd.s32 $0x80, v0;
	s16 =	simm.s32 $0x1000  }
0x52: {  	s15 =	sshll.u32 s13, $0x5  }
0x53: {  	s31 =	sshll.u32 s13, $0x4;
	s15 =	sand.u32 $0xFFFFFF00, s15  }
0x54: {  	_ =	swait.ge [sflag:s6], $0xC800;
	s13 =	sand.u32 $0x70, s31;
	s15 =	sadd.s32 s15, s9  }
0x55: {  	s16 =	sadd.s32 $0x800, s14;
	[sflag:s6] =	ssyncset.done $0x0;
	s13 =	sadd.s32 s13, s15  }
0x56: {  	[sflag:s6] =	ssyncadd.s32 $0xFFFF3800;
	s15 =	simm.s32 $0x100;
	s17 =	sadd.s32 $0x0, s13  }
.LBB2_9:
0x57: {  	[hbm:s17] =	stream.linear.scatter [tilespmem:s14], [sflag:$0x3], $0x800, $0x38;
	[tilespmem:$0x19190] =	vst v63  }
0x58: {  	s17 =	smov.u32 s15;
	s14 =	smov.u32 s16;
	p1 =	sne.s32 s15, $0x1800  }
.Ltmp6:
0x59: {  	s15 =	sadd.s32 $0x100, s15;
	(pc) =	sbr.rel @p1 .LBB2_9-.Ltmp6, $2  }
0x5a: {  	_ =	sdelay $0x2  }
0x5b: {  	s16 =	sadd.s32 $0x800, s16;
	s17 =	sadd.s32 s17, s13  }
.Ltmp7:
0x5c: {  	_ = 	snop;
	(pc) =	sbr.rel .LBB2_10-.Ltmp7, $1  }
0x5d: {  	_ =	sdelay $0x3  }
.LBB2_12:
0x5e: {  	_ =	sfence.sel $0x180000  }
0x5f: {  	s1 =	simm.s32 $0x2;
	[bflag:$0x0] =	sbarrier.arrive $0xFFFF  }
0x60: {  	s30 =	simm.s32 $0x3;
	[sflag:s1] =	ssyncpa.u1 $0x1  }
0x61: {  	s31 =	simm.s32 $0x1;
	[sflag:s30] =	ssyncpa.u1 $0x1  }
0x62: {  	[sflag:s31] =	ssyncpa.u1 $0x1  }
0x63: {  	p0 =	sne.s32 s0, $0x0;
	_ =	strace $0x90000056  }
0x64: {  	s0 =	sadd.s32 @!p0 $0x100000, s2;
	[bflag:$0x2] =	sbarrier.arrive $0xFFFF  }
0x65: {  	[sflag:s0] =	ssyncadd.tile.s32 @!p0 $0x1;
	_ =	shalt  }
.Lfunc_end2:
_tile_overlayer_lowered:
.L_overlay_start_2:
0x66: {  	(tag) =	ssettag $0x2  }
0x67: {  	s0 =	rddreg [dreg:$0x0];
	s2 =	stileid.u32  }
0x68: {  	s1 =	rddreg [dreg:$0x1];
	p0 =	sne.s32 s2, $0x0  }
0x69: {  	s3 =	rddreg [dreg:$0x2];
	[bflag:$0x3] =	sbarrier.arrive $0xFFFF;
	s2 =	simm.s32 @!p0 $0x1C01  }
0x6a: {  	[timem:s3], [sflag:s2] =	dma.local @!p0 [hbm:s0], s1  }
0x6b: {  	s0 =	simm.s32 @!p0 $0x1  }
0x6c: {  	_ =	swait.ge @!p0 [sflag:s0], s1  }
0x6d: {  	s1 =	ssub.s32 @!p0 $0x0, s1;
	[sflag:s0] =	ssyncset.done @!p0 $0x0  }
0x6e: {  	[sflag:s0] =	ssyncadd.s32 @!p0 s1  }
0x6f: {  	[bflag:$0x3] =	sbarrier.arrive $0xFFFF  }
0x70: {  	_ =	shalt  }

// kernel: gather_offload_async_start
scs
__scs_entry_jumppad:
0x0: {  	(pc) =	sbr.rel $0x88, $3  }
0x1: {  	(tag) =	ssettag $0x0;
	lr =	simm.s32 $0x1  }
0x2: {  	[smem:$0x3F9D] =	sst lr;
	_ =	strace $0xD0000000  }
0x3: {  	_ = 	snop  }
0x4: {  	_ = 	snop  }
0x5: {  	_ = 	snop  }
0x6: {  	_ = 	snop  }
0x7: {  	_ = 	snop  }
__scs_overlays_trampoline_lowered:
0x8: {  	[smem:$0x3FAC] =	sst s0  }
0x9: {  	[smem:$0x3FAD] =	sst s1  }
0xa: {  	[smem:$0x3FAE] =	sst s2  }
0xb: {  	[smem:$0x3FAF] =	sst s3  }
0xc: {  	[smem:$0x3FB0] =	sst s4  }
0xd: {  	[smem:$0x3FB1] =	sst s5  }
0xe: {  	[smem:$0x3FB2] =	sst s6  }
0xf: {  	[smem:$0x3FB3] =	sst s7  }
0x10: {  	[smem:$0x3FB4] =	sst s8  }
0x11: {  	[smem:$0x3FB5] =	sst s9;
	s0 =	simm.s32 @!p0 $0x0  }
0x12: {  	s1 =	sld [smem:$0x3F9B];
	s0 =	simm.s32 @p0 $0x1  }
0x13: {  	[smem:$0x3FB6] =	sst s0;
	s0 =	simm.s32 @!p1 $0x0  }
0x14: {  	s2 =	sld [smem:$0x3F9A];
	s0 =	simm.s32 @p1 $0x1  }
0x15: {  	[smem:$0x3FB7] =	sst s0;
	s0 =	simm.s32 @!p2 $0x0  }
0x16: {  	s3 =	sld [smem:$0x3FDB];
	s0 =	simm.s32 @p2 $0x1  }
0x17: {  	s4 =	simm.s32 $0x1BF5;
	[smem:$0x3FB9] =	sst s0  }
0x18: {  	s0 =	sld [smem:$0x3F9C];
	_ =	swait.ge [sflag:s4], $0x0  }
0x19: {  	s7 =	sld [smem:$0x3F9D]  }
0x1a: {  	s8 =	sadd.s32 $0xFFFFE003, lr  }
0x1b: {  	s9 =	sadd.s32 $0xFFFFFEF7, lr;
	s5 =	simm.s32 $0xFFFFFFFF;
	p2 =	slt.u32 s8, $0xFFFFF086  }
0x1c: {  	p1 =	slt.u32 s9, $0xF7A;
	s5 =	simm.s32 @!p2 $0x0  }
0x1d: {  	s5 =	simm.s32 @p1 $0x1;
	p0 =	seq.s32 s7, s2  }
0x1e: {  	s7 =	smul.u32 @!p0 $0xF7A, s2;
	p2 =	seq.s32 @!p0 s5, $0x0  }
0x1f: {  	s9 =	smul.u32 $0xF7A, s1;
	s8 =	simm.s32 @!p0 $0x1BF5;
	p2 =	por !p2, p0  }
0x20: {  	[sflag:s8] =	ssyncset.s32 @!p0 $0xFFFFF086;
	s6 =	sadd.s32 @!p0 s3, s7;
	s7 =	simm.s32 @!p0 $0x108  }
0x21: {  	s3 =	sadd.s32 s3, s9;
	s6 =	sadd.s32 @!p0 $0x88, s6;
	s7 =	simm.s32 @p2 $0x1082  }
0x22: {  	[simem:s7], [sflag:s8] =	dma.local @!p0 [hbm:s6], $0xF7A  }
0x23: {  	s9 =	sor.u32 $0xD0000000, s2;
	s6 =	simm.s32 $0x108;
	_ =	swait.ge @!p0 [sflag:s8], $0x0  }
0x24: {  	s3 =	sadd.s32 $0x88, s3;
	s6 =	simm.s32 @!p1 $0x1082;
	[sflag:s4] =	ssyncset.s32 $0xFFFFF086  }
0x25: {  	[simem:s6], [sflag:s4] =	dma.local [hbm:s3], $0xF7A  }
0x26: {  	[smem:$0x3F9D] =	sst s1;
	(tag) =	ssettag s2;
	_ =	strace s9  }
0x27: {  	s1 =	sld [smem:$0x3FAD]  }
0x28: {  	s2 =	sld [smem:$0x3FAE]  }
0x29: {  	s4 =	sld [smem:$0x3FB0]  }
0x2a: {  	p0 =	seq.s32 s5, $0x0;
	s5 =	sld [smem:$0x3FB1]  }
0x2b: {  	s6 =	sld [smem:$0x3FB2]  }
0x2c: {  	s7 =	sld [smem:$0x3FB3]  }
0x2d: {  	s3 =	simm.s32 $0x108;
	s8 =	sld [smem:$0x3FB4]  }
0x2e: {  	s3 =	simm.s32 @!p0 $0x1082;
	s9 =	sld [smem:$0x3FB5]  }
0x2f: {  	lr =	sadd.s32 s0, s3;
	s0 =	sld [smem:$0x3FAC]  }
0x30: {  	s3 =	sld [smem:$0x3FAF]  }
0x31: {  	[smem:$0x3FB8] =	sst s10  }
0x32: {  	s10 =	sld [smem:$0x3FB6];
	_ =	sdelay $0x3  }
0x33: {  	p0 =	seq.s32 s10, $0x1;
	s10 =	sld [smem:$0x3FB8];
	_ =	sdelay $0x3  }
0x34: {  	[smem:$0x3FB8] =	sst s10  }
0x35: {  	s10 =	sld [smem:$0x3FB7];
	_ =	sdelay $0x3  }
0x36: {  	p1 =	seq.s32 s10, $0x1;
	s10 =	sld [smem:$0x3FB8];
	_ =	sdelay $0x3  }
0x37: {  	[smem:$0x3FB8] =	sst s10  }
0x38: {  	s10 =	sld [smem:$0x3FB9]  }
0x39: {  	_ = 	snop;
	(pc) =	sbr.ind lr, $3  }
0x3a: {  	_ = 	snop  }
0x3b: {  	_ = 	snop  }
0x3c: {  	p2 =	seq.s32 s10, $0x1;
	s10 =	sld [smem:$0x3FB8]  }
0x3d: {  	_ =	shalt  }
0x3e: {  	_ =	shalt  }
0x3f: {  	_ =	shalt  }
0x40: {  	_ =	shalt  }
0x41: {  	_ =	shalt  }
0x42: {  	_ =	shalt  }
0x43: {  	_ =	shalt  }
0x44: {  	_ =	shalt  }
0x45: {  	_ =	shalt  }
0x46: {  	_ =	shalt  }
0x47: {  	_ =	shalt  }
0x48: {  	_ =	shalt  }
0x49: {  	_ =	shalt  }
0x4a: {  	_ =	shalt  }
0x4b: {  	_ =	shalt  }
0x4c: {  	_ =	shalt  }
0x4d: {  	_ =	shalt  }
0x4e: {  	_ =	shalt  }
0x4f: {  	_ =	shalt  }
0x50: {  	_ =	shalt  }
0x51: {  	_ =	shalt  }
0x52: {  	_ =	shalt  }
0x53: {  	_ =	shalt  }
0x54: {  	_ =	shalt  }
0x55: {  	_ =	shalt  }
0x56: {  	_ =	shalt  }
0x57: {  	_ =	shalt  }
0x58: {  	_ =	shalt  }
0x59: {  	_ =	shalt  }
0x5a: {  	_ =	shalt  }
0x5b: {  	_ =	shalt  }
0x5c: {  	_ =	shalt  }
0x5d: {  	_ =	shalt  }
0x5e: {  	_ =	shalt  }
0x5f: {  	_ =	shalt  }
0x60: {  	_ =	shalt  }
0x61: {  	_ =	shalt  }
0x62: {  	_ =	shalt  }
0x63: {  	_ =	shalt  }
0x64: {  	_ =	shalt  }
0x65: {  	_ =	shalt  }
0x66: {  	_ =	shalt  }
0x67: {  	_ =	shalt  }
0x68: {  	_ =	shalt  }
0x69: {  	_ =	shalt  }
0x6a: {  	_ =	shalt  }
0x6b: {  	_ =	shalt  }
0x6c: {  	_ =	shalt  }
0x6d: {  	_ =	shalt  }
0x6e: {  	_ =	shalt  }
0x6f: {  	_ =	shalt  }
0x70: {  	_ =	shalt  }
0x71: {  	_ =	shalt  }
0x72: {  	_ =	shalt  }
0x73: {  	_ =	shalt  }
0x74: {  	_ =	shalt  }
0x75: {  	_ =	shalt  }
0x76: {  	_ =	shalt  }
0x77: {  	_ =	shalt  }
0x78: {  	_ =	shalt  }
0x79: {  	_ =	shalt  }
0x7a: {  	_ =	shalt  }
0x7b: {  	_ =	shalt  }
0x7c: {  	_ =	shalt  }
0x7d: {  	_ =	shalt  }
0x7e: {  	_ =	shalt  }
0x7f: {  	_ =	shalt  }
0x80: {  	_ =	shalt  }
0x81: {  	_ =	shalt  }
0x82: {  	_ =	shalt  }
0x83: {  	_ =	shalt  }
0x84: {  	_ =	shalt  }
0x85: {  	_ =	shalt  }
0x86: {  	_ =	shalt  }
0x87: {  	_ =	shalt  }
.Lfunc_end0:
.L_simem_size_0:
called_computation_lowered:
.L_overlay_start_0:
0x88: {  	s2 =	sld [smem:$0x3FD9]  }
0x89: {  	s3 =	sld [smem:$0x3FFE];
	_ =	sdelay $0x1  }
0x8a: {  	s1 =	srdreg.scid  }
0x8b: {  	s0 =	sand.u32 $0x1, s1  }
0x8c: {  	s14 =	sshll.u32 s0, $0xA;
	s2 =	sadd.s32 s3, s2  }
0x8d: {  	s2 =	sadd.s32 s2, s14  }
0x8e: {  	[smem:$0x3FC4] =	sst s2  }
0x8f: {  	_ = 	snop  }
0x90: {  	s2 =	sld [smem:$0x3FD0];
	_ =	sdelay $0x2  }
0x91: {  	s15 =	simm.s32 $0xB;
	s4 =	simm.s32 $0x10  }
0x92: {  	[smem:s4], [sflag:s15] =	dma.local [hbm:s2], $0x1  }
0x93: {  	_ =	swait.eq [sflag:s15], $0x1  }
0x94: {  	[sflag:s15] =	ssyncset.done $0x0  }
0x95: {  	[sflag:s15] =	ssyncadd.s32 $0xFFFFFFFF  }
0x96: {  	s16 =	sld [smem:$0x11];
	(tm) =	ssettm $0x1  }
0x97: {  	s17 =	sld [smem:$0x3FFB];
	_ =	sdelay $0x3  }
0x98: {  	_ =	strace s17  }
0x99: {  	s3 =	sld [smem:$0x3FFC];
	_ =	sdelay $0x3  }
0x9a: {  	_ =	strace s3  }
0x9b: {  	s3 =	sld [smem:$0x3FFD];
	_ =	sdelay $0x3  }
0x9c: {  	_ =	strace s3  }
0x9d: {  	_ =	strace $0x8FFFFFFF  }
0x9e: {  	s18 =	sld [smem:$0x3FDB];
	_ =	sdelay $0x1  }
0x9f: {  	s19 =	simm.s32 $_scs_section_size  }
0xa0: {  	s5 =	simm.s32 $_size__tile_overlayer_lowered;
	s6 =	simm.s32 $_tile_overlayer_lowered  }
0xa1: {  	s22 =	simm.s32 $0x1BFF;
	s21 =	sshll.u32 s6, $0x1;
	s3 =	sadd.s32 s19, s18  }
0xa2: {  	s7 =	simm.s32 $0x0;
	s20 =	sshll.u32 s5, $0x1;
	s5 =	sadd.s32 s21, s3  }
0xa3: {  	[timem:s7], [sflag:s22] =	dma.local [hbm:s5], s20  }
0xa4: {  	_ =	swait.ge [sflag:s22], s20  }
0xa5: {  	s4 =	ssub.s32 $0x0, s20;
	[sflag:s22] =	ssyncset.done $0x0  }
0xa6: {  	[sflag:s22] =	ssyncadd.s32 s4;
	_ =	sdelay $0x1  }
0xa7: {  	s23 =	simm.s32 $0x1B8B  }
0xa8: {  	_ =	swait.ge [sflag:s23], $0x1  }
0xa9: {  	[sflag:s23] =	ssyncset.done $0x0  }
0xaa: {  	s25 =	simm.s32 $0x1B8E;
	s24 =	sld [smem:$0x3FFE];
	[sflag:s23] =	ssyncadd.s32 $0xFFFFFFFF  }
0xab: {  	s26 =	simm.s32 $execute0_lowered;
	[smem:$0x3FD2] =	sst s25  }
0xac: {  	s5 =	sshll.u32 s26, $0x1;
	_ =	strace $0x80000049;
	[dreg:$0x1] =	wrdreg $0xFFFFFFFF  }
0xad: {  	s28 =	simm.s32 $_size_execute0_lowered;
	s3 =	sadd.s32 s3, s5;
	[dreg:$0x0] =	wrdreg $0x0  }
0xae: {  	s5 =	sshll.u32 s28, $0x1;
	[dreg:$0x2] =	wrdreg s3  }
0xaf: {  	[dreg:$0x3] =	wrdreg s5  }
0xb0: {  	[dreg:$0x4] =	wrdreg $0xC0  }
0xb1: {  	_ =	task [dreg:s7], $0x5FFFF  }
0xb2: {  	[dreg:$0x1] =	wrdreg $0xFFFFFFFF  }
0xb3: {  	[dreg:$0x0] =	wrdreg $0x60  }
0xb4: {  	[dreg:$0x2] =	wrdreg s16  }
0xb5: {  	[dreg:$0x3] =	wrdreg s24  }
0xb6: {  	[dreg:$0x4] =	wrdreg $0x9  }
0xb7: {  	_ =	task.clear_ibuf [dreg:s7], $0x5FFFF;
	_ =	strace $0x90000049  }
0xb8: {  	s29 =	simm.s32 $0x9;
	_ =	strace $0x8000004B  }
0xb9: {  	_ =	swait.ge [sflag:s29], $0x1  }
0xba: {  	[sflag:s29] =	ssyncadd.s32 $0xFFFFFFFF  }
0xbb: {  	_ =	strace $0x9000004B  }
0xbc: {  	_ =	sfence  }
0xbd: {  	s30 =	sld [smem:$0x0];
	_ =	sdelay $0x2  }
0xbe: {  	s31 =	sshll.u32 s1, $0xD;
	s1 =	sshrl.u32 s1, $0x2  }
0xbf: {  	s3 =	sand.u32 $0x4000, s31;
	s1 =	sadd.s32 s1, s30  }
0xc0: {  	s0 =	sor.u32 s3, s0;
	s1 =	sshll.u32 s1, $0x11  }
0xc1: {  	s0 =	sor.u32 s1, s0  }
0xc2: {  	s0 =	sadd.s32 $0x8F2B, s0  }
0xc3: {  	[sflag:s0] =	ssyncadd.remote.s32 $0x1  }
0xc4: {  	_ =	sfence.sel $0xFFFF  }
0xc5: {  	[dreg:$0x0] =	wrdreg $0xFFFFFFFF;
	(pc) =	sbr.abs _section_cstart, $3  }
0xc6: {  	[dreg:$0x1] =	wrdreg $0xFFFFFFFF  }
0xc7: {  	_ =	task.clear_ibuf [dreg:s7], $0x2FFFF;
	_ =	strace $0x9FFFFFFF  }
0xc8: {  	(tm) =	ssettm $0x7FFFFFFF  }
0xc9: {  	_ =	shalt  }
tec
execute0_lowered:
.L_overlay_start_1:
0x0: {  	(tag) =	ssettag $0x1  }
0x1: {  	s2 =	rddreg [dreg:$0x0];
	s0 =	srdreg.scid  }
0x2: {  	s3 =	rddreg [dreg:$0x1];
	s1 =	stileid.u32;
	s6 =	simm.s32 $0x2  }
0x3: {  	s4 =	sshll.u32 s0, $0x4;
	s0 =	rddreg [dreg:$0x2];
	_ =	strace $0x8000004A  }
.Ltmp0:
0x4: {  	s5 =	sand.u32 $0x10, s4;
	s4 =	simm.s32 $0x1;
	(pc) =	sbr.rel .LBB2_1-.Ltmp0, $4  }
0x5: {  	s9 =	simm.s32 $0x3;
	s5 =	sor.u32 s1, s5;
	[sflag:s4] =	ssyncpa.u1 $0x0  }
0x6: {  	s12 =	simm.s32 $0x0;
	s5 =	smul.u32 $0xB0, s5;
	[sflag:s6] =	ssyncpa.u1 $0x0  }
0x7: {  	s10 =	simm.s32 $0x0;
	s7 =	sadd.s32 $0x400, s3;
	[sflag:s9] =	ssyncpa.u1 $0x0  }
0x8: {  	vm0 =	vmmov $0xff;
	vm1 =	vcmask $0x3F20;
	s9 =	simm.s32 $0xB0;
	s8 =	sadd.s32 $0xB0, s5;
	s11 =	smov.u32 s5  }
.LBB2_10:
0x9: {  	s12 =	sshrl.u32 s11, $0x3  }
0xa: {  	s13 =	sand.u32 $0x7, s11;
	s12 =	sadd.s32 s3, s12  }
0xb: {  	[tilespmem:s9], [sflag:$0x2] =	stream.linear.gather [hbm4b:s12+s13], $0xB0, $0x38;
	[tilespmem:$0xB160] =	vst v63  }
.LBB2_8:
0xc: {  	s12 =	sadd.s32 $0xB0, s11  }
0xd: {  	s13 =	smov.u32 s5;
	p0 =	slt.s32 s12, s8  }
0xe: {  	s13 =	smov.u32 @p0 s12  }
0xf: {  	s10 =	sadd.s32 $0x1, s10;
	s12 =	smov.u32 s11;
	s11 =	smov.u32 s13  }
.LBB2_1:
0x10: {  	p0 =	seq.s32 s10, $0x0  }
.Ltmp1:
0x11: {  	_ = 	snop;
	(pc) =	sbr.rel @p0 .LBB2_10-.Ltmp1, $1  }
0x12: {  	_ =	sdelay $0x3  }
0x13: {  	p0 =	seq.s32 s10, $0x1  }
.Ltmp2:
0x14: {  	_ = 	snop;
	(pc) =	sbr.rel @!p0 .LBB2_9-.Ltmp2, $1  }
0x15: {  	_ =	sdelay $0x3  }
0x16: {  	_ =	swait.ge [sflag:s6], $0xB0  }
0x17: {  	[sflag:s6] =	ssyncset.done $0x0  }
0x18: {  	s13 =	simm.s32 $0x0;
	[sflag:s6] =	ssyncadd.s32 $0xFFFFFF50  }
0x19: {  	v0 =	vld.msk [tilespmem:s13+$0xB0 ss:$0x1], $0xffff;
	_ =	sdelay $0x4  }
0x1a: {  	vm2 =	vgt.s32 v0, $0x0  }
0x1b: {  	v0 =	vnsel vm2, $0x0, v0  }
0x1c: {  	v0 =	vmin.u32 v0, $0x270F  }
0x1d: {  	v0 =	vshll.u32 v0, $0x4;
	_ =	sdelay $0x3  }
0x1e: {  	s13 =	simm.s32 $0x5960  }
0x1f: {  	[tilespmem:s13], [sflag:$0x1] =	stream.indirect_vreg.gather [hbm:s2], $0x80, v0, vm0, $0x38;
	[tilespmem:$0xB160] =	vst v63  }
0x20: {  	s14 =	simm.s32 $0x5D60;
	s31 =	simm.s32 $0x10  }
0x21: {  	[tilespmem:s14], [sflag:$0x1] =	stream.indirect_vreg.gather [hbm:s2], $0x80, v0, vm1, $0x38;
	[tilespmem:$0xB160] =	vst v63  }
0x22: {  	s14 =	simm.s32 $0x80;
	v0 =	vld.msk [tilespmem:s31+$0xB0 ss:$0x1], $0xffff  }
.LBB2_4:
0x23: {  	p0 =	sne.s32 s14, $0x280;
	_ =	sdelay $0x4  }
0x24: {  	vm2 =	vgt.s32 v0, $0x0  }
0x25: {  	v0 =	vnsel vm2, $0x0, v0  }
0x26: {  	v0 =	vmin.u32 v0, $0x270F  }
0x27: {  	v0 =	vshll.u32 v0, $0x4;
	_ =	sdelay $0x3  }
.Ltmp3:
0x28: {  	s13 =	sadd.s32 $0x800, s13;
	(pc) =	sbr.rel @p0 .LBB2_4-.Ltmp3, $4  }
0x29: {  	[tilespmem:s13], [sflag:$0x1] =	stream.indirect_vreg.gather [hbm:s2], $0x80, v0, vm0, $0x38;
	[tilespmem:$0xB160] =	vst v63  }
0x2a: {  	s15 =	sshra.s32 s14, $0x2;
	s16 =	sadd.s32 $0x400, s13  }
0x2b: {  	[tilespmem:s16], [sflag:$0x1] =	stream.indirect_vreg.gather [hbm:s2], $0x80, v0, vm1, $0x38;
	[tilespmem:$0xB160] =	vst v63  }
0x2c: {  	s14 =	sadd.s32 $0x40, s14;
	v0 =	vld.msk [tilespmem:s15+$0xB0 ss:$0x1], $0xffff  }
0x2d: {  	_ =	sdelay $0x3  }
0x2e: {  	vm2 =	vgt.s32 v0, $0x0  }
0x2f: {  	v0 =	vnsel vm2, $0x0, v0  }
0x30: {  	v0 =	vmin.u32 v0, $0x270F  }
0x31: {  	v0 =	vshll.u32 v0, $0x4;
	_ =	sdelay $0x3  }
0x32: {  	s13 =	sadd.s32 $0x800, s13  }
0x33: {  	[tilespmem:s13], [sflag:$0x1] =	stream.indirect_vreg.gather [hbm:s2], $0x80, v0, vm0, $0x38;
	[tilespmem:$0xB160] =	vst v63  }
0x34: {  	s13 =	sadd.s32 $0x400, s13  }
0x35: {  	[tilespmem:s13], [sflag:$0x1] =	stream.indirect_vreg.gather [hbm:s2], $0x80, v0, vm1, $0x38;
	[tilespmem:$0xB160] =	vst v63  }
0x36: {  	s12 =	sshll.u32 s12, $0x4;
	s14 =	simm.s32 $0x80;
	_ =	swait.ge [sflag:s4], $0x5800  }
0x37: {  	s15 =	simm.s32 $0x5D60;
	s12 =	sadd.s32 s12, s7;
	[sflag:s4] =	ssyncset.done $0x0  }
0x38: {  	s16 =	sadd.s32 $0x0, s12;
	s13 =	simm.s32 $0x5960;
	[sflag:s4] =	ssyncadd.s32 $0xFFFFA800  }
.LBB2_6:
0x39: {  	[hbm:s16] =	stream.linear.scatter [tilespmem:s13], [sflag:$0x3], $0x400, $0x38;
	[tilespmem:$0xB160] =	vst v63  }
0x3a: {  	s16 =	smov.u32 s14;
	s13 =	smov.u32 s15;
	p0 =	seq.s32 s14, $0xA80  }
.Ltmp4:
0x3b: {  	s14 =	sadd.s32 $0x80, s14;
	(pc) =	sbr.rel @!p0 .LBB2_6-.Ltmp4, $2  }
0x3c: {  	_ =	sdelay $0x2  }
0x3d: {  	s15 =	sadd.s32 $0x400, s15;
	s16 =	sadd.s32 s16, s12  }
.Ltmp5:
0x3e: {  	(pc) =	sbr.rel .LBB2_8-.Ltmp5, $2  }
0x3f: {  	_ =	sdelay $0x2  }
0x40: {  	[hbm:s16] =	stream.linear.scatter [tilespmem:s13], [sflag:$0x3], $0x400, $0x38;
	[tilespmem:$0xB160] =	vst v63  }
.LBB2_9:
0x41: {  	s2 =	simm.s32 $0x3  }
0x42: {  	_ =	swait.ge [sflag:s2], $0x5800  }
0x43: {  	[sflag:s2] =	ssyncset.done $0x0  }
0x44: {  	[sflag:s2] =	ssyncadd.s32 $0xFFFFA800  }
0x45: {  	_ =	sfence.sel $0x180000  }
0x46: {  	s3 =	simm.s32 $0x2;
	[bflag:$0x0] =	sbarrier.arrive $0xFFFF  }
0x47: {  	[sflag:s3] =	ssyncpa.u1 $0x1  }
0x48: {  	s31 =	simm.s32 $0x1;
	[sflag:s2] =	ssyncpa.u1 $0x1  }
0x49: {  	[sflag:s31] =	ssyncpa.u1 $0x1  }
0x4a: {  	p0 =	sne.s32 s1, $0x0;
	_ =	strace $0x9000004A  }
0x4b: {  	s0 =	sadd.s32 @!p0 $0x100000, s0;
	[bflag:$0x2] =	sbarrier.arrive $0xFFFF  }
0x4c: {  	[sflag:s0] =	ssyncadd.tile.s32 @!p0 $0x1;
	_ =	shalt  }
.Lfunc_end2:
_tile_overlayer_lowered:
.L_overlay_start_2:
0x4d: {  	(tag) =	ssettag $0x2  }
0x4e: {  	s0 =	rddreg [dreg:$0x0];
	s2 =	stileid.u32  }
0x4f: {  	s1 =	rddreg [dreg:$0x1];
	p0 =	sne.s32 s2, $0x0  }
0x50: {  	s3 =	rddreg [dreg:$0x2];
	[bflag:$0x3] =	sbarrier.arrive $0xFFFF;
	s2 =	simm.s32 @!p0 $0x1C01  }
0x51: {  	[timem:s3], [sflag:s2] =	dma.local @!p0 [hbm:s0], s1  }
0x52: {  	s0 =	simm.s32 @!p0 $0x1  }
0x53: {  	_ =	swait.ge @!p0 [sflag:s0], s1  }
0x54: {  	s1 =	ssub.s32 @!p0 $0x0, s1;
	[sflag:s0] =	ssyncset.done @!p0 $0x0  }
0x55: {  	[sflag:s0] =	ssyncadd.s32 @!p0 s1  }
0x56: {  	[bflag:$0x3] =	sbarrier.arrive $0xFFFF  }
0x57: {  	_ =	shalt  }

// kernel: kernel.4.cloned.1.call-start
scs
__scs_entry_jumppad:
0x0: {  	(pc) =	sbr.rel $0x88, $3  }
0x1: {  	(tag) =	ssettag $0x0;
	lr =	simm.s32 $0x1  }
0x2: {  	[smem:$0x3F9D] =	sst lr;
	_ =	strace $0xD0000000  }
0x3: {  	_ = 	snop  }
0x4: {  	_ = 	snop  }
0x5: {  	_ = 	snop  }
0x6: {  	_ = 	snop  }
0x7: {  	_ = 	snop  }
__scs_overlays_trampoline_lowered:
0x8: {  	[smem:$0x3FAC] =	sst s0  }
0x9: {  	[smem:$0x3FAD] =	sst s1  }
0xa: {  	[smem:$0x3FAE] =	sst s2  }
0xb: {  	[smem:$0x3FAF] =	sst s3  }
0xc: {  	[smem:$0x3FB0] =	sst s4  }
0xd: {  	[smem:$0x3FB1] =	sst s5  }
0xe: {  	[smem:$0x3FB2] =	sst s6  }
0xf: {  	[smem:$0x3FB3] =	sst s7  }
0x10: {  	[smem:$0x3FB4] =	sst s8  }
0x11: {  	[smem:$0x3FB5] =	sst s9;
	s0 =	simm.s32 @!p0 $0x0  }
0x12: {  	s1 =	sld [smem:$0x3F9B];
	s0 =	simm.s32 @p0 $0x1  }
0x13: {  	[smem:$0x3FB6] =	sst s0;
	s0 =	simm.s32 @!p1 $0x0  }
0x14: {  	s2 =	sld [smem:$0x3F9A];
	s0 =	simm.s32 @p1 $0x1  }
0x15: {  	[smem:$0x3FB7] =	sst s0;
	s0 =	simm.s32 @!p2 $0x0  }
0x16: {  	s3 =	sld [smem:$0x3FDB];
	s0 =	simm.s32 @p2 $0x1  }
0x17: {  	s4 =	simm.s32 $0x1BF5;
	[smem:$0x3FB9] =	sst s0  }
0x18: {  	s0 =	sld [smem:$0x3F9C];
	_ =	swait.ge [sflag:s4], $0x0  }
0x19: {  	s7 =	sld [smem:$0x3F9D]  }
0x1a: {  	s8 =	sadd.s32 $0xFFFFE003, lr  }
0x1b: {  	s9 =	sadd.s32 $0xFFFFFEF7, lr;
	s5 =	simm.s32 $0xFFFFFFFF;
	p2 =	slt.u32 s8, $0xFFFFF086  }
0x1c: {  	p1 =	slt.u32 s9, $0xF7A;
	s5 =	simm.s32 @!p2 $0x0  }
0x1d: {  	s5 =	simm.s32 @p1 $0x1;
	p0 =	seq.s32 s7, s2  }
0x1e: {  	s7 =	smul.u32 @!p0 $0xF7A, s2;
	p2 =	seq.s32 @!p0 s5, $0x0  }
0x1f: {  	s9 =	smul.u32 $0xF7A, s1;
	s8 =	simm.s32 @!p0 $0x1BF5;
	p2 =	por !p2, p0  }
0x20: {  	[sflag:s8] =	ssyncset.s32 @!p0 $0xFFFFF086;
	s6 =	sadd.s32 @!p0 s3, s7;
	s7 =	simm.s32 @!p0 $0x108  }
0x21: {  	s3 =	sadd.s32 s3, s9;
	s6 =	sadd.s32 @!p0 $0x88, s6;
	s7 =	simm.s32 @p2 $0x1082  }
0x22: {  	[simem:s7], [sflag:s8] =	dma.local @!p0 [hbm:s6], $0xF7A  }
0x23: {  	s9 =	sor.u32 $0xD0000000, s2;
	s6 =	simm.s32 $0x108;
	_ =	swait.ge @!p0 [sflag:s8], $0x0  }
0x24: {  	s3 =	sadd.s32 $0x88, s3;
	s6 =	simm.s32 @!p1 $0x1082;
	[sflag:s4] =	ssyncset.s32 $0xFFFFF086  }
0x25: {  	[simem:s6], [sflag:s4] =	dma.local [hbm:s3], $0xF7A  }
0x26: {  	[smem:$0x3F9D] =	sst s1;
	(tag) =	ssettag s2;
	_ =	strace s9  }
0x27: {  	s1 =	sld [smem:$0x3FAD]  }
0x28: {  	s2 =	sld [smem:$0x3FAE]  }
0x29: {  	s4 =	sld [smem:$0x3FB0]  }
0x2a: {  	p0 =	seq.s32 s5, $0x0;
	s5 =	sld [smem:$0x3FB1]  }
0x2b: {  	s6 =	sld [smem:$0x3FB2]  }
0x2c: {  	s7 =	sld [smem:$0x3FB3]  }
0x2d: {  	s3 =	simm.s32 $0x108;
	s8 =	sld [smem:$0x3FB4]  }
0x2e: {  	s3 =	simm.s32 @!p0 $0x1082;
	s9 =	sld [smem:$0x3FB5]  }
0x2f: {  	lr =	sadd.s32 s0, s3;
	s0 =	sld [smem:$0x3FAC]  }
0x30: {  	s3 =	sld [smem:$0x3FAF]  }
0x31: {  	[smem:$0x3FB8] =	sst s10  }
0x32: {  	s10 =	sld [smem:$0x3FB6];
	_ =	sdelay $0x3  }
0x33: {  	p0 =	seq.s32 s10, $0x1;
	s10 =	sld [smem:$0x3FB8];
	_ =	sdelay $0x3  }
0x34: {  	[smem:$0x3FB8] =	sst s10  }
0x35: {  	s10 =	sld [smem:$0x3FB7];
	_ =	sdelay $0x3  }
0x36: {  	p1 =	seq.s32 s10, $0x1;
	s10 =	sld [smem:$0x3FB8];
	_ =	sdelay $0x3  }
0x37: {  	[smem:$0x3FB8] =	sst s10  }
0x38: {  	s10 =	sld [smem:$0x3FB9]  }
0x39: {  	_ = 	snop;
	(pc) =	sbr.ind lr, $3  }
0x3a: {  	_ = 	snop  }
0x3b: {  	_ = 	snop  }
0x3c: {  	p2 =	seq.s32 s10, $0x1;
	s10 =	sld [smem:$0x3FB8]  }
0x3d: {  	_ =	shalt  }
0x3e: {  	_ =	shalt  }
0x3f: {  	_ =	shalt  }
0x40: {  	_ =	shalt  }
0x41: {  	_ =	shalt  }
0x42: {  	_ =	shalt  }
0x43: {  	_ =	shalt  }
0x44: {  	_ =	shalt  }
0x45: {  	_ =	shalt  }
0x46: {  	_ =	shalt  }
0x47: {  	_ =	shalt  }
0x48: {  	_ =	shalt  }
0x49: {  	_ =	shalt  }
0x4a: {  	_ =	shalt  }
0x4b: {  	_ =	shalt  }
0x4c: {  	_ =	shalt  }
0x4d: {  	_ =	shalt  }
0x4e: {  	_ =	shalt  }
0x4f: {  	_ =	shalt  }
0x50: {  	_ =	shalt  }
0x51: {  	_ =	shalt  }
0x52: {  	_ =	shalt  }
0x53: {  	_ =	shalt  }
0x54: {  	_ =	shalt  }
0x55: {  	_ =	shalt  }
0x56: {  	_ =	shalt  }
0x57: {  	_ =	shalt  }
0x58: {  	_ =	shalt  }
0x59: {  	_ =	shalt  }
0x5a: {  	_ =	shalt  }
0x5b: {  	_ =	shalt  }
0x5c: {  	_ =	shalt  }
0x5d: {  	_ =	shalt  }
0x5e: {  	_ =	shalt  }
0x5f: {  	_ =	shalt  }
0x60: {  	_ =	shalt  }
0x61: {  	_ =	shalt  }
0x62: {  	_ =	shalt  }
0x63: {  	_ =	shalt  }
0x64: {  	_ =	shalt  }
0x65: {  	_ =	shalt  }
0x66: {  	_ =	shalt  }
0x67: {  	_ =	shalt  }
0x68: {  	_ =	shalt  }
0x69: {  	_ =	shalt  }
0x6a: {  	_ =	shalt  }
0x6b: {  	_ =	shalt  }
0x6c: {  	_ =	shalt  }
0x6d: {  	_ =	shalt  }
0x6e: {  	_ =	shalt  }
0x6f: {  	_ =	shalt  }
0x70: {  	_ =	shalt  }
0x71: {  	_ =	shalt  }
0x72: {  	_ =	shalt  }
0x73: {  	_ =	shalt  }
0x74: {  	_ =	shalt  }
0x75: {  	_ =	shalt  }
0x76: {  	_ =	shalt  }
0x77: {  	_ =	shalt  }
0x78: {  	_ =	shalt  }
0x79: {  	_ =	shalt  }
0x7a: {  	_ =	shalt  }
0x7b: {  	_ =	shalt  }
0x7c: {  	_ =	shalt  }
0x7d: {  	_ =	shalt  }
0x7e: {  	_ =	shalt  }
0x7f: {  	_ =	shalt  }
0x80: {  	_ =	shalt  }
0x81: {  	_ =	shalt  }
0x82: {  	_ =	shalt  }
0x83: {  	_ =	shalt  }
0x84: {  	_ =	shalt  }
0x85: {  	_ =	shalt  }
0x86: {  	_ =	shalt  }
0x87: {  	_ =	shalt  }
.Lfunc_end0:
.L_simem_size_0:
called_computation.4_lowered:
.L_overlay_start_0:
0x88: {  	s2 =	sld [smem:$0x3FD9]  }
0x89: {  	s3 =	sld [smem:$0x3FFE];
	_ =	sdelay $0x1  }
0x8a: {  	s1 =	srdreg.scid  }
0x8b: {  	s0 =	sand.u32 $0x1, s1  }
0x8c: {  	s14 =	sshll.u32 s0, $0xA;
	s2 =	sadd.s32 s3, s2  }
0x8d: {  	s2 =	sadd.s32 s2, s14  }
0x8e: {  	[smem:$0x3FC4] =	sst s2  }
0x8f: {  	_ = 	snop  }
0x90: {  	s2 =	sld [smem:$0x3FD0];
	_ =	sdelay $0x2  }
0x91: {  	s15 =	simm.s32 $0xB;
	s4 =	simm.s32 $0x10  }
0x92: {  	[smem:s4], [sflag:s15] =	dma.local [hbm:s2], $0x1  }
0x93: {  	_ =	swait.eq [sflag:s15], $0x1  }
0x94: {  	[sflag:s15] =	ssyncset.done $0x0  }
0x95: {  	[sflag:s15] =	ssyncadd.s32 $0xFFFFFFFF  }
0x96: {  	s16 =	sld [smem:$0x10];
	(tm) =	ssettm $0x1  }
0x97: {  	s17 =	sld [smem:$0x3FFB];
	_ =	sdelay $0x3  }
0x98: {  	_ =	strace s17  }
0x99: {  	s3 =	sld [smem:$0x3FFC];
	_ =	sdelay $0x3  }
0x9a: {  	_ =	strace s3  }
0x9b: {  	s3 =	sld [smem:$0x3FFD];
	_ =	sdelay $0x3  }
0x9c: {  	_ =	strace s3  }
0x9d: {  	_ =	strace $0x8FFFFFFF  }
0x9e: {  	s18 =	sld [smem:$0x3FDB];
	_ =	sdelay $0x1  }
0x9f: {  	s19 =	simm.s32 $_scs_section_size  }
0xa0: {  	s5 =	simm.s32 $_size__tile_overlayer_lowered;
	s6 =	simm.s32 $_tile_overlayer_lowered  }
0xa1: {  	s22 =	simm.s32 $0x1BFF;
	s21 =	sshll.u32 s6, $0x1;
	s3 =	sadd.s32 s19, s18  }
0xa2: {  	s7 =	simm.s32 $0x0;
	s20 =	sshll.u32 s5, $0x1;
	s5 =	sadd.s32 s21, s3  }
0xa3: {  	[timem:s7], [sflag:s22] =	dma.local [hbm:s5], s20  }
0xa4: {  	_ =	swait.ge [sflag:s22], s20  }
0xa5: {  	s4 =	ssub.s32 $0x0, s20;
	[sflag:s22] =	ssyncset.done $0x0  }
0xa6: {  	[sflag:s22] =	ssyncadd.s32 s4;
	_ =	sdelay $0x1  }
0xa7: {  	s23 =	simm.s32 $0x1B8B  }
0xa8: {  	_ =	swait.ge [sflag:s23], $0x1  }
0xa9: {  	[sflag:s23] =	ssyncset.done $0x0  }
0xaa: {  	s25 =	simm.s32 $0x1B8E;
	s24 =	sld [smem:$0x3FFE];
	[sflag:s23] =	ssyncadd.s32 $0xFFFFFFFF  }
0xab: {  	s26 =	simm.s32 $execute0_lowered;
	[smem:$0x3FD2] =	sst s25  }
0xac: {  	s5 =	sshll.u32 s26, $0x1;
	_ =	strace $0x80000046;
	[dreg:$0x1] =	wrdreg $0xFFFFFFFF  }
0xad: {  	s28 =	simm.s32 $_size_execute0_lowered;
	s3 =	sadd.s32 s3, s5;
	[dreg:$0x0] =	wrdreg $0x0  }
0xae: {  	s5 =	sshll.u32 s28, $0x1;
	[dreg:$0x2] =	wrdreg s3  }
0xaf: {  	[dreg:$0x3] =	wrdreg s5  }
0xb0: {  	[dreg:$0x4] =	wrdreg $0xC0  }
0xb1: {  	_ =	task [dreg:s7], $0x5FFFF  }
0xb2: {  	[dreg:$0x1] =	wrdreg $0xFFFFFFFF  }
0xb3: {  	[dreg:$0x0] =	wrdreg $0x60  }
0xb4: {  	[dreg:$0x2] =	wrdreg s16  }
0xb5: {  	[dreg:$0x3] =	wrdreg s24  }
0xb6: {  	[dreg:$0x4] =	wrdreg $0x9  }
0xb7: {  	_ =	task.clear_ibuf [dreg:s7], $0x5FFFF;
	_ =	strace $0x90000046  }
0xb8: {  	s29 =	simm.s32 $0x9;
	_ =	strace $0x80000048  }
0xb9: {  	_ =	swait.ge [sflag:s29], $0x1  }
0xba: {  	[sflag:s29] =	ssyncadd.s32 $0xFFFFFFFF  }
0xbb: {  	_ =	strace $0x90000048  }
0xbc: {  	_ =	sfence  }
0xbd: {  	s30 =	sld [smem:$0x0];
	_ =	sdelay $0x2  }
0xbe: {  	s31 =	sshll.u32 s1, $0xD;
	s1 =	sshrl.u32 s1, $0x2  }
0xbf: {  	s3 =	sand.u32 $0x4000, s31;
	s1 =	sadd.s32 s1, s30  }
0xc0: {  	s0 =	sor.u32 s3, s0;
	s1 =	sshll.u32 s1, $0x11  }
0xc1: {  	s0 =	sor.u32 s1, s0  }
0xc2: {  	s0 =	sadd.s32 $0x8F2B, s0  }
0xc3: {  	[sflag:s0] =	ssyncadd.remote.s32 $0x1  }
0xc4: {  	_ =	sfence.sel $0xFFFF  }
0xc5: {  	[dreg:$0x0] =	wrdreg $0xFFFFFFFF;
	(pc) =	sbr.abs _section_cstart, $3  }
0xc6: {  	[dreg:$0x1] =	wrdreg $0xFFFFFFFF  }
0xc7: {  	_ =	task.clear_ibuf [dreg:s7], $0x2FFFF;
	_ =	strace $0x9FFFFFFF  }
0xc8: {  	(tm) =	ssettm $0x7FFFFFFF  }
0xc9: {  	_ =	shalt  }
tec
execute0_lowered:
.L_overlay_start_1:
0x0: {  	(tag) =	ssettag $0x1  }
0x1: {  	s1 =	srdreg.scid;
	s2 =	rddreg [dreg:$0x0]  }
0x2: {  	s0 =	stileid.u32;
	s5 =	rddreg [dreg:$0x1]  }
0x3: {  	s3 =	simm.s32 $0x0;
	s4 =	sand.u32 $0x1, s1;
	s31 =	sshll.u32 s0, $0x1  }
0x4: {  	s9 =	simm.s32 $0x2;
	s10 =	simm.s32 $0xD780;
	s6 =	sor.u32 s4, s31  }
0x5: {  	s11 =	simm.s32 $0x0;
	s4 =	ssub.s32 $0x2, s4;
	s7 =	smul.u32 $0x28, s6  }
0x6: {  	[smem:$0x7FF] =	sst s3;
	s6 =	smul.u32 $0x280, s6;
	s8 =	sshrl.u32 s4, $0x1  }
0x7: {  	s1 =	rddreg [dreg:$0x2];
	_ =	strace $0x80000047;
	s8 =	ssub.s32 s4, s8  }
0x8: {  	s7 =	sadd.s32 s7, s5;
	s4 =	sadd.s32 s5, s6;
	s6 =	smax.u32 s8, $0x1  }
0x9: {  	s8 =	simm.s32 $0xC380;
	s5 =	sadd.s32 $0x5000, s7;
	s7 =	simm.s32 $0x1  }
.LBB2_1:
0xa: {  	[tilespmem:s3], [sflag:$0x1] =	stream.linear.gather [hbm4b:s2+s3], $0xC380, $0x38;
	[tilespmem:$0xD900] =	vst v63  }
0xb: {  	_ =	swait.ge [sflag:s7], $0xC380  }
0xc: {  	[sflag:s7] =	ssyncset.done $0x0  }
0xd: {  	[sflag:s7] =	ssyncadd.s32 $0xFFFF3C80  }
0xe: {  	[tilespmem:s8], [sflag:$0x2] =	stream.linear.gather [hbm4b:s4+s3], $0x1400, $0x38;
	[tilespmem:$0xD900] =	vst v63  }
0xf: {  	_ =	swait.ge [sflag:s9], $0x1400  }
0x10: {  	[sflag:s9] =	ssyncset.done $0x0  }
0x11: {  	s12 =	simm.s32 $0xCEC0;
	[sflag:s9] =	ssyncadd.s32 $0xFFFFEC00  }
0x12: {  	v0 =	vld [tilespmem:s12+$0xFFFFF4C0]  }
0x13: {  	v1 =	vld [tilespmem:s12+$0xFFFFF600]  }
0x14: {  	s13 =	sand.u32 $0x1F0, s3  }
0x15: {  	v2 =	vld [tilespmem:s13+$0xC600];
	_ =	sdelay $0x1  }
0x16: {  	v3 =	vld [tilespmem:s12+$0xFFFFF880]  }
0x17: {  	v4 =	vld [tilespmem:s12+$0xFFFFFB00]  }
0x18: {  	v5 =	vld [tilespmem:s13+$0xC880]  }
0x19: {  	v0 =	vld.idx.msk [tilespmem:v0+s3+$0x0], $0xffff  }
0x1a: {  	v1 =	vld.idx.msk [tilespmem:v1+s3+$0x0], $0xffff  }
0x1b: {  	v6 =	vld [tilespmem:s13+$0xCB00]  }
0x1c: {  	v2 =	vld.idx.msk [tilespmem:v2+s3+$0x0], $0xffff  }
0x1d: {  	v7 =	vld [tilespmem:s12+$0xFFFFFD80]  }
0x1e: {  	v3 =	vld.idx.msk [tilespmem:v3+s3+$0x0], $0xffff  }
0x1f: {  	v8 =	vld [tilespmem:s13+$0xCD80];
	v0 =	vadd.f32 v1, v0  }
0x20: {  	v1 =	vld.idx.msk [tilespmem:v5+s3+$0x0], $0xffff  }
0x21: {  	v57 =	vld [tilespmem:s12+$0x0];
	v0 =	vadd.f32 v2, v0  }
0x22: {  	v2 =	vld.idx.msk [tilespmem:v4+s3+$0x0], $0xffff  }
0x23: {  	v58 =	vld [tilespmem:s13+$0xD000];
	v0 =	vadd.f32 v3, v0  }
0x24: {  	v3 =	vld.idx.msk [tilespmem:v6+s3+$0x0], $0xffff  }
0x25: {  	v59 =	vld [tilespmem:s12+$0x280];
	v0 =	vadd.f32 v1, v0  }
0x26: {  	v1 =	vld.idx.msk [tilespmem:v7+s3+$0x0], $0xffff  }
0x27: {  	v60 =	vld [tilespmem:s13+$0xD280];
	v0 =	vadd.f32 v2, v0  }
0x28: {  	v2 =	vld.idx.msk [tilespmem:v8+s3+$0x0], $0xffff  }
0x29: {  	v61 =	vld [tilespmem:s12+$0x500];
	v0 =	vadd.f32 v3, v0  }
0x2a: {  	v3 =	vld.idx.msk [tilespmem:v57+s3+$0x0], $0xffff  }
0x2b: {  	v62 =	vld [tilespmem:s13+$0xD500];
	v0 =	vadd.f32 v1, v0  }
0x2c: {  	v1 =	vld.idx.msk [tilespmem:v58+s3+$0x0], $0xffff  }
0x2d: {  	v63 =	vld [tilespmem:s12+$0x780];
	v0 =	vadd.f32 v2, v0  }
0x2e: {  	v2 =	vld.idx.msk [tilespmem:v59+s3+$0x0], $0xffff  }
0x2f: {  	v0 =	vadd.f32 v3, v0  }
0x30: {  	v3 =	vld.idx.msk [tilespmem:v60+s3+$0x0], $0xffff  }
0x31: {  	v0 =	vadd.f32 v1, v0  }
0x32: {  	v1 =	vld.idx.msk [tilespmem:v61+s3+$0x0], $0xffff  }
0x33: {  	v0 =	vadd.f32 v2, v0  }
0x34: {  	v2 =	vld.idx.msk [tilespmem:v62+s3+$0x0], $0xffff  }
0x35: {  	v0 =	vadd.f32 v3, v0  }
0x36: {  	v3 =	vld.idx.msk [tilespmem:v63+s3+$0x0], $0xffff  }
0x37: {  	v0 =	vadd.f32 v1, v0;
	_ =	sdelay $0x1  }
0x38: {  	v0 =	vadd.f32 v2, v0;
	_ =	sdelay $0x1  }
0x39: {  	v0 =	vadd.f32 v3, v0;
	_ =	sdelay $0x1  }
0x3a: {  	s13 =	simm.s32 $0xCED0;
	[tilespmem:s10+$0x0] =	vst v0  }
0x3b: {  	v0 =	vld [tilespmem:s13+$0xFFFFF4C0]  }
0x3c: {  	s14 =	simm.s32 $0x10;
	s15 =	simm.s32 $0x20;
	s12 =	simm.s32 $0xD780;
	v1 =	vld [tilespmem:s13+$0xFFFFF600]  }
.LBB2_2:
0x3d: {  	p0 =	sne.s32 s15, $0x130;
	s16 =	sand.u32 $0x1F0, s14;
	s14 =	smov.u32 s15  }
0x3e: {  	v2 =	vld [tilespmem:s16+$0xC600];
	_ =	sdelay $0x1  }
0x3f: {  	v3 =	vld [tilespmem:s13+$0xFFFFF880]  }
0x40: {  	v4 =	vld [tilespmem:s13+$0xFFFFFB00]  }
0x41: {  	v5 =	vld [tilespmem:s16+$0xC880]  }
0x42: {  	v0 =	vld.idx.msk [tilespmem:v0+s3+$0x0], $0xffff  }
0x43: {  	v1 =	vld.idx.msk [tilespmem:v1+s3+$0x0], $0xffff  }
0x44: {  	v6 =	vld [tilespmem:s16+$0xCB00]  }
0x45: {  	v2 =	vld.idx.msk [tilespmem:v2+s3+$0x0], $0xffff  }
0x46: {  	v7 =	vld [tilespmem:s13+$0xFFFFFD80]  }
0x47: {  	v3 =	vld.idx.msk [tilespmem:v3+s3+$0x0], $0xffff  }
0x48: {  	v8 =	vld [tilespmem:s16+$0xCD80]  }
0x49: {  	v0 =	vadd.f32 v1, v0;
	v1 =	vld.idx.msk [tilespmem:v5+s3+$0x0], $0xffff  }
0x4a: {  	v5 =	vld [tilespmem:s13+$0x0]  }
0x4b: {  	v0 =	vadd.f32 v2, v0;
	v2 =	vld.idx.msk [tilespmem:v4+s3+$0x0], $0xffff  }
0x4c: {  	v4 =	vld [tilespmem:s16+$0xD000]  }
0x4d: {  	v0 =	vadd.f32 v3, v0;
	v3 =	vld.idx.msk [tilespmem:v6+s3+$0x0], $0xffff  }
0x4e: {  	v6 =	vld [tilespmem:s13+$0x280]  }
0x4f: {  	v0 =	vadd.f32 v1, v0;
	v1 =	vld.idx.msk [tilespmem:v7+s3+$0x0], $0xffff  }
0x50: {  	v7 =	vld [tilespmem:s16+$0xD280]  }
0x51: {  	v0 =	vadd.f32 v2, v0;
	v2 =	vld.idx.msk [tilespmem:v8+s3+$0x0], $0xffff  }
0x52: {  	v8 =	vld [tilespmem:s13+$0x500]  }
0x53: {  	v0 =	vadd.f32 v3, v0;
	v3 =	vld.idx.msk [tilespmem:v5+s3+$0x0], $0xffff  }
0x54: {  	v5 =	vld [tilespmem:s16+$0xD500]  }
0x55: {  	v0 =	vadd.f32 v1, v0;
	v1 =	vld.idx.msk [tilespmem:v4+s3+$0x0], $0xffff  }
0x56: {  	v4 =	vld [tilespmem:s13+$0x780]  }
0x57: {  	v0 =	vadd.f32 v2, v0;
	v2 =	vld.idx.msk [tilespmem:v6+s3+$0x0], $0xffff;
	_ =	sdelay $0x1  }
0x58: {  	v0 =	vadd.f32 v3, v0;
	v3 =	vld.idx.msk [tilespmem:v7+s3+$0x0], $0xffff;
	_ =	sdelay $0x1  }
0x59: {  	v0 =	vadd.f32 v1, v0;
	v1 =	vld.idx.msk [tilespmem:v8+s3+$0x0], $0xffff;
	_ =	sdelay $0x1  }
0x5a: {  	v0 =	vadd.f32 v2, v0;
	v2 =	vld.idx.msk [tilespmem:v5+s3+$0x0], $0xffff;
	_ =	sdelay $0x1  }
0x5b: {  	v0 =	vadd.f32 v3, v0;
	v3 =	vld.idx.msk [tilespmem:v4+s3+$0x0], $0xffff;
	_ =	sdelay $0x1  }
0x5c: {  	v0 =	vadd.f32 v1, v0;
	_ =	sdelay $0x1  }
0x5d: {  	v0 =	vadd.f32 v2, v0;
	_ =	sdelay $0x1  }
.Ltmp0:
0x5e: {  	v0 =	vadd.f32 v3, v0;
	(pc) =	sbr.rel @p0 .LBB2_2-.Ltmp0, $4  }
0x5f: {  	s12 =	sadd.s32 $0x10, s12  }
0x60: {  	s13 =	sadd.s32 $0x10, s13;
	[tilespmem:s12+$0x0] =	vst v0  }
0x61: {  	v0 =	vld [tilespmem:s13+$0xFFFFF4C0]  }
0x62: {  	s15 =	sadd.s32 $0x10, s15;
	v1 =	vld [tilespmem:s13+$0xFFFFF600]  }
0x63: {  	_ = 	snop  }
0x64: {  	s14 =	sand.u32 $0x1F0, s14  }
0x65: {  	v2 =	vld [tilespmem:s14+$0xC600];
	_ =	sdelay $0x1  }
0x66: {  	v3 =	vld [tilespmem:s13+$0xFFFFF880]  }
0x67: {  	v4 =	vld [tilespmem:s13+$0xFFFFFB00]  }
0x68: {  	v5 =	vld [tilespmem:s14+$0xC880]  }
0x69: {  	v0 =	vld.idx.msk [tilespmem:v0+s3+$0x0], $0xffff  }
0x6a: {  	v1 =	vld.idx.msk [tilespmem:v1+s3+$0x0], $0xffff  }
0x6b: {  	v6 =	vld [tilespmem:s14+$0xCB00]  }
0x6c: {  	v2 =	vld.idx.msk [tilespmem:v2+s3+$0x0], $0xffff  }
0x6d: {  	v7 =	vld [tilespmem:s13+$0xFFFFFD80]  }
0x6e: {  	v3 =	vld.idx.msk [tilespmem:v3+s3+$0x0], $0xffff  }
0x6f: {  	v8 =	vld [tilespmem:s14+$0xCD80];
	v0 =	vadd.f32 v1, v0  }
0x70: {  	v45 =	vld.idx.msk [tilespmem:v5+s3+$0x0], $0xffff  }
0x71: {  	v46 =	vld [tilespmem:s13+$0x0];
	v0 =	vadd.f32 v2, v0  }
0x72: {  	v47 =	vld.idx.msk [tilespmem:v4+s3+$0x0], $0xffff  }
0x73: {  	v48 =	vld [tilespmem:s14+$0xD000];
	v0 =	vadd.f32 v3, v0  }
0x74: {  	v49 =	vld.idx.msk [tilespmem:v6+s3+$0x0], $0xffff  }
0x75: {  	v50 =	vld [tilespmem:s13+$0x280];
	v0 =	vadd.f32 v45, v0  }
0x76: {  	v51 =	vld.idx.msk [tilespmem:v7+s3+$0x0], $0xffff  }
0x77: {  	v52 =	vld [tilespmem:s14+$0xD280];
	v0 =	vadd.f32 v47, v0  }
0x78: {  	v53 =	vld.idx.msk [tilespmem:v8+s3+$0x0], $0xffff  }
0x79: {  	v54 =	vld [tilespmem:s13+$0x500];
	v0 =	vadd.f32 v49, v0  }
0x7a: {  	v55 =	vld.idx.msk [tilespmem:v46+s3+$0x0], $0xffff  }
0x7b: {  	v56 =	vld [tilespmem:s14+$0xD500];
	v0 =	vadd.f32 v51, v0  }
0x7c: {  	v57 =	vld.idx.msk [tilespmem:v48+s3+$0x0], $0xffff  }
0x7d: {  	v58 =	vld [tilespmem:s13+$0x780];
	v0 =	vadd.f32 v53, v0  }
0x7e: {  	v59 =	vld.idx.msk [tilespmem:v50+s3+$0x0], $0xffff  }
0x7f: {  	v0 =	vadd.f32 v55, v0  }
0x80: {  	v60 =	vld.idx.msk [tilespmem:v52+s3+$0x0], $0xffff  }
0x81: {  	v0 =	vadd.f32 v57, v0  }
0x82: {  	v61 =	vld.idx.msk [tilespmem:v54+s3+$0x0], $0xffff  }
0x83: {  	v0 =	vadd.f32 v59, v0  }
0x84: {  	v62 =	vld.idx.msk [tilespmem:v56+s3+$0x0], $0xffff  }
0x85: {  	v0 =	vadd.f32 v60, v0  }
0x86: {  	v63 =	vld.idx.msk [tilespmem:v58+s3+$0x0], $0xffff  }
0x87: {  	v0 =	vadd.f32 v61, v0;
	_ =	sdelay $0x1  }
0x88: {  	v0 =	vadd.f32 v62, v0;
	_ =	sdelay $0x1  }
0x89: {  	s11 =	sadd.s32 $0x1, s11;
	v0 =	vadd.f32 v63, v0  }
0x8a: {  	s12 =	sadd.s32 $0x10, s12;
	p0 =	sne.s32 s11, s6  }
.Ltmp1:
0x8b: {  	[tilespmem:s12+$0x0] =	vst v0;
	(pc) =	sbr.rel @p0 .LBB2_1-.Ltmp1, $4  }
0x8c: {  	[hbm4b:s5+s3] =	stream.linear.scatter [tilespmem:s10], [sflag:$0x2], $0x140, $0x38;
	[tilespmem:$0xD900] =	vst v63  }
0x8d: {  	_ =	swait.ge [sflag:s9], $0x140  }
0x8e: {  	[sflag:s9] =	ssyncset.done $0x0  }
0x8f: {  	[sflag:s9] =	ssyncadd.s32 $0xFFFFFEC0  }
0x90: {  	_ =	sfence.sel $0x180000  }
0x91: {  	[bflag:$0x0] =	sbarrier.arrive $0xFFFF  }
0x92: {  	p0 =	sne.s32 s0, $0x0;
	_ =	strace $0x90000047  }
0x93: {  	s0 =	sadd.s32 @!p0 $0x100000, s1;
	[bflag:$0x2] =	sbarrier.arrive $0xFFFF  }
0x94: {  	[sflag:s0] =	ssyncadd.tile.s32 @!p0 $0x1;
	_ =	shalt  }
.Lfunc_end2:
_tile_overlayer_lowered:
.L_overlay_start_2:
0x95: {  	(tag) =	ssettag $0x2  }
0x96: {  	s0 =	rddreg [dreg:$0x0];
	s2 =	stileid.u32  }
0x97: {  	s1 =	rddreg [dreg:$0x1];
	p0 =	sne.s32 s2, $0x0  }
0x98: {  	s3 =	rddreg [dreg:$0x2];
	[bflag:$0x3] =	sbarrier.arrive $0xFFFF;
	s2 =	simm.s32 @!p0 $0x1C02  }
0x99: {  	[timem:s3], [sflag:s2] =	dma.local @!p0 [hbm:s0], s1  }
0x9a: {  	s0 =	simm.s32 @!p0 $0x2  }
0x9b: {  	_ =	swait.ge @!p0 [sflag:s0], s1  }
0x9c: {  	s1 =	ssub.s32 @!p0 $0x0, s1;
	[sflag:s0] =	ssyncset.done @!p0 $0x0  }
0x9d: {  	[sflag:s0] =	ssyncadd.s32 @!p0 s1  }
0x9e: {  	[bflag:$0x3] =	sbarrier.arrive $0xFFFF  }
0x9f: {  	_ =	shalt  }

// kernel: kernel.7.cloned.1.call-start
scs
__scs_entry_jumppad:
0x0: {  	(pc) =	sbr.rel $0x88, $3  }
0x1: {  	(tag) =	ssettag $0x0;
	lr =	simm.s32 $0x1  }
0x2: {  	[smem:$0x3F9D] =	sst lr;
	_ =	strace $0xD0000000  }
0x3: {  	_ = 	snop  }
0x4: {  	_ = 	snop  }
0x5: {  	_ = 	snop  }
0x6: {  	_ = 	snop  }
0x7: {  	_ = 	snop  }
__scs_overlays_trampoline_lowered:
0x8: {  	[smem:$0x3FAC] =	sst s0  }
0x9: {  	[smem:$0x3FAD] =	sst s1  }
0xa: {  	[smem:$0x3FAE] =	sst s2  }
0xb: {  	[smem:$0x3FAF] =	sst s3  }
0xc: {  	[smem:$0x3FB0] =	sst s4  }
0xd: {  	[smem:$0x3FB1] =	sst s5  }
0xe: {  	[smem:$0x3FB2] =	sst s6  }
0xf: {  	[smem:$0x3FB3] =	sst s7  }
0x10: {  	[smem:$0x3FB4] =	sst s8  }
0x11: {  	[smem:$0x3FB5] =	sst s9;
	s0 =	simm.s32 @!p0 $0x0  }
0x12: {  	s1 =	sld [smem:$0x3F9B];
	s0 =	simm.s32 @p0 $0x1  }
0x13: {  	[smem:$0x3FB6] =	sst s0;
	s0 =	simm.s32 @!p1 $0x0  }
0x14: {  	s2 =	sld [smem:$0x3F9A];
	s0 =	simm.s32 @p1 $0x1  }
0x15: {  	[smem:$0x3FB7] =	sst s0;
	s0 =	simm.s32 @!p2 $0x0  }
0x16: {  	s3 =	sld [smem:$0x3FDB];
	s0 =	simm.s32 @p2 $0x1  }
0x17: {  	s4 =	simm.s32 $0x1BF5;
	[smem:$0x3FB9] =	sst s0  }
0x18: {  	s0 =	sld [smem:$0x3F9C];
	_ =	swait.ge [sflag:s4], $0x0  }
0x19: {  	s7 =	sld [smem:$0x3F9D]  }
0x1a: {  	s8 =	sadd.s32 $0xFFFFE003, lr  }
0x1b: {  	s9 =	sadd.s32 $0xFFFFFEF7, lr;
	s5 =	simm.s32 $0xFFFFFFFF;
	p2 =	slt.u32 s8, $0xFFFFF086  }
0x1c: {  	p1 =	slt.u32 s9, $0xF7A;
	s5 =	simm.s32 @!p2 $0x0  }
0x1d: {  	s5 =	simm.s32 @p1 $0x1;
	p0 =	seq.s32 s7, s2  }
0x1e: {  	s7 =	smul.u32 @!p0 $0xF7A, s2;
	p2 =	seq.s32 @!p0 s5, $0x0  }
0x1f: {  	s9 =	smul.u32 $0xF7A, s1;
	s8 =	simm.s32 @!p0 $0x1BF5;
	p2 =	por !p2, p0  }
0x20: {  	[sflag:s8] =	ssyncset.s32 @!p0 $0xFFFFF086;
	s6 =	sadd.s32 @!p0 s3, s7;
	s7 =	simm.s32 @!p0 $0x108  }
0x21: {  	s3 =	sadd.s32 s3, s9;
	s6 =	sadd.s32 @!p0 $0x88, s6;
	s7 =	simm.s32 @p2 $0x1082  }
0x22: {  	[simem:s7], [sflag:s8] =	dma.local @!p0 [hbm:s6], $0xF7A  }
0x23: {  	s9 =	sor.u32 $0xD0000000, s2;
	s6 =	simm.s32 $0x108;
	_ =	swait.ge @!p0 [sflag:s8], $0x0  }
0x24: {  	s3 =	sadd.s32 $0x88, s3;
	s6 =	simm.s32 @!p1 $0x1082;
	[sflag:s4] =	ssyncset.s32 $0xFFFFF086  }
0x25: {  	[simem:s6], [sflag:s4] =	dma.local [hbm:s3], $0xF7A  }
0x26: {  	[smem:$0x3F9D] =	sst s1;
	(tag) =	ssettag s2;
	_ =	strace s9  }
0x27: {  	s1 =	sld [smem:$0x3FAD]  }
0x28: {  	s2 =	sld [smem:$0x3FAE]  }
0x29: {  	s4 =	sld [smem:$0x3FB0]  }
0x2a: {  	p0 =	seq.s32 s5, $0x0;
	s5 =	sld [smem:$0x3FB1]  }
0x2b: {  	s6 =	sld [smem:$0x3FB2]  }
0x2c: {  	s7 =	sld [smem:$0x3FB3]  }
0x2d: {  	s3 =	simm.s32 $0x108;
	s8 =	sld [smem:$0x3FB4]  }
0x2e: {  	s3 =	simm.s32 @!p0 $0x1082;
	s9 =	sld [smem:$0x3FB5]  }
0x2f: {  	lr =	sadd.s32 s0, s3;
	s0 =	sld [smem:$0x3FAC]  }
0x30: {  	s3 =	sld [smem:$0x3FAF]  }
0x31: {  	[smem:$0x3FB8] =	sst s10  }
0x32: {  	s10 =	sld [smem:$0x3FB6];
	_ =	sdelay $0x3  }
0x33: {  	p0 =	seq.s32 s10, $0x1;
	s10 =	sld [smem:$0x3FB8];
	_ =	sdelay $0x3  }
0x34: {  	[smem:$0x3FB8] =	sst s10  }
0x35: {  	s10 =	sld [smem:$0x3FB7];
	_ =	sdelay $0x3  }
0x36: {  	p1 =	seq.s32 s10, $0x1;
	s10 =	sld [smem:$0x3FB8];
	_ =	sdelay $0x3  }
0x37: {  	[smem:$0x3FB8] =	sst s10  }
0x38: {  	s10 =	sld [smem:$0x3FB9]  }
0x39: {  	_ = 	snop;
	(pc) =	sbr.ind lr, $3  }
0x3a: {  	_ = 	snop  }
0x3b: {  	_ = 	snop  }
0x3c: {  	p2 =	seq.s32 s10, $0x1;
	s10 =	sld [smem:$0x3FB8]  }
0x3d: {  	_ =	shalt  }
0x3e: {  	_ =	shalt  }
0x3f: {  	_ =	shalt  }
0x40: {  	_ =	shalt  }
0x41: {  	_ =	shalt  }
0x42: {  	_ =	shalt  }
0x43: {  	_ =	shalt  }
0x44: {  	_ =	shalt  }
0x45: {  	_ =	shalt  }
0x46: {  	_ =	shalt  }
0x47: {  	_ =	shalt  }
0x48: {  	_ =	shalt  }
0x49: {  	_ =	shalt  }
0x4a: {  	_ =	shalt  }
0x4b: {  	_ =	shalt  }
0x4c: {  	_ =	shalt  }
0x4d: {  	_ =	shalt  }
0x4e: {  	_ =	shalt  }
0x4f: {  	_ =	shalt  }
0x50: {  	_ =	shalt  }
0x51: {  	_ =	shalt  }
0x52: {  	_ =	shalt  }
0x53: {  	_ =	shalt  }
0x54: {  	_ =	shalt  }
0x55: {  	_ =	shalt  }
0x56: {  	_ =	shalt  }
0x57: {  	_ =	shalt  }
0x58: {  	_ =	shalt  }
0x59: {  	_ =	shalt  }
0x5a: {  	_ =	shalt  }
0x5b: {  	_ =	shalt  }
0x5c: {  	_ =	shalt  }
0x5d: {  	_ =	shalt  }
0x5e: {  	_ =	shalt  }
0x5f: {  	_ =	shalt  }
0x60: {  	_ =	shalt  }
0x61: {  	_ =	shalt  }
0x62: {  	_ =	shalt  }
0x63: {  	_ =	shalt  }
0x64: {  	_ =	shalt  }
0x65: {  	_ =	shalt  }
0x66: {  	_ =	shalt  }
0x67: {  	_ =	shalt  }
0x68: {  	_ =	shalt  }
0x69: {  	_ =	shalt  }
0x6a: {  	_ =	shalt  }
0x6b: {  	_ =	shalt  }
0x6c: {  	_ =	shalt  }
0x6d: {  	_ =	shalt  }
0x6e: {  	_ =	shalt  }
0x6f: {  	_ =	shalt  }
0x70: {  	_ =	shalt  }
0x71: {  	_ =	shalt  }
0x72: {  	_ =	shalt  }
0x73: {  	_ =	shalt  }
0x74: {  	_ =	shalt  }
0x75: {  	_ =	shalt  }
0x76: {  	_ =	shalt  }
0x77: {  	_ =	shalt  }
0x78: {  	_ =	shalt  }
0x79: {  	_ =	shalt  }
0x7a: {  	_ =	shalt  }
0x7b: {  	_ =	shalt  }
0x7c: {  	_ =	shalt  }
0x7d: {  	_ =	shalt  }
0x7e: {  	_ =	shalt  }
0x7f: {  	_ =	shalt  }
0x80: {  	_ =	shalt  }
0x81: {  	_ =	shalt  }
0x82: {  	_ =	shalt  }
0x83: {  	_ =	shalt  }
0x84: {  	_ =	shalt  }
0x85: {  	_ =	shalt  }
0x86: {  	_ =	shalt  }
0x87: {  	_ =	shalt  }
.Lfunc_end0:
.L_simem_size_0:
called_computation.5_lowered:
.L_overlay_start_0:
0x88: {  	s2 =	sld [smem:$0x3FD9]  }
0x89: {  	s3 =	sld [smem:$0x3FFE];
	_ =	sdelay $0x1  }
0x8a: {  	s1 =	srdreg.scid  }
0x8b: {  	s0 =	sand.u32 $0x1, s1  }
0x8c: {  	s17 =	sshll.u32 s0, $0xA;
	s2 =	sadd.s32 s3, s2  }
0x8d: {  	s2 =	sadd.s32 s2, s17  }
0x8e: {  	[smem:$0x3FC4] =	sst s2  }
0x8f: {  	_ = 	snop  }
0x90: {  	s2 =	sld [smem:$0x3FC9];
	(tm) =	ssettm $0x1  }
0x91: {  	s18 =	sld [smem:$0x3FFB];
	_ =	sdelay $0x3  }
0x92: {  	_ =	strace s18  }
0x93: {  	s3 =	sld [smem:$0x3FFC];
	_ =	sdelay $0x3  }
0x94: {  	_ =	strace s3  }
0x95: {  	s3 =	sld [smem:$0x3FFD];
	_ =	sdelay $0x3  }
0x96: {  	_ =	strace s3  }
0x97: {  	_ =	strace $0x8FFFFFFF  }
0x98: {  	s19 =	sld [smem:$0x3FDB];
	_ =	sdelay $0x1  }
0x99: {  	s4 =	simm.s32 $_scs_section_size  }
0x9a: {  	s5 =	simm.s32 $_size__tile_overlayer_lowered;
	s6 =	simm.s32 $_tile_overlayer_lowered  }
0x9b: {  	s22 =	simm.s32 $0x1BFF;
	s21 =	sshll.u32 s6, $0x1;
	s3 =	sadd.s32 s4, s19  }
0x9c: {  	s7 =	simm.s32 $0x0;
	s20 =	sshll.u32 s5, $0x1;
	s5 =	sadd.s32 s21, s3  }
0x9d: {  	[timem:s7], [sflag:s22] =	dma.local [hbm:s5], s20  }
0x9e: {  	_ =	swait.ge [sflag:s22], s20  }
0x9f: {  	s4 =	ssub.s32 $0x0, s20;
	[sflag:s22] =	ssyncset.done $0x0  }
0xa0: {  	[sflag:s22] =	ssyncadd.s32 s4;
	_ =	sdelay $0x1  }
0xa1: {  	s23 =	simm.s32 $0x1B8B  }
0xa2: {  	_ =	swait.ge [sflag:s23], $0x1  }
0xa3: {  	[sflag:s23] =	ssyncset.done $0x0  }
0xa4: {  	s25 =	simm.s32 $0x1B8E;
	s24 =	sld [smem:$0x3FFE];
	[sflag:s23] =	ssyncadd.s32 $0xFFFFFFFF  }
0xa5: {  	s26 =	simm.s32 $execute0_lowered;
	[smem:$0x3FD2] =	sst s25  }
0xa6: {  	s5 =	sshll.u32 s26, $0x1;
	_ =	strace $0x8000004C;
	[dreg:$0x1] =	wrdreg $0xFFFFFFFF  }
0xa7: {  	s28 =	simm.s32 $_size_execute0_lowered;
	s3 =	sadd.s32 s3, s5;
	[dreg:$0x0] =	wrdreg $0x0  }
0xa8: {  	s5 =	sshll.u32 s28, $0x1;
	[dreg:$0x2] =	wrdreg s3  }
0xa9: {  	[dreg:$0x3] =	wrdreg s5  }
0xaa: {  	[dreg:$0x4] =	wrdreg $0xC0  }
0xab: {  	_ =	task [dreg:s7], $0x5FFFF  }
0xac: {  	[dreg:$0x1] =	wrdreg $0xFFFFFFFF  }
0xad: {  	[dreg:$0x0] =	wrdreg $0x60  }
0xae: {  	[dreg:$0x2] =	wrdreg s2  }
0xaf: {  	[dreg:$0x3] =	wrdreg s24  }
0xb0: {  	[dreg:$0x4] =	wrdreg $0x9  }
0xb1: {  	_ =	task.clear_ibuf [dreg:s7], $0x5FFFF;
	_ =	strace $0x9000004C  }
0xb2: {  	s29 =	simm.s32 $0x9;
	_ =	strace $0x8000004E  }
0xb3: {  	_ =	swait.ge [sflag:s29], $0x1  }
0xb4: {  	[sflag:s29] =	ssyncadd.s32 $0xFFFFFFFF  }
0xb5: {  	_ =	strace $0x9000004E  }
0xb6: {  	_ =	sfence  }
0xb7: {  	s30 =	sld [smem:$0x0];
	_ =	sdelay $0x2  }
0xb8: {  	s31 =	sshll.u32 s1, $0xD;
	s1 =	sshrl.u32 s1, $0x2  }
0xb9: {  	s3 =	sand.u32 $0x4000, s31;
	s1 =	sadd.s32 s1, s30  }
0xba: {  	s0 =	sor.u32 s3, s0;
	s1 =	sshll.u32 s1, $0x11  }
0xbb: {  	s0 =	sor.u32 s1, s0  }
0xbc: {  	s0 =	sadd.s32 $0x8F2B, s0  }
0xbd: {  	[sflag:s0] =	ssyncadd.remote.s32 $0x1  }
0xbe: {  	_ =	sfence.sel $0xFFFF  }
0xbf: {  	[dreg:$0x0] =	wrdreg $0xFFFFFFFF;
	(pc) =	sbr.abs _section_cstart, $3  }
0xc0: {  	[dreg:$0x1] =	wrdreg $0xFFFFFFFF  }
0xc1: {  	_ =	task.clear_ibuf [dreg:s7], $0x2FFFF;
	_ =	strace $0x9FFFFFFF  }
0xc2: {  	(tm) =	ssettm $0x7FFFFFFF  }
0xc3: {  	_ =	shalt  }
tec
execute0_lowered:
.L_overlay_start_1:
0x0: {  	(tag) =	ssettag $0x1  }
0x1: {  	s2 =	rddreg [dreg:$0x0];
	s0 =	srdreg.scid  }
0x2: {  	s9 =	stileid.u32;
	s3 =	rddreg [dreg:$0x1];
	s4 =	simm.s32 $0x0  }
0x3: {  	s19 =	simm.s32 $0x9;
	s30 =	simm.s32 $0x4200;
	s31 =	simm.s32 $0xC200  }
0x4: {  	s16 =	simm.s32 $0xF200;
	s18 =	simm.s32 $0xFA00;
	s28 =	simm.s32 $0x4  }
0x5: {  	s0 =	sand.u32 $0x1, s0;
	s1 =	sshll.u32 s9, $0x1;
	s20 =	smul.u32 $0x1600, s9  }
0x6: {  	[smem:$0x7FF] =	sst s4;
	s5 =	sadd.s32 $0x2C00, s3;
	s22 =	smul.u32 $0x160000, s9  }
0x7: {  	s9 =	simm.s32 $0xEA00;
	s6 =	ssub.s32 $0x2, s0;
	s24 =	smul.u32 $0xB0000, s0  }
0x8: {  	s1 =	sor.u32 s0, s1;
	s0 =	smul.u32 $0xB00, s0;
	s7 =	sshrl.u32 s6, $0x1  }
0x9: {  	_ =	strace $0x8000004D;
	s1 =	smul.u32 $0xB00, s1;
	s6 =	ssub.s32 s6, s7  }
0xa: {  	s0 =	sadd.s32 s0, s20;
	s20 =	simm.s32 $0x200;
	s7 =	simm.s32 $0xDA00  }
0xb: {  	s8 =	sshrl.u32 s1, $0x3;
	s11 =	sadd.s32 $0x140, s1;
	s12 =	sor.u32 $0x80, s1  }
0xc: {  	s25 =	sadd.s32 $0x180, s1;
	s14 =	sor.u32 $0xC0, s1;
	[dreg:$0x7] =	wrdreg s11  }
0xd: {  	s15 =	sadd.s32 $0x1C0, s1;
	s6 =	smax.u32 s6, $0x1;
	[dreg:$0x8] =	wrdreg s25  }
0xe: {  	s0 =	sadd.s32 $0x100, s0;
	s10 =	sadd.s32 s3, s8;
	[dreg:$0x9] =	wrdreg s6  }
0xf: {  	[dreg:$0xa] =	wrdreg s0;
	s6 =	simm.s32 $0x8200;
	s25 =	simm.s32 $0x3  }
0x10: {  	s11 =	simm.s32 $0x8;
	s8 =	sadd.s32 $0x8, s10;
	[dreg:$0x3] =	wrdreg s10  }
0x11: {  	s0 =	simm.s32 $0x0;
	s21 =	sadd.s32 $0x10, s10;
	[dreg:$0x4] =	wrdreg s8  }
.Ltmp0:
0x12: {  	s23 =	sadd.s32 $0x18, s10;
	[dreg:$0x5] =	wrdreg s21;
	(pc) =	sbr.rel .LBB2_1-.Ltmp0, $4  }
0x13: {  	s10 =	sor.u32 $0x40, s1;
	[dreg:$0x6] =	wrdreg s23;
	s8 =	sadd.s32 s24, s22  }
0x14: {  	v2 =	vlaneseq.u32;
	s21 =	simm.s32 $0x1;
	s22 =	simm.s32 $0x5;
	s26 =	sshrl.u32 s8, $0x3  }
0x15: {  	vm0 =	vmmov $0xffff;
	v1 =	vshrl.u32 v2, $0x3;
	s23 =	simm.s32 $0x2;
	s24 =	simm.s32 $0x6;
	s29 =	sadd.s32 s26, s5  }
0x16: {  	v0 =	vand.u32 $0x7, v2;
	v2 =	vor.u32 $0x8, v2;
	v1 =	vmul.u32 $0x8, v1;
	s8 =	simm.s32 $0xE200;
	s26 =	simm.s32 $0x7;
	[dreg:$0xb] =	wrdreg s29  }
.LBB2_13:
0x17: {  	_ =	swait.ge [sflag:s11], $0x4000  }
0x18: {  	s0 =	rddreg [dreg:$0xc]  }
0x19: {  	s1 =	rddreg [dreg:$0x9];
	s0 =	sadd.s32 $0x1, s0  }
0x1a: {  	p0 =	sne.s32 s0, s1  }
.Ltmp1:
0x1b: {  	_ = 	snop;
	(pc) =	sbr.rel @!p0 .LBB2_14-.Ltmp1, $3  }
0x1c: {  	_ =	sdelay $0x1  }
0x1d: {  	[sflag:s11] =	ssyncset.done $0x0  }
0x1e: {  	[sflag:s11] =	ssyncadd.s32 $0xFFFFC000  }
.LBB2_1:
0x1f: {  	[dreg:$0xc] =	wrdreg s0  }
0x20: {  	s1 =	rddreg [dreg:$0x3]  }
0x21: {  	[tilespmem:s4], [sflag:$0x9] =	stream.linear.gather [hbm4b:s1+s4], $0x40, $0x38;
	[tilespmem:$0x10200] =	vst v63  }
0x22: {  	_ =	swait.ge [sflag:s19], $0x40  }
0x23: {  	[sflag:s19] =	ssyncset.done $0x0  }
0x24: {  	[sflag:s19] =	ssyncadd.s32 $0xFFFFFFC0  }
0x25: {  	v3 =	vld [tilespmem:$0x0];
	_ =	sdelay $0x4  }
0x26: {  	v4 =	vshll.u32 v3, $0x1  }
0x27: {  	v3 =	vand.u32 $0x7, v3;
	v4 =	vand.u32 $0xFFFFFFF0, v4  }
0x28: {  	v3 =	vor.u32 v3, v4  }
0x29: {  	v4 =	vperm.xlane v3, v0;
	_ =	sdelay $0x1  }
0x2a: {  	v3 =	vperm.xlane v3, v2;
	v4 =	vadd.s32 v1, v4;
	_ =	sdelay $0x1  }
0x2b: {  	v3 =	vadd.s32 v1, v3;
	_ =	sdelay $0x2  }
0x2c: {  	[tilespmem:s20], [sflag:$0x1] =	stream.indirect_vreg.gather [hbm4b:s2+s4], $0x80, v4, vm0, $0xb8;
	[tilespmem:$0x10200] =	vst v63  }
0x2d: {  	s0 =	simm.s32 $0xA00  }
0x2e: {  	[tilespmem:s0], [sflag:$0x1] =	stream.indirect_vreg.gather [hbm4b:s2+s4], $0x80, v3, vm0, $0xb8;
	[tilespmem:$0x10200] =	vst v63  }
0x2f: {  	v3 =	vld [tilespmem:$0x10];
	_ =	sdelay $0x4  }
0x30: {  	v49 =	vshll.u32 v3, $0x1  }
0x31: {  	v3 =	vand.u32 $0x7, v3;
	v4 =	vand.u32 $0xFFFFFFF0, v49  }
0x32: {  	v3 =	vor.u32 v3, v4  }
0x33: {  	v4 =	vperm.xlane v3, v0;
	_ =	sdelay $0x1  }
0x34: {  	v3 =	vperm.xlane v3, v2;
	v4 =	vadd.s32 v1, v4;
	_ =	sdelay $0x1  }
0x35: {  	v3 =	vadd.s32 v1, v3;
	_ =	sdelay $0x1  }
0x36: {  	s13 =	simm.s32 $0x1200  }
0x37: {  	[tilespmem:s13], [sflag:$0x1] =	stream.indirect_vreg.gather [hbm4b:s2+s4], $0x80, v4, vm0, $0xb8;
	[tilespmem:$0x10200] =	vst v63  }
0x38: {  	s17 =	simm.s32 $0x1A00  }
0x39: {  	[tilespmem:s17], [sflag:$0x1] =	stream.indirect_vreg.gather [hbm4b:s2+s4], $0x80, v3, vm0, $0xb8;
	[tilespmem:$0x10200] =	vst v63  }
0x3a: {  	v3 =	vld [tilespmem:$0x20];
	_ =	sdelay $0x4  }
0x3b: {  	v50 =	vshll.u32 v3, $0x1  }
0x3c: {  	v3 =	vand.u32 $0x7, v3;
	v4 =	vand.u32 $0xFFFFFFF0, v50  }
0x3d: {  	v3 =	vor.u32 v3, v4  }
0x3e: {  	v4 =	vperm.xlane v3, v0;
	_ =	sdelay $0x1  }
0x3f: {  	v3 =	vperm.xlane v3, v2;
	v4 =	vadd.s32 v1, v4;
	_ =	sdelay $0x1  }
0x40: {  	v3 =	vadd.s32 v1, v3;
	_ =	sdelay $0x1  }
0x41: {  	s0 =	simm.s32 $0x2200  }
0x42: {  	[tilespmem:s0], [sflag:$0x1] =	stream.indirect_vreg.gather [hbm4b:s2+s4], $0x80, v4, vm0, $0xb8;
	[tilespmem:$0x10200] =	vst v63  }
0x43: {  	s13 =	simm.s32 $0x2A00  }
0x44: {  	[tilespmem:s13], [sflag:$0x1] =	stream.indirect_vreg.gather [hbm4b:s2+s4], $0x80, v3, vm0, $0xb8;
	[tilespmem:$0x10200] =	vst v63  }
0x45: {  	v3 =	vld [tilespmem:$0x30];
	_ =	sdelay $0x4  }
0x46: {  	v51 =	vshll.u32 v3, $0x1  }
0x47: {  	v3 =	vand.u32 $0x7, v3;
	v4 =	vand.u32 $0xFFFFFFF0, v51  }
0x48: {  	v3 =	vor.u32 v3, v4  }
0x49: {  	v4 =	vperm.xlane v3, v0;
	_ =	sdelay $0x1  }
0x4a: {  	v3 =	vperm.xlane v3, v2;
	v4 =	vadd.s32 v1, v4;
	_ =	sdelay $0x1  }
0x4b: {  	v3 =	vadd.s32 v1, v3;
	_ =	sdelay $0x1  }
0x4c: {  	s17 =	simm.s32 $0x3200  }
0x4d: {  	[tilespmem:s17], [sflag:$0x1] =	stream.indirect_vreg.gather [hbm4b:s2+s4], $0x80, v4, vm0, $0xb8;
	[tilespmem:$0x10200] =	vst v63  }
0x4e: {  	s0 =	simm.s32 $0x3A00  }
0x4f: {  	[tilespmem:s0], [sflag:$0x1] =	stream.indirect_vreg.gather [hbm4b:s2+s4], $0x80, v3, vm0, $0xb8;
	[tilespmem:$0x10200] =	vst v63  }
0x50: {  	s13 =	rddreg [dreg:$0x4];
	s17 =	simm.s32 $0x80  }
0x51: {  	[tilespmem:s17], [sflag:$0x9] =	stream.linear.gather [hbm4b:s13+s4], $0x40, $0x38;
	[tilespmem:$0x10200] =	vst v63  }
0x52: {  	_ =	swait.ge [sflag:s19], $0x40  }
0x53: {  	[sflag:s19] =	ssyncset.done $0x0  }
0x54: {  	[sflag:s19] =	ssyncadd.s32 $0xFFFFFFC0  }
0x55: {  	v3 =	vld [tilespmem:$0x80];
	_ =	sdelay $0x4  }
0x56: {  	v52 =	vshll.u32 v3, $0x1  }
0x57: {  	v3 =	vand.u32 $0x7, v3;
	v4 =	vand.u32 $0xFFFFFFF0, v52  }
0x58: {  	v3 =	vor.u32 v3, v4  }
0x59: {  	v4 =	vperm.xlane v3, v0;
	_ =	sdelay $0x1  }
0x5a: {  	v3 =	vperm.xlane v3, v2;
	v4 =	vadd.s32 v1, v4;
	_ =	sdelay $0x1  }
0x5b: {  	v3 =	vadd.s32 v1, v3;
	_ =	sdelay $0x2  }
0x5c: {  	[tilespmem:s30], [sflag:$0x2] =	stream.indirect_vreg.gather [hbm4b:s2+s4], $0x80, v4, vm0, $0xb8;
	[tilespmem:$0x10200] =	vst v63  }
0x5d: {  	s1 =	simm.s32 $0x4A00  }
0x5e: {  	[tilespmem:s1], [sflag:$0x2] =	stream.indirect_vreg.gather [hbm4b:s2+s4], $0x80, v3, vm0, $0xb8;
	[tilespmem:$0x10200] =	vst v63  }
0x5f: {  	v3 =	vld [tilespmem:$0x90];
	_ =	sdelay $0x4  }
0x60: {  	v53 =	vshll.u32 v3, $0x1  }
0x61: {  	v3 =	vand.u32 $0x7, v3;
	v4 =	vand.u32 $0xFFFFFFF0, v53  }
0x62: {  	v3 =	vor.u32 v3, v4  }
0x63: {  	v4 =	vperm.xlane v3, v0;
	_ =	sdelay $0x1  }
0x64: {  	v3 =	vperm.xlane v3, v2;
	v4 =	vadd.s32 v1, v4;
	_ =	sdelay $0x1  }
0x65: {  	v3 =	vadd.s32 v1, v3;
	_ =	sdelay $0x1  }
0x66: {  	s13 =	simm.s32 $0x5200  }
0x67: {  	[tilespmem:s13], [sflag:$0x2] =	stream.indirect_vreg.gather [hbm4b:s2+s4], $0x80, v4, vm0, $0xb8;
	[tilespmem:$0x10200] =	vst v63  }
0x68: {  	s17 =	simm.s32 $0x5A00  }
0x69: {  	[tilespmem:s17], [sflag:$0x2] =	stream.indirect_vreg.gather [hbm4b:s2+s4], $0x80, v3, vm0, $0xb8;
	[tilespmem:$0x10200] =	vst v63  }
0x6a: {  	v3 =	vld [tilespmem:$0xA0];
	_ =	sdelay $0x4  }
0x6b: {  	v54 =	vshll.u32 v3, $0x1  }
0x6c: {  	v3 =	vand.u32 $0x7, v3;
	v4 =	vand.u32 $0xFFFFFFF0, v54  }
0x6d: {  	v3 =	vor.u32 v3, v4  }
0x6e: {  	v4 =	vperm.xlane v3, v0;
	_ =	sdelay $0x1  }
0x6f: {  	v3 =	vperm.xlane v3, v2;
	v4 =	vadd.s32 v1, v4;
	_ =	sdelay $0x1  }
0x70: {  	v3 =	vadd.s32 v1, v3;
	_ =	sdelay $0x1  }
0x71: {  	s1 =	simm.s32 $0x6200  }
0x72: {  	[tilespmem:s1], [sflag:$0x2] =	stream.indirect_vreg.gather [hbm4b:s2+s4], $0x80, v4, vm0, $0xb8;
	[tilespmem:$0x10200] =	vst v63  }
0x73: {  	s13 =	simm.s32 $0x6A00  }
0x74: {  	[tilespmem:s13], [sflag:$0x2] =	stream.indirect_vreg.gather [hbm4b:s2+s4], $0x80, v3, vm0, $0xb8;
	[tilespmem:$0x10200] =	vst v63  }
0x75: {  	v3 =	vld [tilespmem:$0xB0];
	_ =	sdelay $0x4  }
0x76: {  	v55 =	vshll.u32 v3, $0x1  }
0x77: {  	v3 =	vand.u32 $0x7, v3;
	v4 =	vand.u32 $0xFFFFFFF0, v55  }
0x78: {  	v3 =	vor.u32 v3, v4  }
0x79: {  	v4 =	vperm.xlane v3, v0;
	_ =	sdelay $0x1  }
0x7a: {  	v3 =	vperm.xlane v3, v2;
	v4 =	vadd.s32 v1, v4;
	_ =	sdelay $0x1  }
0x7b: {  	v3 =	vadd.s32 v1, v3;
	_ =	sdelay $0x1  }
0x7c: {  	s17 =	simm.s32 $0x7200  }
0x7d: {  	[tilespmem:s17], [sflag:$0x2] =	stream.indirect_vreg.gather [hbm4b:s2+s4], $0x80, v4, vm0, $0xb8;
	[tilespmem:$0x10200] =	vst v63  }
0x7e: {  	s1 =	simm.s32 $0x7A00  }
0x7f: {  	[tilespmem:s1], [sflag:$0x2] =	stream.indirect_vreg.gather [hbm4b:s2+s4], $0x80, v3, vm0, $0xb8;
	[tilespmem:$0x10200] =	vst v63  }
0x80: {  	s13 =	rddreg [dreg:$0x5];
	s17 =	simm.s32 $0x100  }
0x81: {  	[tilespmem:s17], [sflag:$0x9] =	stream.linear.gather [hbm4b:s13+s4], $0x40, $0x38;
	[tilespmem:$0x10200] =	vst v63  }
0x82: {  	_ =	swait.ge [sflag:s19], $0x40  }
0x83: {  	[sflag:s19] =	ssyncset.done $0x0  }
0x84: {  	[sflag:s19] =	ssyncadd.s32 $0xFFFFFFC0  }
0x85: {  	v3 =	vld [tilespmem:$0x100];
	_ =	sdelay $0x4  }
0x86: {  	v56 =	vshll.u32 v3, $0x1  }
0x87: {  	v3 =	vand.u32 $0x7, v3;
	v4 =	vand.u32 $0xFFFFFFF0, v56  }
0x88: {  	v3 =	vor.u32 v3, v4  }
0x89: {  	v4 =	vperm.xlane v3, v0;
	_ =	sdelay $0x1  }
0x8a: {  	v3 =	vperm.xlane v3, v2;
	v4 =	vadd.s32 v1, v4;
	_ =	sdelay $0x1  }
0x8b: {  	v3 =	vadd.s32 v1, v3;
	_ =	sdelay $0x2  }
0x8c: {  	[tilespmem:s6], [sflag:$0x3] =	stream.indirect_vreg.gather [hbm4b:s2+s4], $0x80, v4, vm0, $0xb8;
	[tilespmem:$0x10200] =	vst v63  }
0x8d: {  	s1 =	simm.s32 $0x8A00  }
0x8e: {  	[tilespmem:s1], [sflag:$0x3] =	stream.indirect_vreg.gather [hbm4b:s2+s4], $0x80, v3, vm0, $0xb8;
	[tilespmem:$0x10200] =	vst v63  }
0x8f: {  	v3 =	vld [tilespmem:$0x110];
	_ =	sdelay $0x4  }
0x90: {  	v57 =	vshll.u32 v3, $0x1  }
0x91: {  	v3 =	vand.u32 $0x7, v3;
	v4 =	vand.u32 $0xFFFFFFF0, v57  }
0x92: {  	v3 =	vor.u32 v3, v4  }
0x93: {  	v4 =	vperm.xlane v3, v0;
	_ =	sdelay $0x1  }
0x94: {  	v3 =	vperm.xlane v3, v2;
	v4 =	vadd.s32 v1, v4;
	_ =	sdelay $0x1  }
0x95: {  	v3 =	vadd.s32 v1, v3;
	_ =	sdelay $0x1  }
0x96: {  	s13 =	simm.s32 $0x9200  }
0x97: {  	[tilespmem:s13], [sflag:$0x3] =	stream.indirect_vreg.gather [hbm4b:s2+s4], $0x80, v4, vm0, $0xb8;
	[tilespmem:$0x10200] =	vst v63  }
0x98: {  	s17 =	simm.s32 $0x9A00  }
0x99: {  	[tilespmem:s17], [sflag:$0x3] =	stream.indirect_vreg.gather [hbm4b:s2+s4], $0x80, v3, vm0, $0xb8;
	[tilespmem:$0x10200] =	vst v63  }
0x9a: {  	v3 =	vld [tilespmem:$0x120];
	_ =	sdelay $0x4  }
0x9b: {  	v58 =	vshll.u32 v3, $0x1  }
0x9c: {  	v3 =	vand.u32 $0x7, v3;
	v4 =	vand.u32 $0xFFFFFFF0, v58  }
0x9d: {  	v3 =	vor.u32 v3, v4  }
0x9e: {  	v4 =	vperm.xlane v3, v0;
	_ =	sdelay $0x1  }
0x9f: {  	v3 =	vperm.xlane v3, v2;
	v4 =	vadd.s32 v1, v4;
	_ =	sdelay $0x1  }
0xa0: {  	v3 =	vadd.s32 v1, v3;
	_ =	sdelay $0x1  }
0xa1: {  	s1 =	simm.s32 $0xA200  }
0xa2: {  	[tilespmem:s1], [sflag:$0x3] =	stream.indirect_vreg.gather [hbm4b:s2+s4], $0x80, v4, vm0, $0xb8;
	[tilespmem:$0x10200] =	vst v63  }
0xa3: {  	s13 =	simm.s32 $0xAA00  }
0xa4: {  	[tilespmem:s13], [sflag:$0x3] =	stream.indirect_vreg.gather [hbm4b:s2+s4], $0x80, v3, vm0, $0xb8;
	[tilespmem:$0x10200] =	vst v63  }
0xa5: {  	v3 =	vld [tilespmem:$0x130];
	_ =	sdelay $0x4  }
0xa6: {  	v59 =	vshll.u32 v3, $0x1  }
0xa7: {  	v3 =	vand.u32 $0x7, v3;
	v4 =	vand.u32 $0xFFFFFFF0, v59  }
0xa8: {  	v3 =	vor.u32 v3, v4  }
0xa9: {  	v4 =	vperm.xlane v3, v0;
	_ =	sdelay $0x1  }
0xaa: {  	v3 =	vperm.xlane v3, v2;
	v4 =	vadd.s32 v1, v4;
	_ =	sdelay $0x1  }
0xab: {  	v3 =	vadd.s32 v1, v3;
	_ =	sdelay $0x1  }
0xac: {  	s17 =	simm.s32 $0xB200  }
0xad: {  	[tilespmem:s17], [sflag:$0x3] =	stream.indirect_vreg.gather [hbm4b:s2+s4], $0x80, v4, vm0, $0xb8;
	[tilespmem:$0x10200] =	vst v63  }
0xae: {  	s1 =	simm.s32 $0xBA00  }
0xaf: {  	[tilespmem:s1], [sflag:$0x3] =	stream.indirect_vreg.gather [hbm4b:s2+s4], $0x80, v3, vm0, $0xb8;
	[tilespmem:$0x10200] =	vst v63  }
0xb0: {  	s13 =	rddreg [dreg:$0x6];
	s17 =	simm.s32 $0x180  }
0xb1: {  	[tilespmem:s17], [sflag:$0x9] =	stream.linear.gather [hbm4b:s13+s4], $0x40, $0x38;
	[tilespmem:$0x10200] =	vst v63  }
0xb2: {  	_ =	swait.ge [sflag:s19], $0x40  }
0xb3: {  	[sflag:s19] =	ssyncset.done $0x0  }
0xb4: {  	[sflag:s19] =	ssyncadd.s32 $0xFFFFFFC0  }
0xb5: {  	v3 =	vld [tilespmem:$0x180];
	_ =	sdelay $0x4  }
0xb6: {  	v60 =	vshll.u32 v3, $0x1  }
0xb7: {  	v3 =	vand.u32 $0x7, v3;
	v4 =	vand.u32 $0xFFFFFFF0, v60  }
0xb8: {  	v3 =	vor.u32 v3, v4  }
0xb9: {  	v4 =	vperm.xlane v3, v0;
	_ =	sdelay $0x1  }
0xba: {  	v3 =	vperm.xlane v3, v2;
	v4 =	vadd.s32 v1, v4;
	_ =	sdelay $0x1  }
0xbb: {  	v3 =	vadd.s32 v1, v3;
	_ =	sdelay $0x2  }
0xbc: {  	[tilespmem:s31], [sflag:$0x4] =	stream.indirect_vreg.gather [hbm4b:s2+s4], $0x80, v4, vm0, $0xb8;
	[tilespmem:$0x10200] =	vst v63  }
0xbd: {  	s13 =	simm.s32 $0xCA00  }
0xbe: {  	[tilespmem:s13], [sflag:$0x4] =	stream.indirect_vreg.gather [hbm4b:s2+s4], $0x80, v3, vm0, $0xb8;
	[tilespmem:$0x10200] =	vst v63  }
0xbf: {  	v3 =	vld [tilespmem:$0x190];
	_ =	sdelay $0x4  }
0xc0: {  	v61 =	vshll.u32 v3, $0x1  }
0xc1: {  	v3 =	vand.u32 $0x7, v3;
	v4 =	vand.u32 $0xFFFFFFF0, v61  }
0xc2: {  	v3 =	vor.u32 v3, v4  }
0xc3: {  	v4 =	vperm.xlane v3, v0;
	_ =	sdelay $0x1  }
0xc4: {  	v3 =	vperm.xlane v3, v2;
	v4 =	vadd.s32 v1, v4;
	_ =	sdelay $0x1  }
0xc5: {  	v3 =	vadd.s32 v1, v3;
	_ =	sdelay $0x1  }
0xc6: {  	s17 =	simm.s32 $0xD200  }
0xc7: {  	[tilespmem:s17], [sflag:$0x4] =	stream.indirect_vreg.gather [hbm4b:s2+s4], $0x80, v4, vm0, $0xb8;
	[tilespmem:$0x10200] =	vst v63  }
0xc8: {  	_ = 	snop  }
0xc9: {  	[tilespmem:s7], [sflag:$0x4] =	stream.indirect_vreg.gather [hbm4b:s2+s4], $0x80, v3, vm0, $0xb8;
	[tilespmem:$0x10200] =	vst v63  }
0xca: {  	v3 =	vld [tilespmem:$0x1A0];
	_ =	sdelay $0x4  }
0xcb: {  	v62 =	vshll.u32 v3, $0x1  }
0xcc: {  	v3 =	vand.u32 $0x7, v3;
	v4 =	vand.u32 $0xFFFFFFF0, v62  }
0xcd: {  	v3 =	vor.u32 v3, v4  }
0xce: {  	v4 =	vperm.xlane v3, v0;
	_ =	sdelay $0x1  }
0xcf: {  	v3 =	vperm.xlane v3, v2;
	v4 =	vadd.s32 v1, v4;
	_ =	sdelay $0x1  }
0xd0: {  	v3 =	vadd.s32 v1, v3;
	_ =	sdelay $0x2  }
0xd1: {  	[tilespmem:s8], [sflag:$0x4] =	stream.indirect_vreg.gather [hbm4b:s2+s4], $0x80, v4, vm0, $0xb8;
	[tilespmem:$0x10200] =	vst v63  }
0xd2: {  	_ = 	snop  }
0xd3: {  	[tilespmem:s9], [sflag:$0x4] =	stream.indirect_vreg.gather [hbm4b:s2+s4], $0x80, v3, vm0, $0xb8;
	[tilespmem:$0x10200] =	vst v63  }
0xd4: {  	v3 =	vld [tilespmem:$0x1B0];
	_ =	sdelay $0x4  }
0xd5: {  	v63 =	vshll.u32 v3, $0x1  }
0xd6: {  	v3 =	vand.u32 $0x7, v3;
	v4 =	vand.u32 $0xFFFFFFF0, v63  }
0xd7: {  	v3 =	vor.u32 v3, v4  }
0xd8: {  	v4 =	vperm.xlane v3, v0;
	_ =	sdelay $0x1  }
0xd9: {  	v3 =	vperm.xlane v3, v2;
	v4 =	vadd.s32 v1, v4;
	_ =	sdelay $0x1  }
0xda: {  	v3 =	vadd.s32 v1, v3;
	_ =	sdelay $0x2  }
0xdb: {  	[tilespmem:s16], [sflag:$0x4] =	stream.indirect_vreg.gather [hbm4b:s2+s4], $0x80, v4, vm0, $0xb8;
	[tilespmem:$0x10200] =	vst v63  }
0xdc: {  	s29 =	simm.s32 $0x0;
	s13 =	rddreg [dreg:$0xb]  }
0xdd: {  	[tilespmem:s18], [sflag:$0x4] =	stream.indirect_vreg.gather [hbm4b:s2+s4], $0x80, v3, vm0, $0xb8;
	[tilespmem:$0x10200] =	vst v63  }
.LBB2_2:
0xde: {  	p0 =	seq.s32 s29, $0xA00  }
.Ltmp2:
0xdf: {  	_ = 	snop;
	(pc) =	sbr.rel @!p0 .LBB2_3-.Ltmp2, $4  }
0xe0: {  	_ =	swait.ge [sflag:s21], $0x4000  }
0xe1: {  	[sflag:s21] =	ssyncset.done $0x0  }
0xe2: {  	[sflag:s21] =	ssyncadd.s32 $0xFFFFC000  }
0xe3: {  	[hbm4b:s13+s4] =	stream.linear.scatter [tilespmem:s20], [sflag:$0x5], $0x4000, $0x38;
	[tilespmem:$0x10200] =	vst v63  }
.Ltmp3:
0xe4: {  	(pc) =	sbr.rel .LBB2_5-.Ltmp3, $4  }
0xe5: {  	_ = 	snop  }
0xe6: {  	_ =	swait.ge [sflag:s22], $0x4000  }
0xe7: {  	[sflag:s22] =	ssyncset.done $0x0  }
0xe8: {  	s17 =	simm.s32 $0xA00;
	[sflag:s22] =	ssyncadd.s32 $0xFFFFC000  }
.LBB2_3:
0xe9: {  	s1 =	rddreg [dreg:$0xa]  }
0xea: {  	s17 =	sadd.s32 s29, s1  }
0xeb: {  	s17 =	sshrl.u32 s17, $0x3  }
0xec: {  	s17 =	sadd.s32 s3, s17  }
0xed: {  	[tilespmem:s4], [sflag:$0x9] =	stream.linear.gather [hbm4b:s17+s4], $0x40, $0x38;
	[tilespmem:$0x10200] =	vst v63  }
0xee: {  	_ =	swait.ge [sflag:s19], $0x40  }
0xef: {  	[sflag:s19] =	ssyncset.done $0x0  }
0xf0: {  	[sflag:s19] =	ssyncadd.s32 $0xFFFFFFC0  }
0xf1: {  	_ =	swait.ge [sflag:s22], $0x4000  }
0xf2: {  	[sflag:s22] =	ssyncset.done $0x0  }
0xf3: {  	[sflag:s22] =	ssyncadd.s32 $0xFFFFC000  }
0xf4: {  	v3 =	vld [tilespmem:$0x0];
	_ =	sdelay $0x4  }
0xf5: {  	v4 =	vshll.u32 v3, $0x1  }
0xf6: {  	v3 =	vand.u32 $0x7, v3;
	v4 =	vand.u32 $0xFFFFFFF0, v4  }
0xf7: {  	v3 =	vor.u32 v3, v4  }
0xf8: {  	v4 =	vperm.xlane v3, v0;
	_ =	sdelay $0x1  }
0xf9: {  	v3 =	vperm.xlane v3, v2;
	v4 =	vadd.s32 v1, v4;
	_ =	sdelay $0x1  }
0xfa: {  	v3 =	vadd.s32 v1, v3;
	_ =	sdelay $0x2  }
0xfb: {  	[tilespmem:s20], [sflag:$0x1] =	stream.indirect_vreg.gather [hbm4b:s2+s4], $0x80, v4, vm0, $0xb8;
	[tilespmem:$0x10200] =	vst v63  }
0xfc: {  	s17 =	simm.s32 $0xA00  }
0xfd: {  	[tilespmem:s17], [sflag:$0x1] =	stream.indirect_vreg.gather [hbm4b:s2+s4], $0x80, v3, vm0, $0xb8;
	[tilespmem:$0x10200] =	vst v63  }
0xfe: {  	v3 =	vld [tilespmem:$0x10];
	_ =	sdelay $0x4  }
0xff: {  	v61 =	vshll.u32 v3, $0x1  }
0x100: {  	v3 =	vand.u32 $0x7, v3;
	v4 =	vand.u32 $0xFFFFFFF0, v61  }
0x101: {  	v3 =	vor.u32 v3, v4  }
0x102: {  	v4 =	vperm.xlane v3, v0;
	_ =	sdelay $0x1  }
0x103: {  	v3 =	vperm.xlane v3, v2;
	v4 =	vadd.s32 v1, v4;
	_ =	sdelay $0x1  }
0x104: {  	v3 =	vadd.s32 v1, v3;
	_ =	sdelay $0x1  }
0x105: {  	s0 =	simm.s32 $0x1200  }
0x106: {  	[tilespmem:s0], [sflag:$0x1] =	stream.indirect_vreg.gather [hbm4b:s2+s4], $0x80, v4, vm0, $0xb8;
	[tilespmem:$0x10200] =	vst v63  }
0x107: {  	s17 =	simm.s32 $0x1A00  }
0x108: {  	[tilespmem:s17], [sflag:$0x1] =	stream.indirect_vreg.gather [hbm4b:s2+s4], $0x80, v3, vm0, $0xb8;
	[tilespmem:$0x10200] =	vst v63  }
0x109: {  	v3 =	vld [tilespmem:$0x20];
	_ =	sdelay $0x4  }
0x10a: {  	v62 =	vshll.u32 v3, $0x1  }
0x10b: {  	v3 =	vand.u32 $0x7, v3;
	v4 =	vand.u32 $0xFFFFFFF0, v62  }
0x10c: {  	v3 =	vor.u32 v3, v4  }
0x10d: {  	v4 =	vperm.xlane v3, v0;
	_ =	sdelay $0x1  }
0x10e: {  	v3 =	vperm.xlane v3, v2;
	v4 =	vadd.s32 v1, v4;
	_ =	sdelay $0x1  }
0x10f: {  	v3 =	vadd.s32 v1, v3;
	_ =	sdelay $0x1  }
0x110: {  	s0 =	simm.s32 $0x2200  }
0x111: {  	[tilespmem:s0], [sflag:$0x1] =	stream.indirect_vreg.gather [hbm4b:s2+s4], $0x80, v4, vm0, $0xb8;
	[tilespmem:$0x10200] =	vst v63  }
0x112: {  	s17 =	simm.s32 $0x2A00  }
0x113: {  	[tilespmem:s17], [sflag:$0x1] =	stream.indirect_vreg.gather [hbm4b:s2+s4], $0x80, v3, vm0, $0xb8;
	[tilespmem:$0x10200] =	vst v63  }
0x114: {  	v3 =	vld [tilespmem:$0x30];
	_ =	sdelay $0x4  }
0x115: {  	v63 =	vshll.u32 v3, $0x1  }
0x116: {  	v3 =	vand.u32 $0x7, v3;
	v4 =	vand.u32 $0xFFFFFFF0, v63  }
0x117: {  	v3 =	vor.u32 v3, v4  }
0x118: {  	v4 =	vperm.xlane v3, v0;
	_ =	sdelay $0x1  }
0x119: {  	v3 =	vperm.xlane v3, v2;
	v4 =	vadd.s32 v1, v4;
	_ =	sdelay $0x1  }
0x11a: {  	v3 =	vadd.s32 v1, v3;
	_ =	sdelay $0x1  }
0x11b: {  	s0 =	simm.s32 $0x3200  }
0x11c: {  	[tilespmem:s0], [sflag:$0x1] =	stream.indirect_vreg.gather [hbm4b:s2+s4], $0x80, v4, vm0, $0xb8;
	[tilespmem:$0x10200] =	vst v63  }
0x11d: {  	s17 =	simm.s32 $0x3A00  }
0x11e: {  	[tilespmem:s17], [sflag:$0x1] =	stream.indirect_vreg.gather [hbm4b:s2+s4], $0x80, v3, vm0, $0xb8;
	[tilespmem:$0x10200] =	vst v63  }
0x11f: {  	s17 =	smov.u32 s29  }
.LBB2_5:
.Ltmp4:
0x120: {  	(pc) =	sbr.rel @!p0 .LBB2_6-.Ltmp4, $4  }
0x121: {  	_ =	swait.ge [sflag:s23], $0x4000;
	s1 =	sadd.s32 s17, s10  }
0x122: {  	[sflag:s23] =	ssyncset.done $0x0;
	s1 =	sshll.u32 s1, $0x5  }
0x123: {  	[sflag:s23] =	ssyncadd.s32 $0xFFFFC000;
	s1 =	sadd.s32 s5, s1  }
0x124: {  	[hbm4b:s1+s4] =	stream.linear.scatter [tilespmem:s30], [sflag:$0x6], $0x4000, $0x38;
	[tilespmem:$0x10200] =	vst v63  }
.Ltmp5:
0x125: {  	(pc) =	sbr.rel .LBB2_8-.Ltmp5, $4  }
0x126: {  	_ = 	snop  }
0x127: {  	_ =	swait.ge [sflag:s24], $0x4000  }
0x128: {  	[sflag:s24] =	ssyncset.done $0x0  }
0x129: {  	[sflag:s24] =	ssyncadd.s32 $0xFFFFC000  }
.LBB2_6:
0x12a: {  	s1 =	rddreg [dreg:$0x7]  }
0x12b: {  	s1 =	sadd.s32 s17, s1  }
0x12c: {  	s1 =	sshrl.u32 s1, $0x3  }
0x12d: {  	s0 =	simm.s32 $0x80;
	s1 =	sadd.s32 s3, s1  }
0x12e: {  	[tilespmem:s0], [sflag:$0x9] =	stream.linear.gather [hbm4b:s1+s4], $0x40, $0x38;
	[tilespmem:$0x10200] =	vst v63  }
0x12f: {  	_ =	swait.ge [sflag:s19], $0x40  }
0x130: {  	[sflag:s19] =	ssyncset.done $0x0  }
0x131: {  	[sflag:s19] =	ssyncadd.s32 $0xFFFFFFC0  }
0x132: {  	_ =	swait.ge [sflag:s24], $0x4000  }
0x133: {  	[sflag:s24] =	ssyncset.done $0x0  }
0x134: {  	[sflag:s24] =	ssyncadd.s32 $0xFFFFC000  }
0x135: {  	v3 =	vld [tilespmem:$0x80];
	_ =	sdelay $0x4  }
0x136: {  	v4 =	vshll.u32 v3, $0x1  }
0x137: {  	v3 =	vand.u32 $0x7, v3;
	v4 =	vand.u32 $0xFFFFFFF0, v4  }
0x138: {  	v3 =	vor.u32 v3, v4  }
0x139: {  	v4 =	vperm.xlane v3, v0;
	_ =	sdelay $0x1  }
0x13a: {  	v3 =	vperm.xlane v3, v2;
	v4 =	vadd.s32 v1, v4;
	_ =	sdelay $0x1  }
0x13b: {  	v3 =	vadd.s32 v1, v3;
	_ =	sdelay $0x2  }
0x13c: {  	[tilespmem:s30], [sflag:$0x2] =	stream.indirect_vreg.gather [hbm4b:s2+s4], $0x80, v4, vm0, $0xb8;
	[tilespmem:$0x10200] =	vst v63  }
0x13d: {  	s1 =	simm.s32 $0x4A00  }
0x13e: {  	[tilespmem:s1], [sflag:$0x2] =	stream.indirect_vreg.gather [hbm4b:s2+s4], $0x80, v3, vm0, $0xb8;
	[tilespmem:$0x10200] =	vst v63  }
0x13f: {  	v3 =	vld [tilespmem:$0x90];
	_ =	sdelay $0x4  }
0x140: {  	v61 =	vshll.u32 v3, $0x1  }
0x141: {  	v3 =	vand.u32 $0x7, v3;
	v4 =	vand.u32 $0xFFFFFFF0, v61  }
0x142: {  	v3 =	vor.u32 v3, v4  }
0x143: {  	v4 =	vperm.xlane v3, v0;
	_ =	sdelay $0x1  }
0x144: {  	v3 =	vperm.xlane v3, v2;
	v4 =	vadd.s32 v1, v4;
	_ =	sdelay $0x1  }
0x145: {  	v3 =	vadd.s32 v1, v3;
	_ =	sdelay $0x1  }
0x146: {  	s1 =	simm.s32 $0x5200  }
0x147: {  	[tilespmem:s1], [sflag:$0x2] =	stream.indirect_vreg.gather [hbm4b:s2+s4], $0x80, v4, vm0, $0xb8;
	[tilespmem:$0x10200] =	vst v63  }
0x148: {  	s1 =	simm.s32 $0x5A00  }
0x149: {  	[tilespmem:s1], [sflag:$0x2] =	stream.indirect_vreg.gather [hbm4b:s2+s4], $0x80, v3, vm0, $0xb8;
	[tilespmem:$0x10200] =	vst v63  }
0x14a: {  	v3 =	vld [tilespmem:$0xA0];
	_ =	sdelay $0x4  }
0x14b: {  	v62 =	vshll.u32 v3, $0x1  }
0x14c: {  	v3 =	vand.u32 $0x7, v3;
	v4 =	vand.u32 $0xFFFFFFF0, v62  }
0x14d: {  	v3 =	vor.u32 v3, v4  }
0x14e: {  	v4 =	vperm.xlane v3, v0;
	_ =	sdelay $0x1  }
0x14f: {  	v3 =	vperm.xlane v3, v2;
	v4 =	vadd.s32 v1, v4;
	_ =	sdelay $0x1  }
0x150: {  	v3 =	vadd.s32 v1, v3;
	_ =	sdelay $0x1  }
0x151: {  	s1 =	simm.s32 $0x6200  }
0x152: {  	[tilespmem:s1], [sflag:$0x2] =	stream.indirect_vreg.gather [hbm4b:s2+s4], $0x80, v4, vm0, $0xb8;
	[tilespmem:$0x10200] =	vst v63  }
0x153: {  	s1 =	simm.s32 $0x6A00  }
0x154: {  	[tilespmem:s1], [sflag:$0x2] =	stream.indirect_vreg.gather [hbm4b:s2+s4], $0x80, v3, vm0, $0xb8;
	[tilespmem:$0x10200] =	vst v63  }
0x155: {  	v3 =	vld [tilespmem:$0xB0];
	_ =	sdelay $0x4  }
0x156: {  	v63 =	vshll.u32 v3, $0x1  }
0x157: {  	v3 =	vand.u32 $0x7, v3;
	v4 =	vand.u32 $0xFFFFFFF0, v63  }
0x158: {  	v3 =	vor.u32 v3, v4  }
0x159: {  	v4 =	vperm.xlane v3, v0;
	_ =	sdelay $0x1  }
0x15a: {  	v3 =	vperm.xlane v3, v2;
	v4 =	vadd.s32 v1, v4;
	_ =	sdelay $0x1  }
0x15b: {  	v3 =	vadd.s32 v1, v3;
	_ =	sdelay $0x1  }
0x15c: {  	s1 =	simm.s32 $0x7200  }
0x15d: {  	[tilespmem:s1], [sflag:$0x2] =	stream.indirect_vreg.gather [hbm4b:s2+s4], $0x80, v4, vm0, $0xb8;
	[tilespmem:$0x10200] =	vst v63  }
0x15e: {  	s1 =	simm.s32 $0x7A00  }
0x15f: {  	[tilespmem:s1], [sflag:$0x2] =	stream.indirect_vreg.gather [hbm4b:s2+s4], $0x80, v3, vm0, $0xb8;
	[tilespmem:$0x10200] =	vst v63  }
.LBB2_8:
.Ltmp6:
0x160: {  	(pc) =	sbr.rel @!p0 .LBB2_9-.Ltmp6, $4  }
0x161: {  	_ =	swait.ge [sflag:s25], $0x4000;
	s1 =	sadd.s32 s17, s12  }
0x162: {  	[sflag:s25] =	ssyncset.done $0x0;
	s1 =	sshll.u32 s1, $0x5  }
0x163: {  	[sflag:s25] =	ssyncadd.s32 $0xFFFFC000;
	s1 =	sadd.s32 s5, s1  }
0x164: {  	[hbm4b:s1+s4] =	stream.linear.scatter [tilespmem:s6], [sflag:$0x7], $0x4000, $0x38;
	[tilespmem:$0x10200] =	vst v63  }
.Ltmp7:
0x165: {  	(pc) =	sbr.rel .LBB2_11-.Ltmp7, $4  }
0x166: {  	_ = 	snop  }
0x167: {  	_ =	swait.ge [sflag:s26], $0x4000  }
0x168: {  	[sflag:s26] =	ssyncset.done $0x0  }
0x169: {  	[sflag:s26] =	ssyncadd.s32 $0xFFFFC000  }
.LBB2_9:
0x16a: {  	s1 =	rddreg [dreg:$0x8]  }
0x16b: {  	s1 =	sadd.s32 s17, s1  }
0x16c: {  	s1 =	sshrl.u32 s1, $0x3  }
0x16d: {  	s0 =	simm.s32 $0x100;
	s1 =	sadd.s32 s3, s1  }
0x16e: {  	[tilespmem:s0], [sflag:$0x9] =	stream.linear.gather [hbm4b:s1+s4], $0x40, $0x38;
	[tilespmem:$0x10200] =	vst v63  }
0x16f: {  	_ =	swait.ge [sflag:s19], $0x40  }
0x170: {  	[sflag:s19] =	ssyncset.done $0x0  }
0x171: {  	[sflag:s19] =	ssyncadd.s32 $0xFFFFFFC0  }
0x172: {  	_ =	swait.ge [sflag:s26], $0x4000  }
0x173: {  	[sflag:s26] =	ssyncset.done $0x0  }
0x174: {  	[sflag:s26] =	ssyncadd.s32 $0xFFFFC000  }
0x175: {  	v3 =	vld [tilespmem:$0x100];
	_ =	sdelay $0x4  }
0x176: {  	v4 =	vshll.u32 v3, $0x1  }
0x177: {  	v3 =	vand.u32 $0x7, v3;
	v4 =	vand.u32 $0xFFFFFFF0, v4  }
0x178: {  	v3 =	vor.u32 v3, v4  }
0x179: {  	v4 =	vperm.xlane v3, v0;
	_ =	sdelay $0x1  }
0x17a: {  	v3 =	vperm.xlane v3, v2;
	v4 =	vadd.s32 v1, v4;
	_ =	sdelay $0x1  }
0x17b: {  	v3 =	vadd.s32 v1, v3;
	_ =	sdelay $0x2  }
0x17c: {  	[tilespmem:s6], [sflag:$0x3] =	stream.indirect_vreg.gather [hbm4b:s2+s4], $0x80, v4, vm0, $0xb8;
	[tilespmem:$0x10200] =	vst v63  }
0x17d: {  	s1 =	simm.s32 $0x8A00  }
0x17e: {  	[tilespmem:s1], [sflag:$0x3] =	stream.indirect_vreg.gather [hbm4b:s2+s4], $0x80, v3, vm0, $0xb8;
	[tilespmem:$0x10200] =	vst v63  }
0x17f: {  	v3 =	vld [tilespmem:$0x110];
	_ =	sdelay $0x4  }
0x180: {  	v61 =	vshll.u32 v3, $0x1  }
0x181: {  	v3 =	vand.u32 $0x7, v3;
	v4 =	vand.u32 $0xFFFFFFF0, v61  }
0x182: {  	v3 =	vor.u32 v3, v4  }
0x183: {  	v4 =	vperm.xlane v3, v0;
	_ =	sdelay $0x1  }
0x184: {  	v3 =	vperm.xlane v3, v2;
	v4 =	vadd.s32 v1, v4;
	_ =	sdelay $0x1  }
0x185: {  	v3 =	vadd.s32 v1, v3;
	_ =	sdelay $0x1  }
0x186: {  	s1 =	simm.s32 $0x9200  }
0x187: {  	[tilespmem:s1], [sflag:$0x3] =	stream.indirect_vreg.gather [hbm4b:s2+s4], $0x80, v4, vm0, $0xb8;
	[tilespmem:$0x10200] =	vst v63  }
0x188: {  	s1 =	simm.s32 $0x9A00  }
0x189: {  	[tilespmem:s1], [sflag:$0x3] =	stream.indirect_vreg.gather [hbm4b:s2+s4], $0x80, v3, vm0, $0xb8;
	[tilespmem:$0x10200] =	vst v63  }
0x18a: {  	v3 =	vld [tilespmem:$0x120];
	_ =	sdelay $0x4  }
0x18b: {  	v62 =	vshll.u32 v3, $0x1  }
0x18c: {  	v3 =	vand.u32 $0x7, v3;
	v4 =	vand.u32 $0xFFFFFFF0, v62  }
0x18d: {  	v3 =	vor.u32 v3, v4  }
0x18e: {  	v4 =	vperm.xlane v3, v0;
	_ =	sdelay $0x1  }
0x18f: {  	v3 =	vperm.xlane v3, v2;
	v4 =	vadd.s32 v1, v4;
	_ =	sdelay $0x1  }
0x190: {  	v3 =	vadd.s32 v1, v3;
	_ =	sdelay $0x1  }
0x191: {  	s1 =	simm.s32 $0xA200  }
0x192: {  	[tilespmem:s1], [sflag:$0x3] =	stream.indirect_vreg.gather [hbm4b:s2+s4], $0x80, v4, vm0, $0xb8;
	[tilespmem:$0x10200] =	vst v63  }
0x193: {  	s1 =	simm.s32 $0xAA00  }
0x194: {  	[tilespmem:s1], [sflag:$0x3] =	stream.indirect_vreg.gather [hbm4b:s2+s4], $0x80, v3, vm0, $0xb8;
	[tilespmem:$0x10200] =	vst v63  }
0x195: {  	v3 =	vld [tilespmem:$0x130];
	_ =	sdelay $0x4  }
0x196: {  	v63 =	vshll.u32 v3, $0x1  }
0x197: {  	v3 =	vand.u32 $0x7, v3;
	v4 =	vand.u32 $0xFFFFFFF0, v63  }
0x198: {  	v3 =	vor.u32 v3, v4  }
0x199: {  	v4 =	vperm.xlane v3, v0;
	_ =	sdelay $0x1  }
0x19a: {  	v3 =	vperm.xlane v3, v2;
	v4 =	vadd.s32 v1, v4;
	_ =	sdelay $0x1  }
0x19b: {  	v3 =	vadd.s32 v1, v3;
	_ =	sdelay $0x1  }
0x19c: {  	s1 =	simm.s32 $0xB200  }
0x19d: {  	[tilespmem:s1], [sflag:$0x3] =	stream.indirect_vreg.gather [hbm4b:s2+s4], $0x80, v4, vm0, $0xb8;
	[tilespmem:$0x10200] =	vst v63  }
0x19e: {  	s1 =	simm.s32 $0xBA00  }
0x19f: {  	[tilespmem:s1], [sflag:$0x3] =	stream.indirect_vreg.gather [hbm4b:s2+s4], $0x80, v3, vm0, $0xb8;
	[tilespmem:$0x10200] =	vst v63  }
.LBB2_11:
.Ltmp8:
0x1a0: {  	(pc) =	sbr.rel @p0 .LBB2_13-.Ltmp8, $4  }
0x1a1: {  	_ =	swait.ge [sflag:s28], $0x4000;
	s1 =	sadd.s32 s17, s14  }
0x1a2: {  	[sflag:s28] =	ssyncset.done $0x0;
	s1 =	sshll.u32 s1, $0x5  }
0x1a3: {  	[sflag:s28] =	ssyncadd.s32 $0xFFFFC000;
	s1 =	sadd.s32 s5, s1  }
0x1a4: {  	[hbm4b:s1+s4] =	stream.linear.scatter [tilespmem:s31], [sflag:$0x8], $0x4000, $0x38;
	[tilespmem:$0x10200] =	vst v63  }
0x1a5: {  	s1 =	sadd.s32 s17, s15  }
0x1a6: {  	s1 =	sshrl.u32 s1, $0x3  }
0x1a7: {  	s0 =	simm.s32 $0x180;
	s1 =	sadd.s32 s3, s1  }
0x1a8: {  	[tilespmem:s0], [sflag:$0x9] =	stream.linear.gather [hbm4b:s1+s4], $0x40, $0x38;
	[tilespmem:$0x10200] =	vst v63  }
0x1a9: {  	_ =	swait.ge [sflag:s19], $0x40  }
0x1aa: {  	[sflag:s19] =	ssyncset.done $0x0  }
0x1ab: {  	[sflag:s19] =	ssyncadd.s32 $0xFFFFFFC0  }
0x1ac: {  	_ =	swait.ge [sflag:s11], $0x4000  }
0x1ad: {  	[sflag:s11] =	ssyncset.done $0x0  }
0x1ae: {  	[sflag:s11] =	ssyncadd.s32 $0xFFFFC000  }
0x1af: {  	v3 =	vld [tilespmem:$0x180];
	_ =	sdelay $0x4  }
0x1b0: {  	v4 =	vshll.u32 v3, $0x1  }
0x1b1: {  	v3 =	vand.u32 $0x7, v3;
	v4 =	vand.u32 $0xFFFFFFF0, v4  }
0x1b2: {  	v3 =	vor.u32 v3, v4  }
0x1b3: {  	v4 =	vperm.xlane v3, v0;
	_ =	sdelay $0x1  }
0x1b4: {  	v3 =	vperm.xlane v3, v2;
	v4 =	vadd.s32 v1, v4;
	_ =	sdelay $0x1  }
0x1b5: {  	v3 =	vadd.s32 v1, v3;
	_ =	sdelay $0x2  }
0x1b6: {  	[tilespmem:s31], [sflag:$0x4] =	stream.indirect_vreg.gather [hbm4b:s2+s4], $0x80, v4, vm0, $0xb8;
	[tilespmem:$0x10200] =	vst v63  }
0x1b7: {  	s1 =	simm.s32 $0xCA00  }
0x1b8: {  	[tilespmem:s1], [sflag:$0x4] =	stream.indirect_vreg.gather [hbm4b:s2+s4], $0x80, v3, vm0, $0xb8;
	[tilespmem:$0x10200] =	vst v63  }
0x1b9: {  	v3 =	vld [tilespmem:$0x190];
	_ =	sdelay $0x4  }
0x1ba: {  	v61 =	vshll.u32 v3, $0x1  }
0x1bb: {  	v3 =	vand.u32 $0x7, v3;
	v4 =	vand.u32 $0xFFFFFFF0, v61  }
0x1bc: {  	v3 =	vor.u32 v3, v4  }
0x1bd: {  	v4 =	vperm.xlane v3, v0;
	_ =	sdelay $0x1  }
0x1be: {  	v3 =	vperm.xlane v3, v2;
	v4 =	vadd.s32 v1, v4;
	_ =	sdelay $0x1  }
0x1bf: {  	v3 =	vadd.s32 v1, v3;
	_ =	sdelay $0x1  }
0x1c0: {  	s17 =	simm.s32 $0xD200  }
0x1c1: {  	[tilespmem:s17], [sflag:$0x4] =	stream.indirect_vreg.gather [hbm4b:s2+s4], $0x80, v4, vm0, $0xb8;
	[tilespmem:$0x10200] =	vst v63  }
0x1c2: {  	_ = 	snop  }
0x1c3: {  	[tilespmem:s7], [sflag:$0x4] =	stream.indirect_vreg.gather [hbm4b:s2+s4], $0x80, v3, vm0, $0xb8;
	[tilespmem:$0x10200] =	vst v63  }
0x1c4: {  	v3 =	vld [tilespmem:$0x1A0];
	_ =	sdelay $0x4  }
0x1c5: {  	v62 =	vshll.u32 v3, $0x1  }
0x1c6: {  	v3 =	vand.u32 $0x7, v3;
	v4 =	vand.u32 $0xFFFFFFF0, v62  }
0x1c7: {  	v3 =	vor.u32 v3, v4  }
0x1c8: {  	v4 =	vperm.xlane v3, v0;
	_ =	sdelay $0x1  }
0x1c9: {  	v3 =	vperm.xlane v3, v2;
	v4 =	vadd.s32 v1, v4;
	_ =	sdelay $0x1  }
0x1ca: {  	v3 =	vadd.s32 v1, v3;
	_ =	sdelay $0x2  }
0x1cb: {  	[tilespmem:s8], [sflag:$0x4] =	stream.indirect_vreg.gather [hbm4b:s2+s4], $0x80, v4, vm0, $0xb8;
	[tilespmem:$0x10200] =	vst v63  }
0x1cc: {  	_ = 	snop  }
0x1cd: {  	[tilespmem:s9], [sflag:$0x4] =	stream.indirect_vreg.gather [hbm4b:s2+s4], $0x80, v3, vm0, $0xb8;
	[tilespmem:$0x10200] =	vst v63  }
0x1ce: {  	v3 =	vld [tilespmem:$0x1B0];
	_ =	sdelay $0x4  }
0x1cf: {  	v63 =	vshll.u32 v3, $0x1  }
0x1d0: {  	v3 =	vand.u32 $0x7, v3;
	v4 =	vand.u32 $0xFFFFFFF0, v63  }
0x1d1: {  	v3 =	vor.u32 v3, v4  }
0x1d2: {  	v4 =	vperm.xlane v3, v0;
	_ =	sdelay $0x1  }
0x1d3: {  	v3 =	vperm.xlane v3, v2;
	v4 =	vadd.s32 v1, v4;
	_ =	sdelay $0x1  }
0x1d4: {  	v3 =	vadd.s32 v1, v3  }
.Ltmp9:
0x1d5: {  	_ = 	snop;
	(pc) =	sbr.rel .LBB2_2-.Ltmp9, $4  }
0x1d6: {  	_ = 	snop  }
0x1d7: {  	[tilespmem:s16], [sflag:$0x4] =	stream.indirect_vreg.gather [hbm4b:s2+s4], $0x80, v4, vm0, $0xb8;
	[tilespmem:$0x10200] =	vst v63  }
0x1d8: {  	s29 =	sadd.s32 $0x100, s29;
	s13 =	sadd.s32 $0x2000, s13  }
0x1d9: {  	[tilespmem:s18], [sflag:$0x4] =	stream.indirect_vreg.gather [hbm4b:s2+s4], $0x80, v3, vm0, $0xb8;
	[tilespmem:$0x10200] =	vst v63  }
.LBB2_14:
0x1da: {  	_ =	sfence.sel $0x180000  }
0x1db: {  	[bflag:$0x0] =	sbarrier.arrive $0xFFFF  }
0x1dc: {  	_ =	strace $0x9000004D  }
0x1dd: {  	s0 =	stileid.u32;
	[bflag:$0x2] =	sbarrier.arrive $0xFFFF  }
0x1de: {  	p0 =	sne.s32 s0, $0x0;
	s0 =	rddreg [dreg:$0x2]  }
0x1df: {  	s0 =	sadd.s32 @!p0 $0x100000, s0  }
0x1e0: {  	[sflag:s0] =	ssyncadd.tile.s32 @!p0 $0x1;
	_ =	shalt  }
.Lfunc_end2:
_tile_overlayer_lowered:
.L_overlay_start_2:
0x1e1: {  	(tag) =	ssettag $0x2  }
0x1e2: {  	s0 =	rddreg [dreg:$0x0];
	s2 =	stileid.u32  }
0x1e3: {  	s1 =	rddreg [dreg:$0x1];
	p0 =	sne.s32 s2, $0x0  }
0x1e4: {  	s3 =	rddreg [dreg:$0x2];
	[bflag:$0x3] =	sbarrier.arrive $0xFFFF;
	s2 =	simm.s32 @!p0 $0x1C09  }
0x1e5: {  	[timem:s3], [sflag:s2] =	dma.local @!p0 [hbm:s0], s1  }
0x1e6: {  	s0 =	simm.s32 @!p0 $0x9  }
0x1e7: {  	_ =	swait.ge @!p0 [sflag:s0], s1  }
0x1e8: {  	s1 =	ssub.s32 @!p0 $0x0, s1;
	[sflag:s0] =	ssyncset.done @!p0 $0x0  }
0x1e9: {  	[sflag:s0] =	ssyncadd.s32 @!p0 s1  }
0x1ea: {  	[bflag:$0x3] =	sbarrier.arrive $0xFFFF  }
0x1eb: {  	_ =	shalt  }

</sc_bundles>
